<compile_context>
chip_gen: v7x
topology: tpu7x:2x2x1
jax: 0.10.2.dev20260603
libtpu: 0.0.44.dev20260713+nightly
codegen_flags: <defaults>
</compile_context>

<pallas_src>
import functools

import jax
import jax.numpy as jnp
from jax import lax
from jax.experimental import pallas as pl
from jax.experimental.pallas import tpu as pltpu
from jax.experimental.pallas import tpu_sc as plsc

CLS = 80
NQ = 1000
K = 300
N = NQ * CLS
NV = N // 16
NB = 1024
NBC = NB // 16
CAP = 8192
PAD = 320
BATCH = 64


def _scalar(x):
    return x[0] if getattr(x, "ndim", 0) else x


def _sc_body(scores_hbm, boxes_hbm, sizes_hbm, out_s_hbm, out_l_hbm, out_b_hbm,
             sc_v, bx_v, sz_v, tot_v, tq_v, cu_v, ci_v, fu_v, fi_v,
             uu_v, oi_v, ou_s, ol_v, ob_v):
    lane = lax.iota(jnp.int32, 16)
    ones = jnp.ones((16,), jnp.int32)
    zz = jnp.zeros((16,), jnp.int32)
    big = jnp.int32(1 << 30)
    wid = lax.axis_index("s") * 2 + lax.axis_index("c")
    pltpu.sync_copy(sizes_hbm, sz_v)

    def _zero_hist():
        def zb(i, _):
            tot_v[pl.ds(i * 16, 16)] = zz
            return 0
        lax.fori_loop(0, NBC, zb, 0)

    def _boundary(tgt):
        def chunk(jj, carry):
            fb, fna, cum = carry
            jc = NBC - 1 - jj
            rs = tot_v[pl.ds(jc * 16, 16)]
            cs = plsc.cumsum(lax.rev(rs, (0,)))
            cond = (cum + cs) >= tgt
            t = _scalar(plsc.all_reduce_ffs(cond))
            hit = (t < 16) & (fb < 0)
            na_extra = jnp.sum(jnp.where(lane == t - 1, cs, 0))
            b_new = jc * 16 + 15 - t
            fb = jnp.where(hit, b_new, fb)
            fna = jnp.where(hit, cum + na_extra, fna)
            cum = cum + cs[15]
            return fb, fna, cum
        fb, fna, _ = lax.fori_loop(
            0, NBC, chunk, (jnp.int32(-1), jnp.int32(0), jnp.int32(0)))
        return fb, fna

    def per_image(ii, _):
        b = wid * 2 + ii
        pltpu.sync_copy(scores_hbm.at[b], sc_v)
        pltpu.sync_copy(boxes_hbm.at[b], bx_v)

        def load_full(i):
            u = jnp.maximum(sc_v[pl.ds(i * 16, 16)], 1)
            return u, i * 16 + lane, None

        def and_valid(cond, valid):
            return cond if valid is None else (cond & valid)

        lsub = (lane & 3) << 10

        def zq(i, _):
            tq_v[pl.ds(i * 16, 16)] = zz
            return 0
        lax.fori_loop(0, 4 * NBC, zq, 0)

        def h1(i, _):
            for t in range(4):
                u, _idx, _val = load_full(i * 4 + t)
                d = u >> 20
                plsc.addupdate_scatter(tq_v, [lsub | d], ones, mask=lane < 16)
            return 0
        lax.fori_loop(0, NV // 4, h1, 0)

        def fold(i, _):
            s = (tq_v[pl.ds(i * 16, 16)] + tq_v[pl.ds(NB + i * 16, 16)]
                 + tq_v[pl.ds(2 * NB + i * 16, 16)]
                 + tq_v[pl.ds(3 * NB + i * 16, 16)])
            tot_v[pl.ds(i * 16, 16)] = s
            return 0
        lax.fori_loop(0, NBC, fold, 0)
        b1, n_hi1 = _boundary(jnp.int32(K))
        row = tot_v[pl.ds((b1 // 16) * 16, 16)]
        cnt_b1 = jnp.sum(jnp.where(lane == (b1 % 16), row, 0))
        nc = n_hi1 + cnt_b1

        def refine(load_fn, nloops):
            _zero_hist()

            def h2(i, _):
                u, _idx, valid = load_fn(i)
                m = and_valid((u >> 20) == b1, valid)
                d = (u >> 10) & 0x3FF
                plsc.addupdate_scatter(tot_v, [d], ones, mask=m)
                return 0
            lax.fori_loop(0, nloops, h2, 0)
            b2, n_hi2 = _boundary(K - n_hi1)
            pre2 = (b1 << 10) | b2
            _zero_hist()

            def h3(i, _):
                u, _idx, valid = load_fn(i)
                m = and_valid((u >> 10) == pre2, valid)
                d = u & 0x3FF
                plsc.addupdate_scatter(tot_v, [d], ones, mask=m)
                return 0
            lax.fori_loop(0, nloops, h3, 0)
            b3, n_hi3 = _boundary(K - n_hi1 - n_hi2)
            thr = (pre2 << 10) | b3
            n_strict = n_hi1 + n_hi2 + n_hi3
            m_eq = K - n_strict

            def cps(i, off):
                u, idx, valid = load_fn(i)
                m = and_valid(u > thr, valid)
                plsc.store_compressed(fu_v.at[pl.ds(off, 16)], u, mask=m)
                plsc.store_compressed(fi_v.at[pl.ds(off, 16)], idx, mask=m)
                return off + _scalar(plsc.all_reduce_population_count(m))
            lax.fori_loop(0, nloops, cps, jnp.int32(0))

            def cpe(i, off):
                u, idx, valid = load_fn(i)
                m = and_valid(u == thr, valid)
                dst = n_strict + jnp.minimum(off, m_eq)
                plsc.store_compressed(fu_v.at[pl.ds(dst, 16)], u, mask=m)
                plsc.store_compressed(fi_v.at[pl.ds(dst, 16)], idx, mask=m)
                return off + _scalar(plsc.all_reduce_population_count(m))
            lax.fori_loop(0, nloops, cpe, jnp.int32(0))
            fu_v[pl.ds(K, 16)] = zz

        @pl.when(nc <= CAP)
        def _():
            def cp(i, off):
                for t in range(4):
                    u, idx, _val = load_full(i * 4 + t)
                    m = (u >> 20) >= b1
                    plsc.store_compressed(cu_v.at[pl.ds(off, 16)], u, mask=m)
                    plsc.store_compressed(ci_v.at[pl.ds(off, 16)], idx, mask=m)
                    off = off + _scalar(plsc.all_reduce_population_count(m))
                return off
            lax.fori_loop(0, NV // 4, cp, jnp.int32(0))

            def load_c(i):
                u = cu_v[pl.ds(i * 16, 16)]
                idx = ci_v[pl.ds(i * 16, 16)]
                return u, idx, (i * 16 + lane) < nc
            refine(load_c, (nc + 15) >> 4)

        @pl.when(nc > CAP)
        def _():
            refine(load_full, NV)

        def ext(e, ws):
            nodes = [(ws[j], j * 16 + lane) for j in range(19)]
            while len(nodes) > 1:
                nxt = []
                for t in range(0, len(nodes) - 1, 2):
                    (ma, pa), (mb, pb) = nodes[t], nodes[t + 1]
                    ge = ma >= mb
                    nxt.append((jnp.where(ge, ma, mb), jnp.where(ge, pa, pb)))
                if len(nodes) % 2:
                    nxt.append(nodes[-1])
                nodes = nxt
            m_run, p_run = nodes[0]
            m = jnp.max(m_run)
            pv = jnp.where(m_run == m, p_run, big)
            p = jnp.min(pv)
            fidxv = plsc.load_gather(fi_v, [zz + p])
            plsc.store_scatter(uu_v, [zz + e], zz + m, mask=lane == 0)
            plsc.store_scatter(oi_v, [zz + e], fidxv, mask=lane == 0)
            return tuple(
                jnp.where(j * 16 + lane == p, 0, ws[j]) for j in range(19))
        uu_v[pl.ds(K, 16)] = zz
        uu_v[pl.ds(PAD - 16, 16)] = zz
        oi_v[pl.ds(K, 16)] = zz
        oi_v[pl.ds(PAD - 16, 16)] = zz
        ws0 = tuple(fu_v[pl.ds(j * 16, 16)] for j in range(19))
        lax.fori_loop(0, K, ext, ws0)

        wv = plsc.load_gather(sz_v, [zz + b * 16])
        hv = plsc.load_gather(sz_v, [zz + b * 16 + 1])

        def post(j, _):
            ou_s[pl.ds(j * 16, 16)] = uu_v[pl.ds(j * 16, 16)]
            fidx = oi_v[pl.ds(j * 16, 16)]
            ol_v[pl.ds(j * 16, 16)] = fidx % CLS
            q4 = (fidx // CLS) * 4
            cx = plsc.load_gather(bx_v, [q4])
            cy = plsc.load_gather(bx_v, [q4 + 1])
            ww = plsc.load_gather(bx_v, [q4 + 2])
            hh = plsc.load_gather(bx_v, [q4 + 3])
            pos = (j * 16 + lane) * 4
            plsc.store_scatter(ob_v, [pos], (cx - 0.5 * ww) * wv)
            plsc.store_scatter(ob_v, [pos + 1], (cy - 0.5 * hh) * hv)
            plsc.store_scatter(ob_v, [pos + 2], (cx + 0.5 * ww) * wv)
            plsc.store_scatter(ob_v, [pos + 3], (cy + 0.5 * hh) * hv)
            return 0
        lax.fori_loop(0, PAD // 16, post, 0)

        pltpu.sync_copy(ou_s, out_s_hbm.at[b])
        pltpu.sync_copy(ol_v, out_l_hbm.at[b])
        pltpu.sync_copy(ob_v, out_b_hbm.at[b])
        return 0

    lax.fori_loop(0, 2, per_image, 0)


@functools.cache
def _make_sc_call():
    return pl.kernel(
        _sc_body,
        out_type=(
            jax.ShapeDtypeStruct((BATCH, PAD), jnp.int32),
            jax.ShapeDtypeStruct((BATCH, PAD), jnp.int32),
            jax.ShapeDtypeStruct((BATCH, PAD * 4), jnp.float32),
        ),
        mesh=plsc.VectorSubcoreMesh(core_axis_name="c", subcore_axis_name="s"),
        compiler_params=pltpu.CompilerParams(
            use_tc_tiling_on_sc=False, needs_layout_passes=False),
        scratch_types=[
            pltpu.VMEM((N,), jnp.int32),
            pltpu.VMEM((4 * NQ,), jnp.float32),
            pltpu.VMEM((BATCH * 16,), jnp.float32),
            pltpu.VMEM((NB,), jnp.int32),
            pltpu.VMEM((4 * NB,), jnp.int32),
            pltpu.VMEM((CAP + 16,), jnp.int32),
            pltpu.VMEM((CAP + 16,), jnp.int32),
            pltpu.VMEM((PAD,), jnp.int32),
            pltpu.VMEM((PAD,), jnp.int32),
            pltpu.VMEM((PAD,), jnp.int32),
            pltpu.VMEM((PAD,), jnp.int32),
            pltpu.VMEM((PAD,), jnp.int32),
            pltpu.VMEM((PAD,), jnp.int32),
            pltpu.VMEM((PAD * 4,), jnp.float32),
        ],
    )


def kernel(pred_logits, pred_boxes, orig_target_sizes):
    batch, nq, cls = pred_logits.shape
    assert (batch, nq, cls) == (BATCH, NQ, CLS)
    scores = jax.nn.sigmoid(pred_logits).reshape(batch, nq * cls)
    score_bits = lax.bitcast_convert_type(scores, jnp.int32)
    boxes_2d = pred_boxes.reshape(batch, nq * 4)
    wh = orig_target_sizes.astype(jnp.float32)
    sizes16 = jnp.tile(wh, (1, 8)).reshape(batch * 16)
    o_s, o_l, o_b = _make_sc_call()(score_bits, boxes_2d, sizes16)
    scores_out = lax.bitcast_convert_type(o_s, jnp.float32)[:, :K]
    labels_out = o_l[:, :K]
    boxes_out = o_b.reshape(batch, PAD, 4)[:, :K, :]
    return scores_out, labels_out, boxes_out

# --- scband reference (transcript-rebuilt; emitter-appended) ---
"""Pipeline reference for scband-rtdetrpost-processor-67422396612675 (READ-ONLY COPY).

The authoritative reference and input builder live on the scoring server;
editing this copy changes nothing except your own understanding.
"""

import jax, jax.numpy as jnp
import numpy as np

NUM_CLASSES = 80
NUM_TOP_QUERIES = 300


def setup_inputs(seed: int = 0) -> dict:
    key = jax.random.key(seed)
    k1, k2, k3 = jax.random.split(key, 3)
    pred_logits = jax.random.normal(k1, (64, 1000, NUM_CLASSES), dtype=jnp.float32)
    pred_boxes = jax.random.uniform(k2, (64, 1000, 4), dtype=jnp.float32)
    orig_target_sizes = jax.random.randint(k3, (64, 2), 480, 1333, dtype=jnp.int32)
    return {
        'pred_logits': pred_logits,
        'pred_boxes': pred_boxes,
        'orig_target_sizes': orig_target_sizes,
    }


def reference(pred_logits, pred_boxes, orig_target_sizes):
    B, Q, C = pred_logits.shape
    # scale_fct = [w, h, w, h] per image
    wh = orig_target_sizes.astype(jnp.float32)[:, None, :]  # [B, 1, 2]
    scale_fct = jnp.concatenate([wh, wh], axis=2)            # [B, 1, 4]
    # box_convert cxcywh -> xyxy
    cx = pred_boxes[..., 0]
    cy = pred_boxes[..., 1]
    w = pred_boxes[..., 2]
    h = pred_boxes[..., 3]
    boxes_xyxy = jnp.stack(
        [cx - 0.5 * w, cy - 0.5 * h, cx + 0.5 * w, cy + 0.5 * h], axis=-1
    ) * scale_fct
    # use_focal_loss=True, num_classes != 1 branch
    scores_all = jax.nn.sigmoid(pred_logits)
    scores_flat = scores_all.reshape(B, Q * C)
    k = min(NUM_TOP_QUERIES, Q * C)
    scores, index_flat = jax.lax.top_k(scores_flat, k)
    labels = index_flat % C
    query_indices = index_flat // C
    query_indices = jnp.clip(query_indices, 0, Q - 1)
    gather_idx = jnp.broadcast_to(query_indices[:, :, None], (B, k, 4))
    top_boxes = jnp.take_along_axis(boxes_xyxy, gather_idx, axis=1)
    # deploy-mode style tuple output (scores, labels, boxes)
    return scores, labels, top_boxes

if __name__ == "__main__":
    import jax
    _d = setup_inputs()
    print(jax.jit(kernel)(*tuple(_d.values())))

</pallas_src>

<mosaic_0001>
#map = affine_map<(d0, d1) -> (0, 0)>
#map1 = affine_map<(d0, d1) -> (0)>
module attributes {stable_mosaic.version = 14 : i64} {
  func.func @_sc_body(%arg0: i32, %arg1: i32, %arg2: memref<64x80000xi32, #tpu.memory_space<hbm>>, %arg3: memref<64x4000xf32, #tpu.memory_space<hbm>>, %arg4: memref<1024xf32, #tpu.memory_space<hbm>>, %arg5: memref<64x320xi32, #tpu.memory_space<hbm>>, %arg6: memref<64x320xi32, #tpu.memory_space<hbm>>, %arg7: memref<64x1280xf32, #tpu.memory_space<hbm>>, %arg8: memref<80000xi32, #tpu.memory_space<vmem>>, %arg9: memref<4000xf32, #tpu.memory_space<vmem>>, %arg10: memref<1024xf32, #tpu.memory_space<vmem>>, %arg11: memref<1024xi32, #tpu.memory_space<vmem>>, %arg12: memref<4096xi32, #tpu.memory_space<vmem>>, %arg13: memref<8208xi32, #tpu.memory_space<vmem>>, %arg14: memref<8208xi32, #tpu.memory_space<vmem>>, %arg15: memref<320xi32, #tpu.memory_space<vmem>>, %arg16: memref<320xi32, #tpu.memory_space<vmem>>, %arg17: memref<320xi32, #tpu.memory_space<vmem>>, %arg18: memref<320xi32, #tpu.memory_space<vmem>>, %arg19: memref<320xi32, #tpu.memory_space<vmem>>, %arg20: memref<320xi32, #tpu.memory_space<vmem>>, %arg21: memref<1280xf32, #tpu.memory_space<vmem>>) attributes {dimension_semantics = [#tpu.dimension_semantics<core_parallel>, #tpu.dimension_semantics<subcore_parallel>], iteration_bounds = array<i64: 2, 16>, scalar_prefetch = 0 : i64, scratch_operands = 14 : i64, tpu.core_type = #tpu.core_type<sc_vector_subcore>, window_params = [{transform_indices = #map}, {transform_indices = #map}, {transform_indices = #map1}, {transform_indices = #map}, {transform_indices = #map}, {transform_indices = #map}]} {
    %iota3A = tpu.iota {dimensions = array<i32: 0>} : vector<16xi32>
    %broadcast_in_dim3A = arith.constant 1 : i32
    %broadcast_in_dim3A_0 = vector.broadcast %broadcast_in_dim3A : i32 to vector<16xi32>
    %broadcast_in_dim3A_1 = arith.constant 0 : i32
    %broadcast_in_dim3A_2 = vector.broadcast %broadcast_in_dim3A_1 : i32 to vector<16xi32>
    %mul3A = arith.constant 2 : i32
    %mul3A_3 = arith.muli %arg1, %mul3A : i32
    %add3A = arith.addi %mul3A_3, %arg0 : i32
    "tpu.region"() ({
      %run_scoped3A = tpu.sem_alloc : memref<!tpu.dma_semaphore, #tpu.memory_space<semaphore_mem>>
      tpu.enqueue_dma source(%arg4 : memref<1024xf32, #tpu.memory_space<hbm>>) target(%arg10 : memref<1024xf32, #tpu.memory_space<vmem>>) target_semaphore(%run_scoped3A : memref<!tpu.dma_semaphore, #tpu.memory_space<semaphore_mem>>)
      tpu.wait_dma2 semaphore(%run_scoped3A : memref<!tpu.dma_semaphore, #tpu.memory_space<semaphore_mem>>) src(%arg4 : memref<1024xf32, #tpu.memory_space<hbm>>) dst(%arg10 : memref<1024xf32, #tpu.memory_space<vmem>>)
      tpu.yield
    }) : () -> ()
    %scan3A = arith.constant 1073741824 : i32
    %scan3A_4 = arith.constant 0 : i32
    %scan3A_5 = arith.constant 0 : i32
    %scan3A_6 = arith.constant 2 : i32
    %scan3A_7 = arith.addi %scan3A_5, %scan3A_6 : i32
    %scan3A_8 = arith.constant 1 : i32
    %scan3A_9 = scf.for %scan3A_11 = %scan3A_5 to %scan3A_7 step %scan3A_8 iter_args(%scan3A_12 = %scan3A_4) -> (i32)  : i32 {
      %mul3A_13 = arith.constant 2 : i32
      %mul3A_14 = arith.muli %add3A, %mul3A_13 : i32
      %add3A_15 = arith.addi %mul3A_14, %scan3A_11 : i32
      "tpu.region"() ({
        %run_scoped3A = tpu.sem_alloc : memref<!tpu.dma_semaphore, #tpu.memory_space<semaphore_mem>>
        %dma_start3A = arith.constant 0 : i32
        %dma_start3A_171 = tpu.memref_slice %arg2[%add3A_15, %dma_start3A] : memref<64x80000xi32, #tpu.memory_space<hbm>> -> memref<1x80000xi32, #tpu.memory_space<hbm>>
        %dma_start3A_172 = tpu.memref_squeeze %dma_start3A_171 : memref<1x80000xi32, #tpu.memory_space<hbm>> -> memref<80000xi32, #tpu.memory_space<hbm>>
        %dma_start3A_173 = arith.constant 0 : i32
        %dma_start3A_174 = tpu.memref_slice %arg2[%add3A_15, %dma_start3A_173] : memref<64x80000xi32, #tpu.memory_space<hbm>> -> memref<1x80000xi32, #tpu.memory_space<hbm>>
        %dma_start3A_175 = tpu.memref_squeeze %dma_start3A_174 : memref<1x80000xi32, #tpu.memory_space<hbm>> -> memref<80000xi32, #tpu.memory_space<hbm>>
        tpu.enqueue_dma source(%dma_start3A_175 : memref<80000xi32, #tpu.memory_space<hbm>>) target(%arg8 : memref<80000xi32, #tpu.memory_space<vmem>>) target_semaphore(%run_scoped3A : memref<!tpu.dma_semaphore, #tpu.memory_space<semaphore_mem>>)
        %dma_wait3A = arith.constant 0 : i32
        %dma_wait3A_176 = tpu.memref_slice %arg2[%add3A_15, %dma_wait3A] : memref<64x80000xi32, #tpu.memory_space<hbm>> -> memref<1x80000xi32, #tpu.memory_space<hbm>>
        %dma_wait3A_177 = tpu.memref_squeeze %dma_wait3A_176 : memref<1x80000xi32, #tpu.memory_space<hbm>> -> memref<80000xi32, #tpu.memory_space<hbm>>
        %dma_wait3A_178 = arith.constant 0 : i32
        %dma_wait3A_179 = tpu.memref_slice %arg2[%add3A_15, %dma_wait3A_178] : memref<64x80000xi32, #tpu.memory_space<hbm>> -> memref<1x80000xi32, #tpu.memory_space<hbm>>
        %dma_wait3A_180 = tpu.memref_squeeze %dma_wait3A_179 : memref<1x80000xi32, #tpu.memory_space<hbm>> -> memref<80000xi32, #tpu.memory_space<hbm>>
        tpu.wait_dma2 semaphore(%run_scoped3A : memref<!tpu.dma_semaphore, #tpu.memory_space<semaphore_mem>>) src(%dma_wait3A_180 : memref<80000xi32, #tpu.memory_space<hbm>>) dst(%arg8 : memref<80000xi32, #tpu.memory_space<vmem>>)
        tpu.yield
      }) : () -> ()
      "tpu.region"() ({
        %run_scoped3A = tpu.sem_alloc : memref<!tpu.dma_semaphore, #tpu.memory_space<semaphore_mem>>
        %dma_start3A = arith.constant 0 : i32
        %dma_start3A_171 = tpu.memref_slice %arg3[%add3A_15, %dma_start3A] : memref<64x4000xf32, #tpu.memory_space<hbm>> -> memref<1x4000xf32, #tpu.memory_space<hbm>>
        %dma_start3A_172 = tpu.memref_squeeze %dma_start3A_171 : memref<1x4000xf32, #tpu.memory_space<hbm>> -> memref<4000xf32, #tpu.memory_space<hbm>>
        %dma_start3A_173 = arith.constant 0 : i32
        %dma_start3A_174 = tpu.memref_slice %arg3[%add3A_15, %dma_start3A_173] : memref<64x4000xf32, #tpu.memory_space<hbm>> -> memref<1x4000xf32, #tpu.memory_space<hbm>>
        %dma_start3A_175 = tpu.memref_squeeze %dma_start3A_174 : memref<1x4000xf32, #tpu.memory_space<hbm>> -> memref<4000xf32, #tpu.memory_space<hbm>>
        tpu.enqueue_dma source(%dma_start3A_175 : memref<4000xf32, #tpu.memory_space<hbm>>) target(%arg9 : memref<4000xf32, #tpu.memory_space<vmem>>) target_semaphore(%run_scoped3A : memref<!tpu.dma_semaphore, #tpu.memory_space<semaphore_mem>>)
        %dma_wait3A = arith.constant 0 : i32
        %dma_wait3A_176 = tpu.memref_slice %arg3[%add3A_15, %dma_wait3A] : memref<64x4000xf32, #tpu.memory_space<hbm>> -> memref<1x4000xf32, #tpu.memory_space<hbm>>
        %dma_wait3A_177 = tpu.memref_squeeze %dma_wait3A_176 : memref<1x4000xf32, #tpu.memory_space<hbm>> -> memref<4000xf32, #tpu.memory_space<hbm>>
        %dma_wait3A_178 = arith.constant 0 : i32
        %dma_wait3A_179 = tpu.memref_slice %arg3[%add3A_15, %dma_wait3A_178] : memref<64x4000xf32, #tpu.memory_space<hbm>> -> memref<1x4000xf32, #tpu.memory_space<hbm>>
        %dma_wait3A_180 = tpu.memref_squeeze %dma_wait3A_179 : memref<1x4000xf32, #tpu.memory_space<hbm>> -> memref<4000xf32, #tpu.memory_space<hbm>>
        tpu.wait_dma2 semaphore(%run_scoped3A : memref<!tpu.dma_semaphore, #tpu.memory_space<semaphore_mem>>) src(%dma_wait3A_180 : memref<4000xf32, #tpu.memory_space<hbm>>) dst(%arg9 : memref<4000xf32, #tpu.memory_space<vmem>>)
        tpu.yield
      }) : () -> ()
      %and3A = arith.constant 3 : i32
      %and3A_16 = vector.broadcast %and3A : i32 to vector<16xi32>
      %and3A_17 = arith.andi %iota3A, %and3A_16 : vector<16xi32>
      %shift_left3A = arith.constant 10 : i32
      %shift_left3A_18 = vector.broadcast %shift_left3A : i32 to vector<16xi32>
      %shift_left3A_19 = arith.shli %and3A_17, %shift_left3A_18 : vector<16xi32>
      %scan3A_20 = arith.constant 0 : i32
      %scan3A_21 = arith.constant 0 : i32
      %scan3A_22 = arith.constant 256 : i32
      %scan3A_23 = arith.addi %scan3A_21, %scan3A_22 : i32
      %scan3A_24 = arith.constant 1 : i32
      %scan3A_25 = scf.for %scan3A_171 = %scan3A_21 to %scan3A_23 step %scan3A_24 iter_args(%scan3A_172 = %scan3A_20) -> (i32)  : i32 {
        %mul3A_173 = arith.constant 16 : i32
        %mul3A_174 = arith.muli %scan3A_171, %mul3A_173 : i32
        %swap3A_175 = arith.index_cast %mul3A_174 : i32 to index
        %swap3A_176 = tpu.vector_load %arg12[%swap3A_175] {strides = array<i32>} : memref<4096xi32, #tpu.memory_space<vmem>>, vector<16xi32>,
        tpu.vector_store %arg12[%swap3A_175], %broadcast_in_dim3A_2 {strides = array<i32>} : memref<4096xi32, #tpu.memory_space<vmem>>, vector<16xi32>,
        %scan3A_177 = arith.constant 0 : i32
        scf.yield %scan3A_177 : i32
      }
      %scan3A_26 = arith.constant 256 : i32
      %scan3A_27 = arith.constant 0 : i32
      %scan3A_28 = arith.constant 0 : i32
      %scan3A_29 = arith.constant 1250 : i32
      %scan3A_30 = arith.addi %scan3A_28, %scan3A_29 : i32
      %scan3A_31 = arith.constant 1 : i32
      %scan3A_32 = scf.for %scan3A_171 = %scan3A_28 to %scan3A_30 step %scan3A_31 iter_args(%scan3A_172 = %scan3A_27) -> (i32)  : i32 {
        %mul3A_173 = arith.constant 4 : i32
        %mul3A_174 = arith.muli %scan3A_171, %mul3A_173 : i32
        %add3A_175 = arith.constant 0 : i32
        %add3A_176 = arith.addi %mul3A_174, %add3A_175 : i32
        %mul3A_177 = arith.constant 16 : i32
        %mul3A_178 = arith.muli %add3A_176, %mul3A_177 : i32
        %get3A_179 = arith.index_cast %mul3A_178 : i32 to index
        %get3A_180 = tpu.vector_load %arg8[%get3A_179] {strides = array<i32>} : memref<80000xi32, #tpu.memory_space<vmem>>, vector<16xi32>,
        %max3A = arith.constant 1 : i32
        %max3A_181 = vector.broadcast %max3A : i32 to vector<16xi32>
        %max3A_182 = arith.maxsi %get3A_180, %max3A_181 : vector<16xi32>
        %mul3A_183 = arith.constant 16 : i32
        %mul3A_184 = arith.muli %add3A_176, %mul3A_183 : i32
        %add3A_185 = vector.broadcast %mul3A_184 : i32 to vector<16xi32>
        %add3A_186 = arith.addi %add3A_185, %iota3A : vector<16xi32>
        %shift_right_arithmetic3A = arith.constant 20 : i32
        %shift_right_arithmetic3A_187 = vector.broadcast %shift_right_arithmetic3A : i32 to vector<16xi32>
        %shift_right_arithmetic3A_188 = arith.shrsi %max3A_182, %shift_right_arithmetic3A_187 : vector<16xi32>
        %or3A = arith.ori %shift_left3A_19, %shift_right_arithmetic3A_188 : vector<16xi32>
        %lt3A_189 = arith.constant 16 : i32
        %lt3A_190 = vector.broadcast %lt3A_189 : i32 to vector<16xi32>
        %lt3A_191 = arith.cmpi slt, %iota3A, %lt3A_190 : vector<16xi32>
        tpu.vector_store_idx %arg12[%or3A], %broadcast_in_dim3A_0 masked %lt3A_191 {add = true} : memref<4096xi32, #tpu.memory_space<vmem>>[vector<16xi32>], vector<16xi32>, vector<16xi1>
        %mul3A_192 = arith.constant 4 : i32
        %mul3A_193 = arith.muli %scan3A_171, %mul3A_192 : i32
        %add3A_194 = arith.constant 1 : i32
        %add3A_195 = arith.addi %mul3A_193, %add3A_194 : i32
        %mul3A_196 = arith.constant 16 : i32
        %mul3A_197 = arith.muli %add3A_195, %mul3A_196 : i32
        %get3A_198 = arith.index_cast %mul3A_197 : i32 to index
        %get3A_199 = tpu.vector_load %arg8[%get3A_198] {strides = array<i32>} : memref<80000xi32, #tpu.memory_space<vmem>>, vector<16xi32>,
        %max3A_200 = arith.constant 1 : i32
        %max3A_201 = vector.broadcast %max3A_200 : i32 to vector<16xi32>
        %max3A_202 = arith.maxsi %get3A_199, %max3A_201 : vector<16xi32>
        %mul3A_203 = arith.constant 16 : i32
        %mul3A_204 = arith.muli %add3A_195, %mul3A_203 : i32
        %add3A_205 = vector.broadcast %mul3A_204 : i32 to vector<16xi32>
        %add3A_206 = arith.addi %add3A_205, %iota3A : vector<16xi32>
        %shift_right_arithmetic3A_207 = arith.constant 20 : i32
        %shift_right_arithmetic3A_208 = vector.broadcast %shift_right_arithmetic3A_207 : i32 to vector<16xi32>
        %shift_right_arithmetic3A_209 = arith.shrsi %max3A_202, %shift_right_arithmetic3A_208 : vector<16xi32>
        %or3A_210 = arith.ori %shift_left3A_19, %shift_right_arithmetic3A_209 : vector<16xi32>
        %lt3A_211 = arith.constant 16 : i32
        %lt3A_212 = vector.broadcast %lt3A_211 : i32 to vector<16xi32>
        %lt3A_213 = arith.cmpi slt, %iota3A, %lt3A_212 : vector<16xi32>
        tpu.vector_store_idx %arg12[%or3A_210], %broadcast_in_dim3A_0 masked %lt3A_213 {add = true} : memref<4096xi32, #tpu.memory_space<vmem>>[vector<16xi32>], vector<16xi32>, vector<16xi1>
        %mul3A_214 = arith.constant 4 : i32
        %mul3A_215 = arith.muli %scan3A_171, %mul3A_214 : i32
        %add3A_216 = arith.constant 2 : i32
        %add3A_217 = arith.addi %mul3A_215, %add3A_216 : i32
        %mul3A_218 = arith.constant 16 : i32
        %mul3A_219 = arith.muli %add3A_217, %mul3A_218 : i32
        %get3A_220 = arith.index_cast %mul3A_219 : i32 to index
        %get3A_221 = tpu.vector_load %arg8[%get3A_220] {strides = array<i32>} : memref<80000xi32, #tpu.memory_space<vmem>>, vector<16xi32>,
        %max3A_222 = arith.constant 1 : i32
        %max3A_223 = vector.broadcast %max3A_222 : i32 to vector<16xi32>
        %max3A_224 = arith.maxsi %get3A_221, %max3A_223 : vector<16xi32>
        %mul3A_225 = arith.constant 16 : i32
        %mul3A_226 = arith.muli %add3A_217, %mul3A_225 : i32
        %add3A_227 = vector.broadcast %mul3A_226 : i32 to vector<16xi32>
        %add3A_228 = arith.addi %add3A_227, %iota3A : vector<16xi32>
        %shift_right_arithmetic3A_229 = arith.constant 20 : i32
        %shift_right_arithmetic3A_230 = vector.broadcast %shift_right_arithmetic3A_229 : i32 to vector<16xi32>
        %shift_right_arithmetic3A_231 = arith.shrsi %max3A_224, %shift_right_arithmetic3A_230 : vector<16xi32>
        %or3A_232 = arith.ori %shift_left3A_19, %shift_right_arithmetic3A_231 : vector<16xi32>
        %lt3A_233 = arith.constant 16 : i32
        %lt3A_234 = vector.broadcast %lt3A_233 : i32 to vector<16xi32>
        %lt3A_235 = arith.cmpi slt, %iota3A, %lt3A_234 : vector<16xi32>
        tpu.vector_store_idx %arg12[%or3A_232], %broadcast_in_dim3A_0 masked %lt3A_235 {add = true} : memref<4096xi32, #tpu.memory_space<vmem>>[vector<16xi32>], vector<16xi32>, vector<16xi1>
        %mul3A_236 = arith.constant 4 : i32
        %mul3A_237 = arith.muli %scan3A_171, %mul3A_236 : i32
        %add3A_238 = arith.constant 3 : i32
        %add3A_239 = arith.addi %mul3A_237, %add3A_238 : i32
        %mul3A_240 = arith.constant 16 : i32
        %mul3A_241 = arith.muli %add3A_239, %mul3A_240 : i32
        %get3A_242 = arith.index_cast %mul3A_241 : i32 to index
        %get3A_243 = tpu.vector_load %arg8[%get3A_242] {strides = array<i32>} : memref<80000xi32, #tpu.memory_space<vmem>>, vector<16xi32>,
        %max3A_244 = arith.constant 1 : i32
        %max3A_245 = vector.broadcast %max3A_244 : i32 to vector<16xi32>
        %max3A_246 = arith.maxsi %get3A_243, %max3A_245 : vector<16xi32>
        %mul3A_247 = arith.constant 16 : i32
        %mul3A_248 = arith.muli %add3A_239, %mul3A_247 : i32
        %add3A_249 = vector.broadcast %mul3A_248 : i32 to vector<16xi32>
        %add3A_250 = arith.addi %add3A_249, %iota3A : vector<16xi32>
        %shift_right_arithmetic3A_251 = arith.constant 20 : i32
        %shift_right_arithmetic3A_252 = vector.broadcast %shift_right_arithmetic3A_251 : i32 to vector<16xi32>
        %shift_right_arithmetic3A_253 = arith.shrsi %max3A_246, %shift_right_arithmetic3A_252 : vector<16xi32>
        %or3A_254 = arith.ori %shift_left3A_19, %shift_right_arithmetic3A_253 : vector<16xi32>
        %lt3A_255 = arith.constant 16 : i32
        %lt3A_256 = vector.broadcast %lt3A_255 : i32 to vector<16xi32>
        %lt3A_257 = arith.cmpi slt, %iota3A, %lt3A_256 : vector<16xi32>
        tpu.vector_store_idx %arg12[%or3A_254], %broadcast_in_dim3A_0 masked %lt3A_257 {add = true} : memref<4096xi32, #tpu.memory_space<vmem>>[vector<16xi32>], vector<16xi32>, vector<16xi1>
        %scan3A_258 = arith.constant 0 : i32
        scf.yield %scan3A_258 : i32
      }
      %scan3A_33 = arith.constant 1250 : i32
      %scan3A_34 = arith.constant 0 : i32
      %scan3A_35 = arith.constant 0 : i32
      %scan3A_36 = arith.constant 64 : i32
      %scan3A_37 = arith.addi %scan3A_35, %scan3A_36 : i32
      %scan3A_38 = arith.constant 1 : i32
      %scan3A_39 = scf.for %scan3A_171 = %scan3A_35 to %scan3A_37 step %scan3A_38 iter_args(%scan3A_172 = %scan3A_34) -> (i32)  : i32 {
        %mul3A_173 = arith.constant 16 : i32
        %mul3A_174 = arith.muli %scan3A_171, %mul3A_173 : i32
        %get3A_175 = arith.index_cast %mul3A_174 : i32 to index
        %get3A_176 = tpu.vector_load %arg12[%get3A_175] {strides = array<i32>} : memref<4096xi32, #tpu.memory_space<vmem>>, vector<16xi32>,
        %mul3A_177 = arith.constant 16 : i32
        %mul3A_178 = arith.muli %scan3A_171, %mul3A_177 : i32
        %add3A_179 = arith.constant 1024 : i32
        %add3A_180 = arith.addi %add3A_179, %mul3A_178 : i32
        %get3A_181 = arith.index_cast %add3A_180 : i32 to index
        %get3A_182 = tpu.vector_load %arg12[%get3A_181] {strides = array<i32>} : memref<4096xi32, #tpu.memory_space<vmem>>, vector<16xi32>,
        %add3A_183 = arith.addi %get3A_176, %get3A_182 : vector<16xi32>
        %mul3A_184 = arith.constant 16 : i32
        %mul3A_185 = arith.muli %scan3A_171, %mul3A_184 : i32
        %add3A_186 = arith.constant 2048 : i32
        %add3A_187 = arith.addi %add3A_186, %mul3A_185 : i32
        %get3A_188 = arith.index_cast %add3A_187 : i32 to index
        %get3A_189 = tpu.vector_load %arg12[%get3A_188] {strides = array<i32>} : memref<4096xi32, #tpu.memory_space<vmem>>, vector<16xi32>,
        %add3A_190 = arith.addi %add3A_183, %get3A_189 : vector<16xi32>
        %mul3A_191 = arith.constant 16 : i32
        %mul3A_192 = arith.muli %scan3A_171, %mul3A_191 : i32
        %add3A_193 = arith.constant 3072 : i32
        %add3A_194 = arith.addi %add3A_193, %mul3A_192 : i32
        %get3A_195 = arith.index_cast %add3A_194 : i32 to index
        %get3A_196 = tpu.vector_load %arg12[%get3A_195] {strides = array<i32>} : memref<4096xi32, #tpu.memory_space<vmem>>, vector<16xi32>,
        %add3A_197 = arith.addi %add3A_190, %get3A_196 : vector<16xi32>
        %mul3A_198 = arith.constant 16 : i32
        %mul3A_199 = arith.muli %scan3A_171, %mul3A_198 : i32
        %swap3A_200 = arith.index_cast %mul3A_199 : i32 to index
        %swap3A_201 = tpu.vector_load %arg11[%swap3A_200] {strides = array<i32>} : memref<1024xi32, #tpu.memory_space<vmem>>, vector<16xi32>,
        tpu.vector_store %arg11[%swap3A_200], %add3A_197 {strides = array<i32>} : memref<1024xi32, #tpu.memory_space<vmem>>, vector<16xi32>,
        %scan3A_202 = arith.constant 0 : i32
        scf.yield %scan3A_202 : i32
      }
      %scan3A_40 = arith.constant 64 : i32
      %scan3A_41 = arith.constant 300 : i32
      %scan3A_42 = arith.constant -1 : i32
      %scan3A_43 = arith.constant 0 : i32
      %scan3A_44 = arith.constant 0 : i32
      %scan3A_45 = arith.constant 0 : i32
      %scan3A_46 = arith.constant 64 : i32
      %scan3A_47 = arith.addi %scan3A_45, %scan3A_46 : i32
      %scan3A_48 = arith.constant 1 : i32
      %scan3A_49:3 = scf.for %scan3A_171 = %scan3A_45 to %scan3A_47 step %scan3A_48 iter_args(%scan3A_172 = %scan3A_42, %scan3A_173 = %scan3A_43, %scan3A_174 = %scan3A_44) -> (i32, i32, i32)  : i32 {
        %sub3A_175 = arith.constant 63 : i32
        %sub3A_176 = arith.subi %sub3A_175, %scan3A_171 : i32
        %mul3A_177 = arith.constant 16 : i32
        %mul3A_178 = arith.muli %sub3A_176, %mul3A_177 : i32
        %get3A_179 = arith.index_cast %mul3A_178 : i32 to index
        %get3A_180 = tpu.vector_load %arg11[%get3A_179] {strides = array<i32>} : memref<1024xi32, #tpu.memory_space<vmem>>, vector<16xi32>,
        %rev3A = arith.constant 15 : i32
        %rev3A_181 = vector.broadcast %rev3A : i32 to vector<16xi32>
        %rev3A_182 = tpu.iota {dimensions = array<i32: 0>} : vector<16xi32>
        %rev3A_183 = arith.subi %rev3A_181, %rev3A_182 : vector<16xi32>
        %rev3A_184 = tpu.dynamic_gather %get3A_180[%rev3A_183] in [0] : vector<16xi32>, vector<16xi32> -> vector<16xi32>
        %broadcast_in_dim3A_185 = arith.constant true
        %broadcast_in_dim3A_186 = vector.broadcast %broadcast_in_dim3A_185 : i1 to vector<16xi1>
        %masked_cumsum3A = tpu.scan <sum>, %rev3A_184 masked %broadcast_in_dim3A_186 : vector<16xi32>, vector<16xi1> -> vector<16xi32>
        %add3A_187 = vector.broadcast %scan3A_174 : i32 to vector<16xi32>
        %add3A_188 = arith.addi %add3A_187, %masked_cumsum3A : vector<16xi32>
        %ge3A = vector.broadcast %scan3A_41 : i32 to vector<16xi32>
        %ge3A_189 = arith.cmpi sge, %add3A_188, %ge3A : vector<16xi32>
        %all_reduce_ffs3A = tpu.all_reduce %ge3A_189 {dim = 0 : i64, kind = #tpu.reduction_kind<find_first_set>} : vector<16xi1> -> vector<16xi32>
        %slice3A = vector.extract_strided_slice %all_reduce_ffs3A {offsets = [0], sizes = [1], strides = [1]} : vector<16xi32> to vector<1xi32>
        %squeeze3A = vector.extract %slice3A[0] : i32 from vector<1xi32>
        %lt3A_190 = arith.constant 16 : i32
        %lt3A_191 = arith.cmpi slt, %squeeze3A, %lt3A_190 : i32
        %lt3A_192 = arith.constant 0 : i32
        %lt3A_193 = arith.cmpi slt, %scan3A_172, %lt3A_192 : i32
        %and3A_194 = arith.andi %lt3A_191, %lt3A_193 : i1
        %sub3A_195 = arith.constant 1 : i32
        %sub3A_196 = arith.subi %squeeze3A, %sub3A_195 : i32
        %eq3A_197 = vector.broadcast %sub3A_196 : i32 to vector<16xi32>
        %eq3A_198 = arith.cmpi eq, %iota3A, %eq3A_197 : vector<16xi32>
        %jit3A_199 = arith.constant 0 : i32
        %broadcast_in_dim3A_200 = vector.broadcast %jit3A_199 : i32 to vector<16xi32>
        %select_n3A_201 = arith.select %eq3A_198, %masked_cumsum3A, %broadcast_in_dim3A_200 : vector<16xi1>, vector<16xi32>
        %reduce_sum3A_202 = arith.constant true
        %reduce_sum3A_203 = vector.broadcast %reduce_sum3A_202 : i1 to vector<16xi1>
        %reduce_sum3A_204 = tpu.scan <sum>, %select_n3A_201 masked %reduce_sum3A_203 : vector<16xi32>, vector<16xi1> -> vector<16xi32>
        %reduce_sum3A_205 = vector.extract %reduce_sum3A_204[15] : i32 from vector<16xi32>
        %mul3A_206 = arith.constant 16 : i32
        %mul3A_207 = arith.muli %sub3A_176, %mul3A_206 : i32
        %add3A_208 = arith.constant 15 : i32
        %add3A_209 = arith.addi %mul3A_207, %add3A_208 : i32
        %sub3A_210 = arith.subi %add3A_209, %squeeze3A : i32
        %select_n3A_211 = arith.select %and3A_194, %sub3A_210, %scan3A_172 : i32
        %add3A_212 = arith.addi %scan3A_174, %reduce_sum3A_205 : i32
        %select_n3A_213 = arith.select %and3A_194, %add3A_212, %scan3A_173 : i32
        %slice3A_214 = vector.extract_strided_slice %masked_cumsum3A {offsets = [15], sizes = [1], strides = [1]} : vector<16xi32> to vector<1xi32>
        %squeeze3A_215 = vector.extract %slice3A_214[0] : i32 from vector<1xi32>
        %add3A_216 = arith.addi %scan3A_174, %squeeze3A_215 : i32
        scf.yield %select_n3A_211, %select_n3A_213, %add3A_216 : i32, i32, i32
      }
      %scan3A_50 = arith.constant 64 : i32
      %jit3A = arith.constant 16 : i32
      %div3A = arith.divsi %scan3A_49#0, %jit3A : i32
      %sign3A = arith.constant 0 : i32
      %sign3A_51 = arith.cmpi sgt, %scan3A_49#0, %sign3A : i32
      %sign3A_52 = arith.extui %sign3A_51 : i1 to i32
      %sign3A_53 = arith.constant 0 : i32
      %sign3A_54 = arith.cmpi slt, %scan3A_49#0, %sign3A_53 : i32
      %sign3A_55 = arith.extui %sign3A_54 : i1 to i32
      %sign3A_56 = arith.subi %sign3A_52, %sign3A_55 : i32
      %sign3A_57 = arith.constant 0 : i32
      %sign3A_58 = arith.cmpi sgt, %jit3A, %sign3A_57 : i32
      %sign3A_59 = arith.extui %sign3A_58 : i1 to i32
      %sign3A_60 = arith.constant 0 : i32
      %sign3A_61 = arith.cmpi slt, %jit3A, %sign3A_60 : i32
      %sign3A_62 = arith.extui %sign3A_61 : i1 to i32
      %sign3A_63 = arith.subi %sign3A_59, %sign3A_62 : i32
      %ne3A = arith.cmpi ne, %sign3A_56, %sign3A_63 : i32
      %rem3A = arith.remsi %scan3A_49#0, %jit3A : i32
      %ne3A_64 = arith.constant 0 : i32
      %ne3A_65 = arith.cmpi ne, %rem3A, %ne3A_64 : i32
      %and3A_66 = arith.andi %ne3A, %ne3A_65 : i1
      %sub3A = arith.constant 1 : i32
      %sub3A_67 = arith.subi %div3A, %sub3A : i32
      %select_n3A = arith.select %and3A_66, %sub3A_67, %div3A : i32
      %mul3A_68 = arith.constant 16 : i32
      %mul3A_69 = arith.muli %select_n3A, %mul3A_68 : i32
      %get3A = arith.index_cast %mul3A_69 : i32 to index
      %get3A_70 = tpu.vector_load %arg11[%get3A] {strides = array<i32>} : memref<1024xi32, #tpu.memory_space<vmem>>, vector<16xi32>,
      %jit3A_71 = arith.constant 16 : i32
      %eq3A = arith.constant 0 : i32
      %eq3A_72 = arith.cmpi eq, %jit3A_71, %eq3A : i32
      %jit3A_73 = arith.constant 1 : i32
      %select_n3A_74 = arith.select %eq3A_72, %jit3A_73, %jit3A_71 : i32
      %rem3A_75 = arith.remsi %scan3A_49#0, %select_n3A_74 : i32
      %ne3A_76 = arith.constant 0 : i32
      %ne3A_77 = arith.cmpi ne, %rem3A_75, %ne3A_76 : i32
      %lt3A = arith.constant 0 : i32
      %lt3A_78 = arith.cmpi slt, %rem3A_75, %lt3A : i32
      %lt3A_79 = arith.constant 0 : i32
      %lt3A_80 = arith.cmpi slt, %select_n3A_74, %lt3A_79 : i32
      %ne3A_81 = arith.xori %lt3A_78, %lt3A_80 : i1
      %and3A_82 = arith.andi %ne3A_81, %ne3A_77 : i1
      %add3A_83 = arith.addi %rem3A_75, %select_n3A_74 : i32
      %select_n3A_84 = arith.select %and3A_82, %add3A_83, %rem3A_75 : i32
      %eq3A_85 = vector.broadcast %select_n3A_84 : i32 to vector<16xi32>
      %eq3A_86 = arith.cmpi eq, %iota3A, %eq3A_85 : vector<16xi32>
      %jit3A_87 = arith.constant 0 : i32
      %broadcast_in_dim3A_88 = vector.broadcast %jit3A_87 : i32 to vector<16xi32>
      %select_n3A_89 = arith.select %eq3A_86, %get3A_70, %broadcast_in_dim3A_88 : vector<16xi1>, vector<16xi32>
      %reduce_sum3A = arith.constant true
      %reduce_sum3A_90 = vector.broadcast %reduce_sum3A : i1 to vector<16xi1>
      %reduce_sum3A_91 = tpu.scan <sum>, %select_n3A_89 masked %reduce_sum3A_90 : vector<16xi32>, vector<16xi1> -> vector<16xi32>
      %reduce_sum3A_92 = vector.extract %reduce_sum3A_91[15] : i32 from vector<16xi32>
      %add3A_93 = arith.addi %scan3A_49#1, %reduce_sum3A_92 : i32
      %le3A = arith.constant 8192 : i32
      %le3A_94 = arith.cmpi sle, %add3A_93, %le3A : i32
      %convert_element_type3A = arith.extui %le3A_94 : i1 to i32
      %cond3A = arith.constant 0 : i32
      %cond3A_95 = arith.cmpi ne, %convert_element_type3A, %cond3A : i32
      scf.if %cond3A_95 {
        %scan3A_171 = arith.constant 0 : i32
        %scan3A_172 = arith.constant 0 : i32
        %scan3A_173 = arith.constant 1250 : i32
        %scan3A_174 = arith.addi %scan3A_172, %scan3A_173 : i32
        %scan3A_175 = arith.constant 1 : i32
        %scan3A_176 = scf.for %scan3A_276 = %scan3A_172 to %scan3A_174 step %scan3A_175 iter_args(%scan3A_277 = %scan3A_171) -> (i32)  : i32 {
          %mul3A_278 = arith.constant 4 : i32
          %mul3A_279 = arith.muli %scan3A_276, %mul3A_278 : i32
          %add3A_280 = arith.constant 0 : i32
          %add3A_281 = arith.addi %mul3A_279, %add3A_280 : i32
          %mul3A_282 = arith.constant 16 : i32
          %mul3A_283 = arith.muli %add3A_281, %mul3A_282 : i32
          %get3A_284 = arith.index_cast %mul3A_283 : i32 to index
          %get3A_285 = tpu.vector_load %arg8[%get3A_284] {strides = array<i32>} : memref<80000xi32, #tpu.memory_space<vmem>>, vector<16xi32>,
          %max3A = arith.constant 1 : i32
          %max3A_286 = vector.broadcast %max3A : i32 to vector<16xi32>
          %max3A_287 = arith.maxsi %get3A_285, %max3A_286 : vector<16xi32>
          %mul3A_288 = arith.constant 16 : i32
          %mul3A_289 = arith.muli %add3A_281, %mul3A_288 : i32
          %add3A_290 = vector.broadcast %mul3A_289 : i32 to vector<16xi32>
          %add3A_291 = arith.addi %add3A_290, %iota3A : vector<16xi32>
          %shift_right_arithmetic3A_292 = arith.constant 20 : i32
          %shift_right_arithmetic3A_293 = vector.broadcast %shift_right_arithmetic3A_292 : i32 to vector<16xi32>
          %shift_right_arithmetic3A_294 = arith.shrsi %max3A_287, %shift_right_arithmetic3A_293 : vector<16xi32>
          %ge3A = vector.broadcast %scan3A_49#0 : i32 to vector<16xi32>
          %ge3A_295 = arith.cmpi sge, %shift_right_arithmetic3A_294, %ge3A : vector<16xi32>
          %swap3A_296 = arith.index_cast %scan3A_277 : i32 to index
          %swap3A_297 = tpu.vector_load %arg13[%swap3A_296] masked %ge3A_295 {strides = array<i32>} : memref<8208xi32, #tpu.memory_space<vmem>>, vector<16xi32>, vector<16xi1>
          tpu.vector_store %arg13[%swap3A_296], %max3A_287 masked %ge3A_295 {strides = array<i32>} : memref<8208xi32, #tpu.memory_space<vmem>>, vector<16xi32>, vector<16xi1>
          %swap3A_298 = arith.index_cast %scan3A_277 : i32 to index
          %swap3A_299 = tpu.vector_load %arg14[%swap3A_298] masked %ge3A_295 {strides = array<i32>} : memref<8208xi32, #tpu.memory_space<vmem>>, vector<16xi32>, vector<16xi1>
          tpu.vector_store %arg14[%swap3A_298], %add3A_291 masked %ge3A_295 {strides = array<i32>} : memref<8208xi32, #tpu.memory_space<vmem>>, vector<16xi32>, vector<16xi1>
          %all_reduce_population_count3A = tpu.all_reduce %ge3A_295 {dim = 0 : i64, kind = #tpu.reduction_kind<sum>} : vector<16xi1> -> vector<16xi32>
          %slice3A = vector.extract_strided_slice %all_reduce_population_count3A {offsets = [0], sizes = [1], strides = [1]} : vector<16xi32> to vector<1xi32>
          %squeeze3A = vector.extract %slice3A[0] : i32 from vector<1xi32>
          %add3A_300 = arith.addi %scan3A_277, %squeeze3A : i32
          %mul3A_301 = arith.constant 4 : i32
          %mul3A_302 = arith.muli %scan3A_276, %mul3A_301 : i32
          %add3A_303 = arith.constant 1 : i32
          %add3A_304 = arith.addi %mul3A_302, %add3A_303 : i32
          %mul3A_305 = arith.constant 16 : i32
          %mul3A_306 = arith.muli %add3A_304, %mul3A_305 : i32
          %get3A_307 = arith.index_cast %mul3A_306 : i32 to index
          %get3A_308 = tpu.vector_load %arg8[%get3A_307] {strides = array<i32>} : memref<80000xi32, #tpu.memory_space<vmem>>, vector<16xi32>,
          %max3A_309 = arith.constant 1 : i32
          %max3A_310 = vector.broadcast %max3A_309 : i32 to vector<16xi32>
          %max3A_311 = arith.maxsi %get3A_308, %max3A_310 : vector<16xi32>
          %mul3A_312 = arith.constant 16 : i32
          %mul3A_313 = arith.muli %add3A_304, %mul3A_312 : i32
          %add3A_314 = vector.broadcast %mul3A_313 : i32 to vector<16xi32>
          %add3A_315 = arith.addi %add3A_314, %iota3A : vector<16xi32>
          %shift_right_arithmetic3A_316 = arith.constant 20 : i32
          %shift_right_arithmetic3A_317 = vector.broadcast %shift_right_arithmetic3A_316 : i32 to vector<16xi32>
          %shift_right_arithmetic3A_318 = arith.shrsi %max3A_311, %shift_right_arithmetic3A_317 : vector<16xi32>
          %ge3A_319 = vector.broadcast %scan3A_49#0 : i32 to vector<16xi32>
          %ge3A_320 = arith.cmpi sge, %shift_right_arithmetic3A_318, %ge3A_319 : vector<16xi32>
          %swap3A_321 = arith.index_cast %add3A_300 : i32 to index
          %swap3A_322 = tpu.vector_load %arg13[%swap3A_321] masked %ge3A_320 {strides = array<i32>} : memref<8208xi32, #tpu.memory_space<vmem>>, vector<16xi32>, vector<16xi1>
          tpu.vector_store %arg13[%swap3A_321], %max3A_311 masked %ge3A_320 {strides = array<i32>} : memref<8208xi32, #tpu.memory_space<vmem>>, vector<16xi32>, vector<16xi1>
          %swap3A_323 = arith.index_cast %add3A_300 : i32 to index
          %swap3A_324 = tpu.vector_load %arg14[%swap3A_323] masked %ge3A_320 {strides = array<i32>} : memref<8208xi32, #tpu.memory_space<vmem>>, vector<16xi32>, vector<16xi1>
          tpu.vector_store %arg14[%swap3A_323], %add3A_315 masked %ge3A_320 {strides = array<i32>} : memref<8208xi32, #tpu.memory_space<vmem>>, vector<16xi32>, vector<16xi1>
          %all_reduce_population_count3A_325 = tpu.all_reduce %ge3A_320 {dim = 0 : i64, kind = #tpu.reduction_kind<sum>} : vector<16xi1> -> vector<16xi32>
          %slice3A_326 = vector.extract_strided_slice %all_reduce_population_count3A_325 {offsets = [0], sizes = [1], strides = [1]} : vector<16xi32> to vector<1xi32>
          %squeeze3A_327 = vector.extract %slice3A_326[0] : i32 from vector<1xi32>
          %add3A_328 = arith.addi %add3A_300, %squeeze3A_327 : i32
          %mul3A_329 = arith.constant 4 : i32
          %mul3A_330 = arith.muli %scan3A_276, %mul3A_329 : i32
          %add3A_331 = arith.constant 2 : i32
          %add3A_332 = arith.addi %mul3A_330, %add3A_331 : i32
          %mul3A_333 = arith.constant 16 : i32
          %mul3A_334 = arith.muli %add3A_332, %mul3A_333 : i32
          %get3A_335 = arith.index_cast %mul3A_334 : i32 to index
          %get3A_336 = tpu.vector_load %arg8[%get3A_335] {strides = array<i32>} : memref<80000xi32, #tpu.memory_space<vmem>>, vector<16xi32>,
          %max3A_337 = arith.constant 1 : i32
          %max3A_338 = vector.broadcast %max3A_337 : i32 to vector<16xi32>
          %max3A_339 = arith.maxsi %get3A_336, %max3A_338 : vector<16xi32>
          %mul3A_340 = arith.constant 16 : i32
          %mul3A_341 = arith.muli %add3A_332, %mul3A_340 : i32
          %add3A_342 = vector.broadcast %mul3A_341 : i32 to vector<16xi32>
          %add3A_343 = arith.addi %add3A_342, %iota3A : vector<16xi32>
          %shift_right_arithmetic3A_344 = arith.constant 20 : i32
          %shift_right_arithmetic3A_345 = vector.broadcast %shift_right_arithmetic3A_344 : i32 to vector<16xi32>
          %shift_right_arithmetic3A_346 = arith.shrsi %max3A_339, %shift_right_arithmetic3A_345 : vector<16xi32>
          %ge3A_347 = vector.broadcast %scan3A_49#0 : i32 to vector<16xi32>
          %ge3A_348 = arith.cmpi sge, %shift_right_arithmetic3A_346, %ge3A_347 : vector<16xi32>
          %swap3A_349 = arith.index_cast %add3A_328 : i32 to index
          %swap3A_350 = tpu.vector_load %arg13[%swap3A_349] masked %ge3A_348 {strides = array<i32>} : memref<8208xi32, #tpu.memory_space<vmem>>, vector<16xi32>, vector<16xi1>
          tpu.vector_store %arg13[%swap3A_349], %max3A_339 masked %ge3A_348 {strides = array<i32>} : memref<8208xi32, #tpu.memory_space<vmem>>, vector<16xi32>, vector<16xi1>
          %swap3A_351 = arith.index_cast %add3A_328 : i32 to index
          %swap3A_352 = tpu.vector_load %arg14[%swap3A_351] masked %ge3A_348 {strides = array<i32>} : memref<8208xi32, #tpu.memory_space<vmem>>, vector<16xi32>, vector<16xi1>
          tpu.vector_store %arg14[%swap3A_351], %add3A_343 masked %ge3A_348 {strides = array<i32>} : memref<8208xi32, #tpu.memory_space<vmem>>, vector<16xi32>, vector<16xi1>
          %all_reduce_population_count3A_353 = tpu.all_reduce %ge3A_348 {dim = 0 : i64, kind = #tpu.reduction_kind<sum>} : vector<16xi1> -> vector<16xi32>
          %slice3A_354 = vector.extract_strided_slice %all_reduce_population_count3A_353 {offsets = [0], sizes = [1], strides = [1]} : vector<16xi32> to vector<1xi32>
          %squeeze3A_355 = vector.extract %slice3A_354[0] : i32 from vector<1xi32>
          %add3A_356 = arith.addi %add3A_328, %squeeze3A_355 : i32
          %mul3A_357 = arith.constant 4 : i32
          %mul3A_358 = arith.muli %scan3A_276, %mul3A_357 : i32
          %add3A_359 = arith.constant 3 : i32
          %add3A_360 = arith.addi %mul3A_358, %add3A_359 : i32
          %mul3A_361 = arith.constant 16 : i32
          %mul3A_362 = arith.muli %add3A_360, %mul3A_361 : i32
          %get3A_363 = arith.index_cast %mul3A_362 : i32 to index
          %get3A_364 = tpu.vector_load %arg8[%get3A_363] {strides = array<i32>} : memref<80000xi32, #tpu.memory_space<vmem>>, vector<16xi32>,
          %max3A_365 = arith.constant 1 : i32
          %max3A_366 = vector.broadcast %max3A_365 : i32 to vector<16xi32>
          %max3A_367 = arith.maxsi %get3A_364, %max3A_366 : vector<16xi32>
          %mul3A_368 = arith.constant 16 : i32
          %mul3A_369 = arith.muli %add3A_360, %mul3A_368 : i32
          %add3A_370 = vector.broadcast %mul3A_369 : i32 to vector<16xi32>
          %add3A_371 = arith.addi %add3A_370, %iota3A : vector<16xi32>
          %shift_right_arithmetic3A_372 = arith.constant 20 : i32
          %shift_right_arithmetic3A_373 = vector.broadcast %shift_right_arithmetic3A_372 : i32 to vector<16xi32>
          %shift_right_arithmetic3A_374 = arith.shrsi %max3A_367, %shift_right_arithmetic3A_373 : vector<16xi32>
          %ge3A_375 = vector.broadcast %scan3A_49#0 : i32 to vector<16xi32>
          %ge3A_376 = arith.cmpi sge, %shift_right_arithmetic3A_374, %ge3A_375 : vector<16xi32>
          %swap3A_377 = arith.index_cast %add3A_356 : i32 to index
          %swap3A_378 = tpu.vector_load %arg13[%swap3A_377] masked %ge3A_376 {strides = array<i32>} : memref<8208xi32, #tpu.memory_space<vmem>>, vector<16xi32>, vector<16xi1>
          tpu.vector_store %arg13[%swap3A_377], %max3A_367 masked %ge3A_376 {strides = array<i32>} : memref<8208xi32, #tpu.memory_space<vmem>>, vector<16xi32>, vector<16xi1>
          %swap3A_379 = arith.index_cast %add3A_356 : i32 to index
          %swap3A_380 = tpu.vector_load %arg14[%swap3A_379] masked %ge3A_376 {strides = array<i32>} : memref<8208xi32, #tpu.memory_space<vmem>>, vector<16xi32>, vector<16xi1>
          tpu.vector_store %arg14[%swap3A_379], %add3A_371 masked %ge3A_376 {strides = array<i32>} : memref<8208xi32, #tpu.memory_space<vmem>>, vector<16xi32>, vector<16xi1>
          %all_reduce_population_count3A_381 = tpu.all_reduce %ge3A_376 {dim = 0 : i64, kind = #tpu.reduction_kind<sum>} : vector<16xi1> -> vector<16xi32>
          %slice3A_382 = vector.extract_strided_slice %all_reduce_population_count3A_381 {offsets = [0], sizes = [1], strides = [1]} : vector<16xi32> to vector<1xi32>
          %squeeze3A_383 = vector.extract %slice3A_382[0] : i32 from vector<1xi32>
          %add3A_384 = arith.addi %add3A_356, %squeeze3A_383 : i32
          scf.yield %add3A_384 : i32
        }
        %scan3A_177 = arith.constant 1250 : i32
        %add3A_178 = arith.constant 15 : i32
        %add3A_179 = arith.addi %add3A_93, %add3A_178 : i32
        %shift_right_arithmetic3A = arith.constant 4 : i32
        %shift_right_arithmetic3A_180 = arith.shrsi %add3A_179, %shift_right_arithmetic3A : i32
        %scan3A_181 = arith.constant 0 : i32
        %scan3A_182 = arith.constant 0 : i32
        %scan3A_183 = arith.constant 64 : i32
        %scan3A_184 = arith.addi %scan3A_182, %scan3A_183 : i32
        %scan3A_185 = arith.constant 1 : i32
        %scan3A_186 = scf.for %scan3A_276 = %scan3A_182 to %scan3A_184 step %scan3A_185 iter_args(%scan3A_277 = %scan3A_181) -> (i32)  : i32 {
          %mul3A_278 = arith.constant 16 : i32
          %mul3A_279 = arith.muli %scan3A_276, %mul3A_278 : i32
          %swap3A_280 = arith.index_cast %mul3A_279 : i32 to index
          %swap3A_281 = tpu.vector_load %arg11[%swap3A_280] {strides = array<i32>} : memref<1024xi32, #tpu.memory_space<vmem>>, vector<16xi32>,
          tpu.vector_store %arg11[%swap3A_280], %broadcast_in_dim3A_2 {strides = array<i32>} : memref<1024xi32, #tpu.memory_space<vmem>>, vector<16xi32>,
          %scan3A_282 = arith.constant 0 : i32
          scf.yield %scan3A_282 : i32
        }
        %scan3A_187 = arith.constant 64 : i32
        %while3A = arith.constant 0 : i32
        %while3A_188 = arith.constant 0 : i32
        %while3A_189 = arith.subi %shift_right_arithmetic3A_180, %while3A : i32
        %while3A_190 = arith.addi %while3A, %while3A_189 : i32
        %while3A_191 = arith.constant 1 : i32
        %while3A_192 = arith.divsi %while3A_189, %while3A_191 : i32
        %while3A_193 = arith.muli %while3A_192, %while3A_191 : i32
        %while3A_194 = arith.addi %while3A, %while3A_193 : i32
        %while3A_195 = arith.constant 1 : i32
        %while3A_196 = scf.for %while3A_276 = %while3A to %while3A_194 step %while3A_195 iter_args(%while3A_277 = %while3A_188) -> (i32)  : i32 {
          %mul3A_278 = arith.constant 16 : i32
          %mul3A_279 = arith.muli %while3A_276, %mul3A_278 : i32
          %get3A_280 = arith.index_cast %mul3A_279 : i32 to index
          %get3A_281 = tpu.vector_load %arg13[%get3A_280] {strides = array<i32>} : memref<8208xi32, #tpu.memory_space<vmem>>, vector<16xi32>,
          %mul3A_282 = arith.constant 16 : i32
          %mul3A_283 = arith.muli %while3A_276, %mul3A_282 : i32
          %get3A_284 = arith.index_cast %mul3A_283 : i32 to index
          %get3A_285 = tpu.vector_load %arg14[%get3A_284] {strides = array<i32>} : memref<8208xi32, #tpu.memory_space<vmem>>, vector<16xi32>,
          %mul3A_286 = arith.constant 16 : i32
          %mul3A_287 = arith.muli %while3A_276, %mul3A_286 : i32
          %add3A_288 = vector.broadcast %mul3A_287 : i32 to vector<16xi32>
          %add3A_289 = arith.addi %add3A_288, %iota3A : vector<16xi32>
          %lt3A_290 = vector.broadcast %add3A_93 : i32 to vector<16xi32>
          %lt3A_291 = arith.cmpi slt, %add3A_289, %lt3A_290 : vector<16xi32>
          %shift_right_arithmetic3A_292 = arith.constant 20 : i32
          %shift_right_arithmetic3A_293 = vector.broadcast %shift_right_arithmetic3A_292 : i32 to vector<16xi32>
          %shift_right_arithmetic3A_294 = arith.shrsi %get3A_281, %shift_right_arithmetic3A_293 : vector<16xi32>
          %eq3A_295 = vector.broadcast %scan3A_49#0 : i32 to vector<16xi32>
          %eq3A_296 = arith.cmpi eq, %shift_right_arithmetic3A_294, %eq3A_295 : vector<16xi32>
          %and3A_297 = arith.andi %eq3A_296, %lt3A_291 : vector<16xi1>
          %shift_right_arithmetic3A_298 = arith.constant 10 : i32
          %shift_right_arithmetic3A_299 = vector.broadcast %shift_right_arithmetic3A_298 : i32 to vector<16xi32>
          %shift_right_arithmetic3A_300 = arith.shrsi %get3A_281, %shift_right_arithmetic3A_299 : vector<16xi32>
          %and3A_301 = arith.constant 1023 : i32
          %and3A_302 = vector.broadcast %and3A_301 : i32 to vector<16xi32>
          %and3A_303 = arith.andi %shift_right_arithmetic3A_300, %and3A_302 : vector<16xi32>
          tpu.vector_store_idx %arg11[%and3A_303], %broadcast_in_dim3A_0 masked %and3A_297 {add = true} : memref<1024xi32, #tpu.memory_space<vmem>>[vector<16xi32>], vector<16xi32>, vector<16xi1>
          %while3A_304 = arith.constant 0 : i32
          scf.yield %while3A_304 : i32
        }
        %while3A_197 = arith.constant 1 : i32
        %while3A_198 = scf.for %while3A_276 = %while3A_194 to %while3A_190 step %while3A_197 iter_args(%while3A_277 = %while3A_196) -> (i32)  : i32 {
          %mul3A_278 = arith.constant 16 : i32
          %mul3A_279 = arith.muli %while3A_276, %mul3A_278 : i32
          %get3A_280 = arith.index_cast %mul3A_279 : i32 to index
          %get3A_281 = tpu.vector_load %arg13[%get3A_280] {strides = array<i32>} : memref<8208xi32, #tpu.memory_space<vmem>>, vector<16xi32>,
          %mul3A_282 = arith.constant 16 : i32
          %mul3A_283 = arith.muli %while3A_276, %mul3A_282 : i32
          %get3A_284 = arith.index_cast %mul3A_283 : i32 to index
          %get3A_285 = tpu.vector_load %arg14[%get3A_284] {strides = array<i32>} : memref<8208xi32, #tpu.memory_space<vmem>>, vector<16xi32>,
          %mul3A_286 = arith.constant 16 : i32
          %mul3A_287 = arith.muli %while3A_276, %mul3A_286 : i32
          %add3A_288 = vector.broadcast %mul3A_287 : i32 to vector<16xi32>
          %add3A_289 = arith.addi %add3A_288, %iota3A : vector<16xi32>
          %lt3A_290 = vector.broadcast %add3A_93 : i32 to vector<16xi32>
          %lt3A_291 = arith.cmpi slt, %add3A_289, %lt3A_290 : vector<16xi32>
          %shift_right_arithmetic3A_292 = arith.constant 20 : i32
          %shift_right_arithmetic3A_293 = vector.broadcast %shift_right_arithmetic3A_292 : i32 to vector<16xi32>
          %shift_right_arithmetic3A_294 = arith.shrsi %get3A_281, %shift_right_arithmetic3A_293 : vector<16xi32>
          %eq3A_295 = vector.broadcast %scan3A_49#0 : i32 to vector<16xi32>
          %eq3A_296 = arith.cmpi eq, %shift_right_arithmetic3A_294, %eq3A_295 : vector<16xi32>
          %and3A_297 = arith.andi %eq3A_296, %lt3A_291 : vector<16xi1>
          %shift_right_arithmetic3A_298 = arith.constant 10 : i32
          %shift_right_arithmetic3A_299 = vector.broadcast %shift_right_arithmetic3A_298 : i32 to vector<16xi32>
          %shift_right_arithmetic3A_300 = arith.shrsi %get3A_281, %shift_right_arithmetic3A_299 : vector<16xi32>
          %and3A_301 = arith.constant 1023 : i32
          %and3A_302 = vector.broadcast %and3A_301 : i32 to vector<16xi32>
          %and3A_303 = arith.andi %shift_right_arithmetic3A_300, %and3A_302 : vector<16xi32>
          tpu.vector_store_idx %arg11[%and3A_303], %broadcast_in_dim3A_0 masked %and3A_297 {add = true} : memref<1024xi32, #tpu.memory_space<vmem>>[vector<16xi32>], vector<16xi32>, vector<16xi1>
          %while3A_304 = arith.constant 0 : i32
          scf.yield %while3A_304 : i32
        }
        %sub3A_199 = arith.constant 300 : i32
        %sub3A_200 = arith.subi %sub3A_199, %scan3A_49#1 : i32
        %scan3A_201 = arith.constant -1 : i32
        %scan3A_202 = arith.constant 0 : i32
        %scan3A_203 = arith.constant 0 : i32
        %scan3A_204 = arith.constant 0 : i32
        %scan3A_205 = arith.constant 64 : i32
        %scan3A_206 = arith.addi %scan3A_204, %scan3A_205 : i32
        %scan3A_207 = arith.constant 1 : i32
        %scan3A_208:3 = scf.for %scan3A_276 = %scan3A_204 to %scan3A_206 step %scan3A_207 iter_args(%scan3A_277 = %scan3A_201, %scan3A_278 = %scan3A_202, %scan3A_279 = %scan3A_203) -> (i32, i32, i32)  : i32 {
          %sub3A_280 = arith.constant 63 : i32
          %sub3A_281 = arith.subi %sub3A_280, %scan3A_276 : i32
          %mul3A_282 = arith.constant 16 : i32
          %mul3A_283 = arith.muli %sub3A_281, %mul3A_282 : i32
          %get3A_284 = arith.index_cast %mul3A_283 : i32 to index
          %get3A_285 = tpu.vector_load %arg11[%get3A_284] {strides = array<i32>} : memref<1024xi32, #tpu.memory_space<vmem>>, vector<16xi32>,
          %rev3A = arith.constant 15 : i32
          %rev3A_286 = vector.broadcast %rev3A : i32 to vector<16xi32>
          %rev3A_287 = tpu.iota {dimensions = array<i32: 0>} : vector<16xi32>
          %rev3A_288 = arith.subi %rev3A_286, %rev3A_287 : vector<16xi32>
          %rev3A_289 = tpu.dynamic_gather %get3A_285[%rev3A_288] in [0] : vector<16xi32>, vector<16xi32> -> vector<16xi32>
          %broadcast_in_dim3A_290 = arith.constant true
          %broadcast_in_dim3A_291 = vector.broadcast %broadcast_in_dim3A_290 : i1 to vector<16xi1>
          %masked_cumsum3A = tpu.scan <sum>, %rev3A_289 masked %broadcast_in_dim3A_291 : vector<16xi32>, vector<16xi1> -> vector<16xi32>
          %add3A_292 = vector.broadcast %scan3A_279 : i32 to vector<16xi32>
          %add3A_293 = arith.addi %add3A_292, %masked_cumsum3A : vector<16xi32>
          %ge3A = vector.broadcast %sub3A_200 : i32 to vector<16xi32>
          %ge3A_294 = arith.cmpi sge, %add3A_293, %ge3A : vector<16xi32>
          %all_reduce_ffs3A = tpu.all_reduce %ge3A_294 {dim = 0 : i64, kind = #tpu.reduction_kind<find_first_set>} : vector<16xi1> -> vector<16xi32>
          %slice3A = vector.extract_strided_slice %all_reduce_ffs3A {offsets = [0], sizes = [1], strides = [1]} : vector<16xi32> to vector<1xi32>
          %squeeze3A = vector.extract %slice3A[0] : i32 from vector<1xi32>
          %lt3A_295 = arith.constant 16 : i32
          %lt3A_296 = arith.cmpi slt, %squeeze3A, %lt3A_295 : i32
          %lt3A_297 = arith.constant 0 : i32
          %lt3A_298 = arith.cmpi slt, %scan3A_277, %lt3A_297 : i32
          %and3A_299 = arith.andi %lt3A_296, %lt3A_298 : i1
          %sub3A_300 = arith.constant 1 : i32
          %sub3A_301 = arith.subi %squeeze3A, %sub3A_300 : i32
          %eq3A_302 = vector.broadcast %sub3A_301 : i32 to vector<16xi32>
          %eq3A_303 = arith.cmpi eq, %iota3A, %eq3A_302 : vector<16xi32>
          %jit3A_304 = arith.constant 0 : i32
          %broadcast_in_dim3A_305 = vector.broadcast %jit3A_304 : i32 to vector<16xi32>
          %select_n3A_306 = arith.select %eq3A_303, %masked_cumsum3A, %broadcast_in_dim3A_305 : vector<16xi1>, vector<16xi32>
          %reduce_sum3A_307 = arith.constant true
          %reduce_sum3A_308 = vector.broadcast %reduce_sum3A_307 : i1 to vector<16xi1>
          %reduce_sum3A_309 = tpu.scan <sum>, %select_n3A_306 masked %reduce_sum3A_308 : vector<16xi32>, vector<16xi1> -> vector<16xi32>
          %reduce_sum3A_310 = vector.extract %reduce_sum3A_309[15] : i32 from vector<16xi32>
          %mul3A_311 = arith.constant 16 : i32
          %mul3A_312 = arith.muli %sub3A_281, %mul3A_311 : i32
          %add3A_313 = arith.constant 15 : i32
          %add3A_314 = arith.addi %mul3A_312, %add3A_313 : i32
          %sub3A_315 = arith.subi %add3A_314, %squeeze3A : i32
          %select_n3A_316 = arith.select %and3A_299, %sub3A_315, %scan3A_277 : i32
          %add3A_317 = arith.addi %scan3A_279, %reduce_sum3A_310 : i32
          %select_n3A_318 = arith.select %and3A_299, %add3A_317, %scan3A_278 : i32
          %slice3A_319 = vector.extract_strided_slice %masked_cumsum3A {offsets = [15], sizes = [1], strides = [1]} : vector<16xi32> to vector<1xi32>
          %squeeze3A_320 = vector.extract %slice3A_319[0] : i32 from vector<1xi32>
          %add3A_321 = arith.addi %scan3A_279, %squeeze3A_320 : i32
          scf.yield %select_n3A_316, %select_n3A_318, %add3A_321 : i32, i32, i32
        }
        %scan3A_209 = arith.constant 64 : i32
        %shift_left3A_210 = arith.constant 10 : i32
        %shift_left3A_211 = arith.shli %scan3A_49#0, %shift_left3A_210 : i32
        %or3A = arith.ori %shift_left3A_211, %scan3A_208#0 : i32
        %scan3A_212 = arith.constant 0 : i32
        %scan3A_213 = arith.constant 0 : i32
        %scan3A_214 = arith.constant 64 : i32
        %scan3A_215 = arith.addi %scan3A_213, %scan3A_214 : i32
        %scan3A_216 = arith.constant 1 : i32
        %scan3A_217 = scf.for %scan3A_276 = %scan3A_213 to %scan3A_215 step %scan3A_216 iter_args(%scan3A_277 = %scan3A_212) -> (i32)  : i32 {
          %mul3A_278 = arith.constant 16 : i32
          %mul3A_279 = arith.muli %scan3A_276, %mul3A_278 : i32
          %swap3A_280 = arith.index_cast %mul3A_279 : i32 to index
          %swap3A_281 = tpu.vector_load %arg11[%swap3A_280] {strides = array<i32>} : memref<1024xi32, #tpu.memory_space<vmem>>, vector<16xi32>,
          tpu.vector_store %arg11[%swap3A_280], %broadcast_in_dim3A_2 {strides = array<i32>} : memref<1024xi32, #tpu.memory_space<vmem>>, vector<16xi32>,
          %scan3A_282 = arith.constant 0 : i32
          scf.yield %scan3A_282 : i32
        }
        %scan3A_218 = arith.constant 64 : i32
        %while3A_219 = arith.constant 0 : i32
        %while3A_220 = arith.constant 0 : i32
        %while3A_221 = arith.subi %shift_right_arithmetic3A_180, %while3A_219 : i32
        %while3A_222 = arith.addi %while3A_219, %while3A_221 : i32
        %while3A_223 = arith.constant 1 : i32
        %while3A_224 = arith.divsi %while3A_221, %while3A_223 : i32
        %while3A_225 = arith.muli %while3A_224, %while3A_223 : i32
        %while3A_226 = arith.addi %while3A_219, %while3A_225 : i32
        %while3A_227 = arith.constant 1 : i32
        %while3A_228 = scf.for %while3A_276 = %while3A_219 to %while3A_226 step %while3A_227 iter_args(%while3A_277 = %while3A_220) -> (i32)  : i32 {
          %mul3A_278 = arith.constant 16 : i32
          %mul3A_279 = arith.muli %while3A_276, %mul3A_278 : i32
          %get3A_280 = arith.index_cast %mul3A_279 : i32 to index
          %get3A_281 = tpu.vector_load %arg13[%get3A_280] {strides = array<i32>} : memref<8208xi32, #tpu.memory_space<vmem>>, vector<16xi32>,
          %mul3A_282 = arith.constant 16 : i32
          %mul3A_283 = arith.muli %while3A_276, %mul3A_282 : i32
          %get3A_284 = arith.index_cast %mul3A_283 : i32 to index
          %get3A_285 = tpu.vector_load %arg14[%get3A_284] {strides = array<i32>} : memref<8208xi32, #tpu.memory_space<vmem>>, vector<16xi32>,
          %mul3A_286 = arith.constant 16 : i32
          %mul3A_287 = arith.muli %while3A_276, %mul3A_286 : i32
          %add3A_288 = vector.broadcast %mul3A_287 : i32 to vector<16xi32>
          %add3A_289 = arith.addi %add3A_288, %iota3A : vector<16xi32>
          %lt3A_290 = vector.broadcast %add3A_93 : i32 to vector<16xi32>
          %lt3A_291 = arith.cmpi slt, %add3A_289, %lt3A_290 : vector<16xi32>
          %shift_right_arithmetic3A_292 = arith.constant 10 : i32
          %shift_right_arithmetic3A_293 = vector.broadcast %shift_right_arithmetic3A_292 : i32 to vector<16xi32>
          %shift_right_arithmetic3A_294 = arith.shrsi %get3A_281, %shift_right_arithmetic3A_293 : vector<16xi32>
          %eq3A_295 = vector.broadcast %or3A : i32 to vector<16xi32>
          %eq3A_296 = arith.cmpi eq, %shift_right_arithmetic3A_294, %eq3A_295 : vector<16xi32>
          %and3A_297 = arith.andi %eq3A_296, %lt3A_291 : vector<16xi1>
          %and3A_298 = arith.constant 1023 : i32
          %and3A_299 = vector.broadcast %and3A_298 : i32 to vector<16xi32>
          %and3A_300 = arith.andi %get3A_281, %and3A_299 : vector<16xi32>
          tpu.vector_store_idx %arg11[%and3A_300], %broadcast_in_dim3A_0 masked %and3A_297 {add = true} : memref<1024xi32, #tpu.memory_space<vmem>>[vector<16xi32>], vector<16xi32>, vector<16xi1>
          %while3A_301 = arith.constant 0 : i32
          scf.yield %while3A_301 : i32
        }
        %while3A_229 = arith.constant 1 : i32
        %while3A_230 = scf.for %while3A_276 = %while3A_226 to %while3A_222 step %while3A_229 iter_args(%while3A_277 = %while3A_228) -> (i32)  : i32 {
          %mul3A_278 = arith.constant 16 : i32
          %mul3A_279 = arith.muli %while3A_276, %mul3A_278 : i32
          %get3A_280 = arith.index_cast %mul3A_279 : i32 to index
          %get3A_281 = tpu.vector_load %arg13[%get3A_280] {strides = array<i32>} : memref<8208xi32, #tpu.memory_space<vmem>>, vector<16xi32>,
          %mul3A_282 = arith.constant 16 : i32
          %mul3A_283 = arith.muli %while3A_276, %mul3A_282 : i32
          %get3A_284 = arith.index_cast %mul3A_283 : i32 to index
          %get3A_285 = tpu.vector_load %arg14[%get3A_284] {strides = array<i32>} : memref<8208xi32, #tpu.memory_space<vmem>>, vector<16xi32>,
          %mul3A_286 = arith.constant 16 : i32
          %mul3A_287 = arith.muli %while3A_276, %mul3A_286 : i32
          %add3A_288 = vector.broadcast %mul3A_287 : i32 to vector<16xi32>
          %add3A_289 = arith.addi %add3A_288, %iota3A : vector<16xi32>
          %lt3A_290 = vector.broadcast %add3A_93 : i32 to vector<16xi32>
          %lt3A_291 = arith.cmpi slt, %add3A_289, %lt3A_290 : vector<16xi32>
          %shift_right_arithmetic3A_292 = arith.constant 10 : i32
          %shift_right_arithmetic3A_293 = vector.broadcast %shift_right_arithmetic3A_292 : i32 to vector<16xi32>
          %shift_right_arithmetic3A_294 = arith.shrsi %get3A_281, %shift_right_arithmetic3A_293 : vector<16xi32>
          %eq3A_295 = vector.broadcast %or3A : i32 to vector<16xi32>
          %eq3A_296 = arith.cmpi eq, %shift_right_arithmetic3A_294, %eq3A_295 : vector<16xi32>
          %and3A_297 = arith.andi %eq3A_296, %lt3A_291 : vector<16xi1>
          %and3A_298 = arith.constant 1023 : i32
          %and3A_299 = vector.broadcast %and3A_298 : i32 to vector<16xi32>
          %and3A_300 = arith.andi %get3A_281, %and3A_299 : vector<16xi32>
          tpu.vector_store_idx %arg11[%and3A_300], %broadcast_in_dim3A_0 masked %and3A_297 {add = true} : memref<1024xi32, #tpu.memory_space<vmem>>[vector<16xi32>], vector<16xi32>, vector<16xi1>
          %while3A_301 = arith.constant 0 : i32
          scf.yield %while3A_301 : i32
        }
        %sub3A_231 = arith.constant 300 : i32
        %sub3A_232 = arith.subi %sub3A_231, %scan3A_49#1 : i32
        %sub3A_233 = arith.subi %sub3A_232, %scan3A_208#1 : i32
        %scan3A_234 = arith.constant -1 : i32
        %scan3A_235 = arith.constant 0 : i32
        %scan3A_236 = arith.constant 0 : i32
        %scan3A_237 = arith.constant 0 : i32
        %scan3A_238 = arith.constant 64 : i32
        %scan3A_239 = arith.addi %scan3A_237, %scan3A_238 : i32
        %scan3A_240 = arith.constant 1 : i32
        %scan3A_241:3 = scf.for %scan3A_276 = %scan3A_237 to %scan3A_239 step %scan3A_240 iter_args(%scan3A_277 = %scan3A_234, %scan3A_278 = %scan3A_235, %scan3A_279 = %scan3A_236) -> (i32, i32, i32)  : i32 {
          %sub3A_280 = arith.constant 63 : i32
          %sub3A_281 = arith.subi %sub3A_280, %scan3A_276 : i32
          %mul3A_282 = arith.constant 16 : i32
          %mul3A_283 = arith.muli %sub3A_281, %mul3A_282 : i32
          %get3A_284 = arith.index_cast %mul3A_283 : i32 to index
          %get3A_285 = tpu.vector_load %arg11[%get3A_284] {strides = array<i32>} : memref<1024xi32, #tpu.memory_space<vmem>>, vector<16xi32>,
          %rev3A = arith.constant 15 : i32
          %rev3A_286 = vector.broadcast %rev3A : i32 to vector<16xi32>
          %rev3A_287 = tpu.iota {dimensions = array<i32: 0>} : vector<16xi32>
          %rev3A_288 = arith.subi %rev3A_286, %rev3A_287 : vector<16xi32>
          %rev3A_289 = tpu.dynamic_gather %get3A_285[%rev3A_288] in [0] : vector<16xi32>, vector<16xi32> -> vector<16xi32>
          %broadcast_in_dim3A_290 = arith.constant true
          %broadcast_in_dim3A_291 = vector.broadcast %broadcast_in_dim3A_290 : i1 to vector<16xi1>
          %masked_cumsum3A = tpu.scan <sum>, %rev3A_289 masked %broadcast_in_dim3A_291 : vector<16xi32>, vector<16xi1> -> vector<16xi32>
          %add3A_292 = vector.broadcast %scan3A_279 : i32 to vector<16xi32>
          %add3A_293 = arith.addi %add3A_292, %masked_cumsum3A : vector<16xi32>
          %ge3A = vector.broadcast %sub3A_233 : i32 to vector<16xi32>
          %ge3A_294 = arith.cmpi sge, %add3A_293, %ge3A : vector<16xi32>
          %all_reduce_ffs3A = tpu.all_reduce %ge3A_294 {dim = 0 : i64, kind = #tpu.reduction_kind<find_first_set>} : vector<16xi1> -> vector<16xi32>
          %slice3A = vector.extract_strided_slice %all_reduce_ffs3A {offsets = [0], sizes = [1], strides = [1]} : vector<16xi32> to vector<1xi32>
          %squeeze3A = vector.extract %slice3A[0] : i32 from vector<1xi32>
          %lt3A_295 = arith.constant 16 : i32
          %lt3A_296 = arith.cmpi slt, %squeeze3A, %lt3A_295 : i32
          %lt3A_297 = arith.constant 0 : i32
          %lt3A_298 = arith.cmpi slt, %scan3A_277, %lt3A_297 : i32
          %and3A_299 = arith.andi %lt3A_296, %lt3A_298 : i1
          %sub3A_300 = arith.constant 1 : i32
          %sub3A_301 = arith.subi %squeeze3A, %sub3A_300 : i32
          %eq3A_302 = vector.broadcast %sub3A_301 : i32 to vector<16xi32>
          %eq3A_303 = arith.cmpi eq, %iota3A, %eq3A_302 : vector<16xi32>
          %jit3A_304 = arith.constant 0 : i32
          %broadcast_in_dim3A_305 = vector.broadcast %jit3A_304 : i32 to vector<16xi32>
          %select_n3A_306 = arith.select %eq3A_303, %masked_cumsum3A, %broadcast_in_dim3A_305 : vector<16xi1>, vector<16xi32>
          %reduce_sum3A_307 = arith.constant true
          %reduce_sum3A_308 = vector.broadcast %reduce_sum3A_307 : i1 to vector<16xi1>
          %reduce_sum3A_309 = tpu.scan <sum>, %select_n3A_306 masked %reduce_sum3A_308 : vector<16xi32>, vector<16xi1> -> vector<16xi32>
          %reduce_sum3A_310 = vector.extract %reduce_sum3A_309[15] : i32 from vector<16xi32>
          %mul3A_311 = arith.constant 16 : i32
          %mul3A_312 = arith.muli %sub3A_281, %mul3A_311 : i32
          %add3A_313 = arith.constant 15 : i32
          %add3A_314 = arith.addi %mul3A_312, %add3A_313 : i32
          %sub3A_315 = arith.subi %add3A_314, %squeeze3A : i32
          %select_n3A_316 = arith.select %and3A_299, %sub3A_315, %scan3A_277 : i32
          %add3A_317 = arith.addi %scan3A_279, %reduce_sum3A_310 : i32
          %select_n3A_318 = arith.select %and3A_299, %add3A_317, %scan3A_278 : i32
          %slice3A_319 = vector.extract_strided_slice %masked_cumsum3A {offsets = [15], sizes = [1], strides = [1]} : vector<16xi32> to vector<1xi32>
          %squeeze3A_320 = vector.extract %slice3A_319[0] : i32 from vector<1xi32>
          %add3A_321 = arith.addi %scan3A_279, %squeeze3A_320 : i32
          scf.yield %select_n3A_316, %select_n3A_318, %add3A_321 : i32, i32, i32
        }
        %scan3A_242 = arith.constant 64 : i32
        %shift_left3A_243 = arith.constant 10 : i32
        %shift_left3A_244 = arith.shli %or3A, %shift_left3A_243 : i32
        %or3A_245 = arith.ori %shift_left3A_244, %scan3A_241#0 : i32
        %add3A_246 = arith.addi %scan3A_49#1, %scan3A_208#1 : i32
        %add3A_247 = arith.addi %add3A_246, %scan3A_241#1 : i32
        %sub3A_248 = arith.constant 300 : i32
        %sub3A_249 = arith.subi %sub3A_248, %add3A_247 : i32
        %while3A_250 = arith.constant 0 : i32
        %while3A_251 = arith.constant 0 : i32
        %while3A_252 = arith.subi %shift_right_arithmetic3A_180, %while3A_250 : i32
        %while3A_253 = arith.addi %while3A_250, %while3A_252 : i32
        %while3A_254 = arith.constant 1 : i32
        %while3A_255 = arith.divsi %while3A_252, %while3A_254 : i32
        %while3A_256 = arith.muli %while3A_255, %while3A_254 : i32
        %while3A_257 = arith.addi %while3A_250, %while3A_256 : i32
        %while3A_258 = arith.constant 1 : i32
        %while3A_259 = scf.for %while3A_276 = %while3A_250 to %while3A_257 step %while3A_258 iter_args(%while3A_277 = %while3A_251) -> (i32)  : i32 {
          %mul3A_278 = arith.constant 16 : i32
          %mul3A_279 = arith.muli %while3A_276, %mul3A_278 : i32
          %get3A_280 = arith.index_cast %mul3A_279 : i32 to index
          %get3A_281 = tpu.vector_load %arg13[%get3A_280] {strides = array<i32>} : memref<8208xi32, #tpu.memory_space<vmem>>, vector<16xi32>,
          %mul3A_282 = arith.constant 16 : i32
          %mul3A_283 = arith.muli %while3A_276, %mul3A_282 : i32
          %get3A_284 = arith.index_cast %mul3A_283 : i32 to index
          %get3A_285 = tpu.vector_load %arg14[%get3A_284] {strides = array<i32>} : memref<8208xi32, #tpu.memory_space<vmem>>, vector<16xi32>,
          %mul3A_286 = arith.constant 16 : i32
          %mul3A_287 = arith.muli %while3A_276, %mul3A_286 : i32
          %add3A_288 = vector.broadcast %mul3A_287 : i32 to vector<16xi32>
          %add3A_289 = arith.addi %add3A_288, %iota3A : vector<16xi32>
          %lt3A_290 = vector.broadcast %add3A_93 : i32 to vector<16xi32>
          %lt3A_291 = arith.cmpi slt, %add3A_289, %lt3A_290 : vector<16xi32>
          %gt3A_292 = vector.broadcast %or3A_245 : i32 to vector<16xi32>
          %gt3A_293 = arith.cmpi sgt, %get3A_281, %gt3A_292 : vector<16xi32>
          %and3A_294 = arith.andi %gt3A_293, %lt3A_291 : vector<16xi1>
          %swap3A_295 = arith.index_cast %while3A_277 : i32 to index
          %swap3A_296 = tpu.vector_load %arg15[%swap3A_295] masked %and3A_294 {strides = array<i32>} : memref<320xi32, #tpu.memory_space<vmem>>, vector<16xi32>, vector<16xi1>
          tpu.vector_store %arg15[%swap3A_295], %get3A_281 masked %and3A_294 {strides = array<i32>} : memref<320xi32, #tpu.memory_space<vmem>>, vector<16xi32>, vector<16xi1>
          %swap3A_297 = arith.index_cast %while3A_277 : i32 to index
          %swap3A_298 = tpu.vector_load %arg16[%swap3A_297] masked %and3A_294 {strides = array<i32>} : memref<320xi32, #tpu.memory_space<vmem>>, vector<16xi32>, vector<16xi1>
          tpu.vector_store %arg16[%swap3A_297], %get3A_285 masked %and3A_294 {strides = array<i32>} : memref<320xi32, #tpu.memory_space<vmem>>, vector<16xi32>, vector<16xi1>
          %all_reduce_population_count3A = tpu.all_reduce %and3A_294 {dim = 0 : i64, kind = #tpu.reduction_kind<sum>} : vector<16xi1> -> vector<16xi32>
          %slice3A = vector.extract_strided_slice %all_reduce_population_count3A {offsets = [0], sizes = [1], strides = [1]} : vector<16xi32> to vector<1xi32>
          %squeeze3A = vector.extract %slice3A[0] : i32 from vector<1xi32>
          %add3A_299 = arith.addi %while3A_277, %squeeze3A : i32
          scf.yield %add3A_299 : i32
        }
        %while3A_260 = arith.constant 1 : i32
        %while3A_261 = scf.for %while3A_276 = %while3A_257 to %while3A_253 step %while3A_260 iter_args(%while3A_277 = %while3A_259) -> (i32)  : i32 {
          %mul3A_278 = arith.constant 16 : i32
          %mul3A_279 = arith.muli %while3A_276, %mul3A_278 : i32
          %get3A_280 = arith.index_cast %mul3A_279 : i32 to index
          %get3A_281 = tpu.vector_load %arg13[%get3A_280] {strides = array<i32>} : memref<8208xi32, #tpu.memory_space<vmem>>, vector<16xi32>,
          %mul3A_282 = arith.constant 16 : i32
          %mul3A_283 = arith.muli %while3A_276, %mul3A_282 : i32
          %get3A_284 = arith.index_cast %mul3A_283 : i32 to index
          %get3A_285 = tpu.vector_load %arg14[%get3A_284] {strides = array<i32>} : memref<8208xi32, #tpu.memory_space<vmem>>, vector<16xi32>,
          %mul3A_286 = arith.constant 16 : i32
          %mul3A_287 = arith.muli %while3A_276, %mul3A_286 : i32
          %add3A_288 = vector.broadcast %mul3A_287 : i32 to vector<16xi32>
          %add3A_289 = arith.addi %add3A_288, %iota3A : vector<16xi32>
          %lt3A_290 = vector.broadcast %add3A_93 : i32 to vector<16xi32>
          %lt3A_291 = arith.cmpi slt, %add3A_289, %lt3A_290 : vector<16xi32>
          %gt3A_292 = vector.broadcast %or3A_245 : i32 to vector<16xi32>
          %gt3A_293 = arith.cmpi sgt, %get3A_281, %gt3A_292 : vector<16xi32>
          %and3A_294 = arith.andi %gt3A_293, %lt3A_291 : vector<16xi1>
          %swap3A_295 = arith.index_cast %while3A_277 : i32 to index
          %swap3A_296 = tpu.vector_load %arg15[%swap3A_295] masked %and3A_294 {strides = array<i32>} : memref<320xi32, #tpu.memory_space<vmem>>, vector<16xi32>, vector<16xi1>
          tpu.vector_store %arg15[%swap3A_295], %get3A_281 masked %and3A_294 {strides = array<i32>} : memref<320xi32, #tpu.memory_space<vmem>>, vector<16xi32>, vector<16xi1>
          %swap3A_297 = arith.index_cast %while3A_277 : i32 to index
          %swap3A_298 = tpu.vector_load %arg16[%swap3A_297] masked %and3A_294 {strides = array<i32>} : memref<320xi32, #tpu.memory_space<vmem>>, vector<16xi32>, vector<16xi1>
          tpu.vector_store %arg16[%swap3A_297], %get3A_285 masked %and3A_294 {strides = array<i32>} : memref<320xi32, #tpu.memory_space<vmem>>, vector<16xi32>, vector<16xi1>
          %all_reduce_population_count3A = tpu.all_reduce %and3A_294 {dim = 0 : i64, kind = #tpu.reduction_kind<sum>} : vector<16xi1> -> vector<16xi32>
          %slice3A = vector.extract_strided_slice %all_reduce_population_count3A {offsets = [0], sizes = [1], strides = [1]} : vector<16xi32> to vector<1xi32>
          %squeeze3A = vector.extract %slice3A[0] : i32 from vector<1xi32>
          %add3A_299 = arith.addi %while3A_277, %squeeze3A : i32
          scf.yield %add3A_299 : i32
        }
        %while3A_262 = arith.constant 0 : i32
        %while3A_263 = arith.constant 0 : i32
        %while3A_264 = arith.subi %shift_right_arithmetic3A_180, %while3A_262 : i32
        %while3A_265 = arith.addi %while3A_262, %while3A_264 : i32
        %while3A_266 = arith.constant 1 : i32
        %while3A_267 = arith.divsi %while3A_264, %while3A_266 : i32
        %while3A_268 = arith.muli %while3A_267, %while3A_266 : i32
        %while3A_269 = arith.addi %while3A_262, %while3A_268 : i32
        %while3A_270 = arith.constant 1 : i32
        %while3A_271 = scf.for %while3A_276 = %while3A_262 to %while3A_269 step %while3A_270 iter_args(%while3A_277 = %while3A_263) -> (i32)  : i32 {
          %mul3A_278 = arith.constant 16 : i32
          %mul3A_279 = arith.muli %while3A_276, %mul3A_278 : i32
          %get3A_280 = arith.index_cast %mul3A_279 : i32 to index
          %get3A_281 = tpu.vector_load %arg13[%get3A_280] {strides = array<i32>} : memref<8208xi32, #tpu.memory_space<vmem>>, vector<16xi32>,
          %mul3A_282 = arith.constant 16 : i32
          %mul3A_283 = arith.muli %while3A_276, %mul3A_282 : i32
          %get3A_284 = arith.index_cast %mul3A_283 : i32 to index
          %get3A_285 = tpu.vector_load %arg14[%get3A_284] {strides = array<i32>} : memref<8208xi32, #tpu.memory_space<vmem>>, vector<16xi32>,
          %mul3A_286 = arith.constant 16 : i32
          %mul3A_287 = arith.muli %while3A_276, %mul3A_286 : i32
          %add3A_288 = vector.broadcast %mul3A_287 : i32 to vector<16xi32>
          %add3A_289 = arith.addi %add3A_288, %iota3A : vector<16xi32>
          %lt3A_290 = vector.broadcast %add3A_93 : i32 to vector<16xi32>
          %lt3A_291 = arith.cmpi slt, %add3A_289, %lt3A_290 : vector<16xi32>
          %eq3A_292 = vector.broadcast %or3A_245 : i32 to vector<16xi32>
          %eq3A_293 = arith.cmpi eq, %get3A_281, %eq3A_292 : vector<16xi32>
          %and3A_294 = arith.andi %eq3A_293, %lt3A_291 : vector<16xi1>
          %min3A = arith.minsi %while3A_277, %sub3A_249 : i32
          %add3A_295 = arith.addi %add3A_247, %min3A : i32
          %swap3A_296 = arith.index_cast %add3A_295 : i32 to index
          %swap3A_297 = tpu.vector_load %arg15[%swap3A_296] masked %and3A_294 {strides = array<i32>} : memref<320xi32, #tpu.memory_space<vmem>>, vector<16xi32>, vector<16xi1>
          tpu.vector_store %arg15[%swap3A_296], %get3A_281 masked %and3A_294 {strides = array<i32>} : memref<320xi32, #tpu.memory_space<vmem>>, vector<16xi32>, vector<16xi1>
          %swap3A_298 = arith.index_cast %add3A_295 : i32 to index
          %swap3A_299 = tpu.vector_load %arg16[%swap3A_298] masked %and3A_294 {strides = array<i32>} : memref<320xi32, #tpu.memory_space<vmem>>, vector<16xi32>, vector<16xi1>
          tpu.vector_store %arg16[%swap3A_298], %get3A_285 masked %and3A_294 {strides = array<i32>} : memref<320xi32, #tpu.memory_space<vmem>>, vector<16xi32>, vector<16xi1>
          %all_reduce_population_count3A = tpu.all_reduce %and3A_294 {dim = 0 : i64, kind = #tpu.reduction_kind<sum>} : vector<16xi1> -> vector<16xi32>
          %slice3A = vector.extract_strided_slice %all_reduce_population_count3A {offsets = [0], sizes = [1], strides = [1]} : vector<16xi32> to vector<1xi32>
          %squeeze3A = vector.extract %slice3A[0] : i32 from vector<1xi32>
          %add3A_300 = arith.addi %while3A_277, %squeeze3A : i32
          scf.yield %add3A_300 : i32
        }
        %while3A_272 = arith.constant 1 : i32
        %while3A_273 = scf.for %while3A_276 = %while3A_269 to %while3A_265 step %while3A_272 iter_args(%while3A_277 = %while3A_271) -> (i32)  : i32 {
          %mul3A_278 = arith.constant 16 : i32
          %mul3A_279 = arith.muli %while3A_276, %mul3A_278 : i32
          %get3A_280 = arith.index_cast %mul3A_279 : i32 to index
          %get3A_281 = tpu.vector_load %arg13[%get3A_280] {strides = array<i32>} : memref<8208xi32, #tpu.memory_space<vmem>>, vector<16xi32>,
          %mul3A_282 = arith.constant 16 : i32
          %mul3A_283 = arith.muli %while3A_276, %mul3A_282 : i32
          %get3A_284 = arith.index_cast %mul3A_283 : i32 to index
          %get3A_285 = tpu.vector_load %arg14[%get3A_284] {strides = array<i32>} : memref<8208xi32, #tpu.memory_space<vmem>>, vector<16xi32>,
          %mul3A_286 = arith.constant 16 : i32
          %mul3A_287 = arith.muli %while3A_276, %mul3A_286 : i32
          %add3A_288 = vector.broadcast %mul3A_287 : i32 to vector<16xi32>
          %add3A_289 = arith.addi %add3A_288, %iota3A : vector<16xi32>
          %lt3A_290 = vector.broadcast %add3A_93 : i32 to vector<16xi32>
          %lt3A_291 = arith.cmpi slt, %add3A_289, %lt3A_290 : vector<16xi32>
          %eq3A_292 = vector.broadcast %or3A_245 : i32 to vector<16xi32>
          %eq3A_293 = arith.cmpi eq, %get3A_281, %eq3A_292 : vector<16xi32>
          %and3A_294 = arith.andi %eq3A_293, %lt3A_291 : vector<16xi1>
          %min3A = arith.minsi %while3A_277, %sub3A_249 : i32
          %add3A_295 = arith.addi %add3A_247, %min3A : i32
          %swap3A_296 = arith.index_cast %add3A_295 : i32 to index
          %swap3A_297 = tpu.vector_load %arg15[%swap3A_296] masked %and3A_294 {strides = array<i32>} : memref<320xi32, #tpu.memory_space<vmem>>, vector<16xi32>, vector<16xi1>
          tpu.vector_store %arg15[%swap3A_296], %get3A_281 masked %and3A_294 {strides = array<i32>} : memref<320xi32, #tpu.memory_space<vmem>>, vector<16xi32>, vector<16xi1>
          %swap3A_298 = arith.index_cast %add3A_295 : i32 to index
          %swap3A_299 = tpu.vector_load %arg16[%swap3A_298] masked %and3A_294 {strides = array<i32>} : memref<320xi32, #tpu.memory_space<vmem>>, vector<16xi32>, vector<16xi1>
          tpu.vector_store %arg16[%swap3A_298], %get3A_285 masked %and3A_294 {strides = array<i32>} : memref<320xi32, #tpu.memory_space<vmem>>, vector<16xi32>, vector<16xi1>
          %all_reduce_population_count3A = tpu.all_reduce %and3A_294 {dim = 0 : i64, kind = #tpu.reduction_kind<sum>} : vector<16xi1> -> vector<16xi32>
          %slice3A = vector.extract_strided_slice %all_reduce_population_count3A {offsets = [0], sizes = [1], strides = [1]} : vector<16xi32> to vector<1xi32>
          %squeeze3A = vector.extract %slice3A[0] : i32 from vector<1xi32>
          %add3A_300 = arith.addi %while3A_277, %squeeze3A : i32
          scf.yield %add3A_300 : i32
        }
        %swap3A_274 = arith.constant 300 : index
        %swap3A_275 = tpu.vector_load %arg15[%swap3A_274] {strides = array<i32>} : memref<320xi32, #tpu.memory_space<vmem>>, vector<16xi32>,
        tpu.vector_store %arg15[%swap3A_274], %broadcast_in_dim3A_2 {strides = array<i32>} : memref<320xi32, #tpu.memory_space<vmem>>, vector<16xi32>,
      } else {
      }
      %gt3A = arith.constant 8192 : i32
      %gt3A_96 = arith.cmpi sgt, %add3A_93, %gt3A : i32
      %convert_element_type3A_97 = arith.extui %gt3A_96 : i1 to i32
      %cond3A_98 = arith.constant 0 : i32
      %cond3A_99 = arith.cmpi ne, %convert_element_type3A_97, %cond3A_98 : i32
      scf.if %cond3A_99 {
        %scan3A_171 = arith.constant 0 : i32
        %scan3A_172 = arith.constant 0 : i32
        %scan3A_173 = arith.constant 64 : i32
        %scan3A_174 = arith.addi %scan3A_172, %scan3A_173 : i32
        %scan3A_175 = arith.constant 1 : i32
        %scan3A_176 = scf.for %scan3A_247 = %scan3A_172 to %scan3A_174 step %scan3A_175 iter_args(%scan3A_248 = %scan3A_171) -> (i32)  : i32 {
          %mul3A_249 = arith.constant 16 : i32
          %mul3A_250 = arith.muli %scan3A_247, %mul3A_249 : i32
          %swap3A_251 = arith.index_cast %mul3A_250 : i32 to index
          %swap3A_252 = tpu.vector_load %arg11[%swap3A_251] {strides = array<i32>} : memref<1024xi32, #tpu.memory_space<vmem>>, vector<16xi32>,
          tpu.vector_store %arg11[%swap3A_251], %broadcast_in_dim3A_2 {strides = array<i32>} : memref<1024xi32, #tpu.memory_space<vmem>>, vector<16xi32>,
          %scan3A_253 = arith.constant 0 : i32
          scf.yield %scan3A_253 : i32
        }
        %scan3A_177 = arith.constant 64 : i32
        %scan3A_178 = arith.constant 0 : i32
        %scan3A_179 = arith.constant 0 : i32
        %scan3A_180 = arith.constant 5000 : i32
        %scan3A_181 = arith.addi %scan3A_179, %scan3A_180 : i32
        %scan3A_182 = arith.constant 1 : i32
        %scan3A_183 = scf.for %scan3A_247 = %scan3A_179 to %scan3A_181 step %scan3A_182 iter_args(%scan3A_248 = %scan3A_178) -> (i32)  : i32 {
          %mul3A_249 = arith.constant 16 : i32
          %mul3A_250 = arith.muli %scan3A_247, %mul3A_249 : i32
          %get3A_251 = arith.index_cast %mul3A_250 : i32 to index
          %get3A_252 = tpu.vector_load %arg8[%get3A_251] {strides = array<i32>} : memref<80000xi32, #tpu.memory_space<vmem>>, vector<16xi32>,
          %max3A = arith.constant 1 : i32
          %max3A_253 = vector.broadcast %max3A : i32 to vector<16xi32>
          %max3A_254 = arith.maxsi %get3A_252, %max3A_253 : vector<16xi32>
          %mul3A_255 = arith.constant 16 : i32
          %mul3A_256 = arith.muli %scan3A_247, %mul3A_255 : i32
          %add3A_257 = vector.broadcast %mul3A_256 : i32 to vector<16xi32>
          %add3A_258 = arith.addi %add3A_257, %iota3A : vector<16xi32>
          %shift_right_arithmetic3A = arith.constant 20 : i32
          %shift_right_arithmetic3A_259 = vector.broadcast %shift_right_arithmetic3A : i32 to vector<16xi32>
          %shift_right_arithmetic3A_260 = arith.shrsi %max3A_254, %shift_right_arithmetic3A_259 : vector<16xi32>
          %eq3A_261 = vector.broadcast %scan3A_49#0 : i32 to vector<16xi32>
          %eq3A_262 = arith.cmpi eq, %shift_right_arithmetic3A_260, %eq3A_261 : vector<16xi32>
          %shift_right_arithmetic3A_263 = arith.constant 10 : i32
          %shift_right_arithmetic3A_264 = vector.broadcast %shift_right_arithmetic3A_263 : i32 to vector<16xi32>
          %shift_right_arithmetic3A_265 = arith.shrsi %max3A_254, %shift_right_arithmetic3A_264 : vector<16xi32>
          %and3A_266 = arith.constant 1023 : i32
          %and3A_267 = vector.broadcast %and3A_266 : i32 to vector<16xi32>
          %and3A_268 = arith.andi %shift_right_arithmetic3A_265, %and3A_267 : vector<16xi32>
          tpu.vector_store_idx %arg11[%and3A_268], %broadcast_in_dim3A_0 masked %eq3A_262 {add = true} : memref<1024xi32, #tpu.memory_space<vmem>>[vector<16xi32>], vector<16xi32>, vector<16xi1>
          %scan3A_269 = arith.constant 0 : i32
          scf.yield %scan3A_269 : i32
        }
        %scan3A_184 = arith.constant 5000 : i32
        %sub3A_185 = arith.constant 300 : i32
        %sub3A_186 = arith.subi %sub3A_185, %scan3A_49#1 : i32
        %scan3A_187 = arith.constant -1 : i32
        %scan3A_188 = arith.constant 0 : i32
        %scan3A_189 = arith.constant 0 : i32
        %scan3A_190 = arith.constant 0 : i32
        %scan3A_191 = arith.constant 64 : i32
        %scan3A_192 = arith.addi %scan3A_190, %scan3A_191 : i32
        %scan3A_193 = arith.constant 1 : i32
        %scan3A_194:3 = scf.for %scan3A_247 = %scan3A_190 to %scan3A_192 step %scan3A_193 iter_args(%scan3A_248 = %scan3A_187, %scan3A_249 = %scan3A_188, %scan3A_250 = %scan3A_189) -> (i32, i32, i32)  : i32 {
          %sub3A_251 = arith.constant 63 : i32
          %sub3A_252 = arith.subi %sub3A_251, %scan3A_247 : i32
          %mul3A_253 = arith.constant 16 : i32
          %mul3A_254 = arith.muli %sub3A_252, %mul3A_253 : i32
          %get3A_255 = arith.index_cast %mul3A_254 : i32 to index
          %get3A_256 = tpu.vector_load %arg11[%get3A_255] {strides = array<i32>} : memref<1024xi32, #tpu.memory_space<vmem>>, vector<16xi32>,
          %rev3A = arith.constant 15 : i32
          %rev3A_257 = vector.broadcast %rev3A : i32 to vector<16xi32>
          %rev3A_258 = tpu.iota {dimensions = array<i32: 0>} : vector<16xi32>
          %rev3A_259 = arith.subi %rev3A_257, %rev3A_258 : vector<16xi32>
          %rev3A_260 = tpu.dynamic_gather %get3A_256[%rev3A_259] in [0] : vector<16xi32>, vector<16xi32> -> vector<16xi32>
          %broadcast_in_dim3A_261 = arith.constant true
          %broadcast_in_dim3A_262 = vector.broadcast %broadcast_in_dim3A_261 : i1 to vector<16xi1>
          %masked_cumsum3A = tpu.scan <sum>, %rev3A_260 masked %broadcast_in_dim3A_262 : vector<16xi32>, vector<16xi1> -> vector<16xi32>
          %add3A_263 = vector.broadcast %scan3A_250 : i32 to vector<16xi32>
          %add3A_264 = arith.addi %add3A_263, %masked_cumsum3A : vector<16xi32>
          %ge3A = vector.broadcast %sub3A_186 : i32 to vector<16xi32>
          %ge3A_265 = arith.cmpi sge, %add3A_264, %ge3A : vector<16xi32>
          %all_reduce_ffs3A = tpu.all_reduce %ge3A_265 {dim = 0 : i64, kind = #tpu.reduction_kind<find_first_set>} : vector<16xi1> -> vector<16xi32>
          %slice3A = vector.extract_strided_slice %all_reduce_ffs3A {offsets = [0], sizes = [1], strides = [1]} : vector<16xi32> to vector<1xi32>
          %squeeze3A = vector.extract %slice3A[0] : i32 from vector<1xi32>
          %lt3A_266 = arith.constant 16 : i32
          %lt3A_267 = arith.cmpi slt, %squeeze3A, %lt3A_266 : i32
          %lt3A_268 = arith.constant 0 : i32
          %lt3A_269 = arith.cmpi slt, %scan3A_248, %lt3A_268 : i32
          %and3A_270 = arith.andi %lt3A_267, %lt3A_269 : i1
          %sub3A_271 = arith.constant 1 : i32
          %sub3A_272 = arith.subi %squeeze3A, %sub3A_271 : i32
          %eq3A_273 = vector.broadcast %sub3A_272 : i32 to vector<16xi32>
          %eq3A_274 = arith.cmpi eq, %iota3A, %eq3A_273 : vector<16xi32>
          %jit3A_275 = arith.constant 0 : i32
          %broadcast_in_dim3A_276 = vector.broadcast %jit3A_275 : i32 to vector<16xi32>
          %select_n3A_277 = arith.select %eq3A_274, %masked_cumsum3A, %broadcast_in_dim3A_276 : vector<16xi1>, vector<16xi32>
          %reduce_sum3A_278 = arith.constant true
          %reduce_sum3A_279 = vector.broadcast %reduce_sum3A_278 : i1 to vector<16xi1>
          %reduce_sum3A_280 = tpu.scan <sum>, %select_n3A_277 masked %reduce_sum3A_279 : vector<16xi32>, vector<16xi1> -> vector<16xi32>
          %reduce_sum3A_281 = vector.extract %reduce_sum3A_280[15] : i32 from vector<16xi32>
          %mul3A_282 = arith.constant 16 : i32
          %mul3A_283 = arith.muli %sub3A_252, %mul3A_282 : i32
          %add3A_284 = arith.constant 15 : i32
          %add3A_285 = arith.addi %mul3A_283, %add3A_284 : i32
          %sub3A_286 = arith.subi %add3A_285, %squeeze3A : i32
          %select_n3A_287 = arith.select %and3A_270, %sub3A_286, %scan3A_248 : i32
          %add3A_288 = arith.addi %scan3A_250, %reduce_sum3A_281 : i32
          %select_n3A_289 = arith.select %and3A_270, %add3A_288, %scan3A_249 : i32
          %slice3A_290 = vector.extract_strided_slice %masked_cumsum3A {offsets = [15], sizes = [1], strides = [1]} : vector<16xi32> to vector<1xi32>
          %squeeze3A_291 = vector.extract %slice3A_290[0] : i32 from vector<1xi32>
          %add3A_292 = arith.addi %scan3A_250, %squeeze3A_291 : i32
          scf.yield %select_n3A_287, %select_n3A_289, %add3A_292 : i32, i32, i32
        }
        %scan3A_195 = arith.constant 64 : i32
        %shift_left3A_196 = arith.constant 10 : i32
        %shift_left3A_197 = arith.shli %scan3A_49#0, %shift_left3A_196 : i32
        %or3A = arith.ori %shift_left3A_197, %scan3A_194#0 : i32
        %scan3A_198 = arith.constant 0 : i32
        %scan3A_199 = arith.constant 0 : i32
        %scan3A_200 = arith.constant 64 : i32
        %scan3A_201 = arith.addi %scan3A_199, %scan3A_200 : i32
        %scan3A_202 = arith.constant 1 : i32
        %scan3A_203 = scf.for %scan3A_247 = %scan3A_199 to %scan3A_201 step %scan3A_202 iter_args(%scan3A_248 = %scan3A_198) -> (i32)  : i32 {
          %mul3A_249 = arith.constant 16 : i32
          %mul3A_250 = arith.muli %scan3A_247, %mul3A_249 : i32
          %swap3A_251 = arith.index_cast %mul3A_250 : i32 to index
          %swap3A_252 = tpu.vector_load %arg11[%swap3A_251] {strides = array<i32>} : memref<1024xi32, #tpu.memory_space<vmem>>, vector<16xi32>,
          tpu.vector_store %arg11[%swap3A_251], %broadcast_in_dim3A_2 {strides = array<i32>} : memref<1024xi32, #tpu.memory_space<vmem>>, vector<16xi32>,
          %scan3A_253 = arith.constant 0 : i32
          scf.yield %scan3A_253 : i32
        }
        %scan3A_204 = arith.constant 64 : i32
        %scan3A_205 = arith.constant 0 : i32
        %scan3A_206 = arith.constant 0 : i32
        %scan3A_207 = arith.constant 5000 : i32
        %scan3A_208 = arith.addi %scan3A_206, %scan3A_207 : i32
        %scan3A_209 = arith.constant 1 : i32
        %scan3A_210 = scf.for %scan3A_247 = %scan3A_206 to %scan3A_208 step %scan3A_209 iter_args(%scan3A_248 = %scan3A_205) -> (i32)  : i32 {
          %mul3A_249 = arith.constant 16 : i32
          %mul3A_250 = arith.muli %scan3A_247, %mul3A_249 : i32
          %get3A_251 = arith.index_cast %mul3A_250 : i32 to index
          %get3A_252 = tpu.vector_load %arg8[%get3A_251] {strides = array<i32>} : memref<80000xi32, #tpu.memory_space<vmem>>, vector<16xi32>,
          %max3A = arith.constant 1 : i32
          %max3A_253 = vector.broadcast %max3A : i32 to vector<16xi32>
          %max3A_254 = arith.maxsi %get3A_252, %max3A_253 : vector<16xi32>
          %mul3A_255 = arith.constant 16 : i32
          %mul3A_256 = arith.muli %scan3A_247, %mul3A_255 : i32
          %add3A_257 = vector.broadcast %mul3A_256 : i32 to vector<16xi32>
          %add3A_258 = arith.addi %add3A_257, %iota3A : vector<16xi32>
          %shift_right_arithmetic3A = arith.constant 10 : i32
          %shift_right_arithmetic3A_259 = vector.broadcast %shift_right_arithmetic3A : i32 to vector<16xi32>
          %shift_right_arithmetic3A_260 = arith.shrsi %max3A_254, %shift_right_arithmetic3A_259 : vector<16xi32>
          %eq3A_261 = vector.broadcast %or3A : i32 to vector<16xi32>
          %eq3A_262 = arith.cmpi eq, %shift_right_arithmetic3A_260, %eq3A_261 : vector<16xi32>
          %and3A_263 = arith.constant 1023 : i32
          %and3A_264 = vector.broadcast %and3A_263 : i32 to vector<16xi32>
          %and3A_265 = arith.andi %max3A_254, %and3A_264 : vector<16xi32>
          tpu.vector_store_idx %arg11[%and3A_265], %broadcast_in_dim3A_0 masked %eq3A_262 {add = true} : memref<1024xi32, #tpu.memory_space<vmem>>[vector<16xi32>], vector<16xi32>, vector<16xi1>
          %scan3A_266 = arith.constant 0 : i32
          scf.yield %scan3A_266 : i32
        }
        %scan3A_211 = arith.constant 5000 : i32
        %sub3A_212 = arith.constant 300 : i32
        %sub3A_213 = arith.subi %sub3A_212, %scan3A_49#1 : i32
        %sub3A_214 = arith.subi %sub3A_213, %scan3A_194#1 : i32
        %scan3A_215 = arith.constant -1 : i32
        %scan3A_216 = arith.constant 0 : i32
        %scan3A_217 = arith.constant 0 : i32
        %scan3A_218 = arith.constant 0 : i32
        %scan3A_219 = arith.constant 64 : i32
        %scan3A_220 = arith.addi %scan3A_218, %scan3A_219 : i32
        %scan3A_221 = arith.constant 1 : i32
        %scan3A_222:3 = scf.for %scan3A_247 = %scan3A_218 to %scan3A_220 step %scan3A_221 iter_args(%scan3A_248 = %scan3A_215, %scan3A_249 = %scan3A_216, %scan3A_250 = %scan3A_217) -> (i32, i32, i32)  : i32 {
          %sub3A_251 = arith.constant 63 : i32
          %sub3A_252 = arith.subi %sub3A_251, %scan3A_247 : i32
          %mul3A_253 = arith.constant 16 : i32
          %mul3A_254 = arith.muli %sub3A_252, %mul3A_253 : i32
          %get3A_255 = arith.index_cast %mul3A_254 : i32 to index
          %get3A_256 = tpu.vector_load %arg11[%get3A_255] {strides = array<i32>} : memref<1024xi32, #tpu.memory_space<vmem>>, vector<16xi32>,
          %rev3A = arith.constant 15 : i32
          %rev3A_257 = vector.broadcast %rev3A : i32 to vector<16xi32>
          %rev3A_258 = tpu.iota {dimensions = array<i32: 0>} : vector<16xi32>
          %rev3A_259 = arith.subi %rev3A_257, %rev3A_258 : vector<16xi32>
          %rev3A_260 = tpu.dynamic_gather %get3A_256[%rev3A_259] in [0] : vector<16xi32>, vector<16xi32> -> vector<16xi32>
          %broadcast_in_dim3A_261 = arith.constant true
          %broadcast_in_dim3A_262 = vector.broadcast %broadcast_in_dim3A_261 : i1 to vector<16xi1>
          %masked_cumsum3A = tpu.scan <sum>, %rev3A_260 masked %broadcast_in_dim3A_262 : vector<16xi32>, vector<16xi1> -> vector<16xi32>
          %add3A_263 = vector.broadcast %scan3A_250 : i32 to vector<16xi32>
          %add3A_264 = arith.addi %add3A_263, %masked_cumsum3A : vector<16xi32>
          %ge3A = vector.broadcast %sub3A_214 : i32 to vector<16xi32>
          %ge3A_265 = arith.cmpi sge, %add3A_264, %ge3A : vector<16xi32>
          %all_reduce_ffs3A = tpu.all_reduce %ge3A_265 {dim = 0 : i64, kind = #tpu.reduction_kind<find_first_set>} : vector<16xi1> -> vector<16xi32>
          %slice3A = vector.extract_strided_slice %all_reduce_ffs3A {offsets = [0], sizes = [1], strides = [1]} : vector<16xi32> to vector<1xi32>
          %squeeze3A = vector.extract %slice3A[0] : i32 from vector<1xi32>
          %lt3A_266 = arith.constant 16 : i32
          %lt3A_267 = arith.cmpi slt, %squeeze3A, %lt3A_266 : i32
          %lt3A_268 = arith.constant 0 : i32
          %lt3A_269 = arith.cmpi slt, %scan3A_248, %lt3A_268 : i32
          %and3A_270 = arith.andi %lt3A_267, %lt3A_269 : i1
          %sub3A_271 = arith.constant 1 : i32
          %sub3A_272 = arith.subi %squeeze3A, %sub3A_271 : i32
          %eq3A_273 = vector.broadcast %sub3A_272 : i32 to vector<16xi32>
          %eq3A_274 = arith.cmpi eq, %iota3A, %eq3A_273 : vector<16xi32>
          %jit3A_275 = arith.constant 0 : i32
          %broadcast_in_dim3A_276 = vector.broadcast %jit3A_275 : i32 to vector<16xi32>
          %select_n3A_277 = arith.select %eq3A_274, %masked_cumsum3A, %broadcast_in_dim3A_276 : vector<16xi1>, vector<16xi32>
          %reduce_sum3A_278 = arith.constant true
          %reduce_sum3A_279 = vector.broadcast %reduce_sum3A_278 : i1 to vector<16xi1>
          %reduce_sum3A_280 = tpu.scan <sum>, %select_n3A_277 masked %reduce_sum3A_279 : vector<16xi32>, vector<16xi1> -> vector<16xi32>
          %reduce_sum3A_281 = vector.extract %reduce_sum3A_280[15] : i32 from vector<16xi32>
          %mul3A_282 = arith.constant 16 : i32
          %mul3A_283 = arith.muli %sub3A_252, %mul3A_282 : i32
          %add3A_284 = arith.constant 15 : i32
          %add3A_285 = arith.addi %mul3A_283, %add3A_284 : i32
          %sub3A_286 = arith.subi %add3A_285, %squeeze3A : i32
          %select_n3A_287 = arith.select %and3A_270, %sub3A_286, %scan3A_248 : i32
          %add3A_288 = arith.addi %scan3A_250, %reduce_sum3A_281 : i32
          %select_n3A_289 = arith.select %and3A_270, %add3A_288, %scan3A_249 : i32
          %slice3A_290 = vector.extract_strided_slice %masked_cumsum3A {offsets = [15], sizes = [1], strides = [1]} : vector<16xi32> to vector<1xi32>
          %squeeze3A_291 = vector.extract %slice3A_290[0] : i32 from vector<1xi32>
          %add3A_292 = arith.addi %scan3A_250, %squeeze3A_291 : i32
          scf.yield %select_n3A_287, %select_n3A_289, %add3A_292 : i32, i32, i32
        }
        %scan3A_223 = arith.constant 64 : i32
        %shift_left3A_224 = arith.constant 10 : i32
        %shift_left3A_225 = arith.shli %or3A, %shift_left3A_224 : i32
        %or3A_226 = arith.ori %shift_left3A_225, %scan3A_222#0 : i32
        %add3A_227 = arith.addi %scan3A_49#1, %scan3A_194#1 : i32
        %add3A_228 = arith.addi %add3A_227, %scan3A_222#1 : i32
        %sub3A_229 = arith.constant 300 : i32
        %sub3A_230 = arith.subi %sub3A_229, %add3A_228 : i32
        %scan3A_231 = arith.constant 0 : i32
        %scan3A_232 = arith.constant 0 : i32
        %scan3A_233 = arith.constant 5000 : i32
        %scan3A_234 = arith.addi %scan3A_232, %scan3A_233 : i32
        %scan3A_235 = arith.constant 1 : i32
        %scan3A_236 = scf.for %scan3A_247 = %scan3A_232 to %scan3A_234 step %scan3A_235 iter_args(%scan3A_248 = %scan3A_231) -> (i32)  : i32 {
          %mul3A_249 = arith.constant 16 : i32
          %mul3A_250 = arith.muli %scan3A_247, %mul3A_249 : i32
          %get3A_251 = arith.index_cast %mul3A_250 : i32 to index
          %get3A_252 = tpu.vector_load %arg8[%get3A_251] {strides = array<i32>} : memref<80000xi32, #tpu.memory_space<vmem>>, vector<16xi32>,
          %max3A = arith.constant 1 : i32
          %max3A_253 = vector.broadcast %max3A : i32 to vector<16xi32>
          %max3A_254 = arith.maxsi %get3A_252, %max3A_253 : vector<16xi32>
          %mul3A_255 = arith.constant 16 : i32
          %mul3A_256 = arith.muli %scan3A_247, %mul3A_255 : i32
          %add3A_257 = vector.broadcast %mul3A_256 : i32 to vector<16xi32>
          %add3A_258 = arith.addi %add3A_257, %iota3A : vector<16xi32>
          %gt3A_259 = vector.broadcast %or3A_226 : i32 to vector<16xi32>
          %gt3A_260 = arith.cmpi sgt, %max3A_254, %gt3A_259 : vector<16xi32>
          %swap3A_261 = arith.index_cast %scan3A_248 : i32 to index
          %swap3A_262 = tpu.vector_load %arg15[%swap3A_261] masked %gt3A_260 {strides = array<i32>} : memref<320xi32, #tpu.memory_space<vmem>>, vector<16xi32>, vector<16xi1>
          tpu.vector_store %arg15[%swap3A_261], %max3A_254 masked %gt3A_260 {strides = array<i32>} : memref<320xi32, #tpu.memory_space<vmem>>, vector<16xi32>, vector<16xi1>
          %swap3A_263 = arith.index_cast %scan3A_248 : i32 to index
          %swap3A_264 = tpu.vector_load %arg16[%swap3A_263] masked %gt3A_260 {strides = array<i32>} : memref<320xi32, #tpu.memory_space<vmem>>, vector<16xi32>, vector<16xi1>
          tpu.vector_store %arg16[%swap3A_263], %add3A_258 masked %gt3A_260 {strides = array<i32>} : memref<320xi32, #tpu.memory_space<vmem>>, vector<16xi32>, vector<16xi1>
          %all_reduce_population_count3A = tpu.all_reduce %gt3A_260 {dim = 0 : i64, kind = #tpu.reduction_kind<sum>} : vector<16xi1> -> vector<16xi32>
          %slice3A = vector.extract_strided_slice %all_reduce_population_count3A {offsets = [0], sizes = [1], strides = [1]} : vector<16xi32> to vector<1xi32>
          %squeeze3A = vector.extract %slice3A[0] : i32 from vector<1xi32>
          %add3A_265 = arith.addi %scan3A_248, %squeeze3A : i32
          scf.yield %add3A_265 : i32
        }
        %scan3A_237 = arith.constant 5000 : i32
        %scan3A_238 = arith.constant 0 : i32
        %scan3A_239 = arith.constant 0 : i32
        %scan3A_240 = arith.constant 5000 : i32
        %scan3A_241 = arith.addi %scan3A_239, %scan3A_240 : i32
        %scan3A_242 = arith.constant 1 : i32
        %scan3A_243 = scf.for %scan3A_247 = %scan3A_239 to %scan3A_241 step %scan3A_242 iter_args(%scan3A_248 = %scan3A_238) -> (i32)  : i32 {
          %mul3A_249 = arith.constant 16 : i32
          %mul3A_250 = arith.muli %scan3A_247, %mul3A_249 : i32
          %get3A_251 = arith.index_cast %mul3A_250 : i32 to index
          %get3A_252 = tpu.vector_load %arg8[%get3A_251] {strides = array<i32>} : memref<80000xi32, #tpu.memory_space<vmem>>, vector<16xi32>,
          %max3A = arith.constant 1 : i32
          %max3A_253 = vector.broadcast %max3A : i32 to vector<16xi32>
          %max3A_254 = arith.maxsi %get3A_252, %max3A_253 : vector<16xi32>
          %mul3A_255 = arith.constant 16 : i32
          %mul3A_256 = arith.muli %scan3A_247, %mul3A_255 : i32
          %add3A_257 = vector.broadcast %mul3A_256 : i32 to vector<16xi32>
          %add3A_258 = arith.addi %add3A_257, %iota3A : vector<16xi32>
          %eq3A_259 = vector.broadcast %or3A_226 : i32 to vector<16xi32>
          %eq3A_260 = arith.cmpi eq, %max3A_254, %eq3A_259 : vector<16xi32>
          %min3A = arith.minsi %scan3A_248, %sub3A_230 : i32
          %add3A_261 = arith.addi %add3A_228, %min3A : i32
          %swap3A_262 = arith.index_cast %add3A_261 : i32 to index
          %swap3A_263 = tpu.vector_load %arg15[%swap3A_262] masked %eq3A_260 {strides = array<i32>} : memref<320xi32, #tpu.memory_space<vmem>>, vector<16xi32>, vector<16xi1>
          tpu.vector_store %arg15[%swap3A_262], %max3A_254 masked %eq3A_260 {strides = array<i32>} : memref<320xi32, #tpu.memory_space<vmem>>, vector<16xi32>, vector<16xi1>
          %swap3A_264 = arith.index_cast %add3A_261 : i32 to index
          %swap3A_265 = tpu.vector_load %arg16[%swap3A_264] masked %eq3A_260 {strides = array<i32>} : memref<320xi32, #tpu.memory_space<vmem>>, vector<16xi32>, vector<16xi1>
          tpu.vector_store %arg16[%swap3A_264], %add3A_258 masked %eq3A_260 {strides = array<i32>} : memref<320xi32, #tpu.memory_space<vmem>>, vector<16xi32>, vector<16xi1>
          %all_reduce_population_count3A = tpu.all_reduce %eq3A_260 {dim = 0 : i64, kind = #tpu.reduction_kind<sum>} : vector<16xi1> -> vector<16xi32>
          %slice3A = vector.extract_strided_slice %all_reduce_population_count3A {offsets = [0], sizes = [1], strides = [1]} : vector<16xi32> to vector<1xi32>
          %squeeze3A = vector.extract %slice3A[0] : i32 from vector<1xi32>
          %add3A_266 = arith.addi %scan3A_248, %squeeze3A : i32
          scf.yield %add3A_266 : i32
        }
        %scan3A_244 = arith.constant 5000 : i32
        %swap3A_245 = arith.constant 300 : index
        %swap3A_246 = tpu.vector_load %arg15[%swap3A_245] {strides = array<i32>} : memref<320xi32, #tpu.memory_space<vmem>>, vector<16xi32>,
        tpu.vector_store %arg15[%swap3A_245], %broadcast_in_dim3A_2 {strides = array<i32>} : memref<320xi32, #tpu.memory_space<vmem>>, vector<16xi32>,
      } else {
      }
      %swap3A = arith.constant 300 : index
      %swap3A_100 = tpu.vector_load %arg17[%swap3A] {strides = array<i32>} : memref<320xi32, #tpu.memory_space<vmem>>, vector<16xi32>,
      tpu.vector_store %arg17[%swap3A], %broadcast_in_dim3A_2 {strides = array<i32>} : memref<320xi32, #tpu.memory_space<vmem>>, vector<16xi32>,
      %swap3A_101 = arith.constant 304 : index
      %swap3A_102 = tpu.vector_load %arg17[%swap3A_101] {strides = array<i32>} : memref<320xi32, #tpu.memory_space<vmem>>, vector<16xi32>,
      tpu.vector_store %arg17[%swap3A_101], %broadcast_in_dim3A_2 {strides = array<i32>} : memref<320xi32, #tpu.memory_space<vmem>>, vector<16xi32>,
      %swap3A_103 = arith.constant 300 : index
      %swap3A_104 = tpu.vector_load %arg18[%swap3A_103] {strides = array<i32>} : memref<320xi32, #tpu.memory_space<vmem>>, vector<16xi32>,
      tpu.vector_store %arg18[%swap3A_103], %broadcast_in_dim3A_2 {strides = array<i32>} : memref<320xi32, #tpu.memory_space<vmem>>, vector<16xi32>,
      %swap3A_105 = arith.constant 304 : index
      %swap3A_106 = tpu.vector_load %arg18[%swap3A_105] {strides = array<i32>} : memref<320xi32, #tpu.memory_space<vmem>>, vector<16xi32>,
      tpu.vector_store %arg18[%swap3A_105], %broadcast_in_dim3A_2 {strides = array<i32>} : memref<320xi32, #tpu.memory_space<vmem>>, vector<16xi32>,
      %get3A_107 = arith.constant 0 : index
      %get3A_108 = tpu.vector_load %arg15[%get3A_107] {strides = array<i32>} : memref<320xi32, #tpu.memory_space<vmem>>, vector<16xi32>,
      %get3A_109 = arith.constant 16 : index
      %get3A_110 = tpu.vector_load %arg15[%get3A_109] {strides = array<i32>} : memref<320xi32, #tpu.memory_space<vmem>>, vector<16xi32>,
      %get3A_111 = arith.constant 32 : index
      %get3A_112 = tpu.vector_load %arg15[%get3A_111] {strides = array<i32>} : memref<320xi32, #tpu.memory_space<vmem>>, vector<16xi32>,
      %get3A_113 = arith.constant 48 : index
      %get3A_114 = tpu.vector_load %arg15[%get3A_113] {strides = array<i32>} : memref<320xi32, #tpu.memory_space<vmem>>, vector<16xi32>,
      %get3A_115 = arith.constant 64 : index
      %get3A_116 = tpu.vector_load %arg15[%get3A_115] {strides = array<i32>} : memref<320xi32, #tpu.memory_space<vmem>>, vector<16xi32>,
      %get3A_117 = arith.constant 80 : index
      %get3A_118 = tpu.vector_load %arg15[%get3A_117] {strides = array<i32>} : memref<320xi32, #tpu.memory_space<vmem>>, vector<16xi32>,
      %get3A_119 = arith.constant 96 : index
      %get3A_120 = tpu.vector_load %arg15[%get3A_119] {strides = array<i32>} : memref<320xi32, #tpu.memory_space<vmem>>, vector<16xi32>,
      %get3A_121 = arith.constant 112 : index
      %get3A_122 = tpu.vector_load %arg15[%get3A_121] {strides = array<i32>} : memref<320xi32, #tpu.memory_space<vmem>>, vector<16xi32>,
      %get3A_123 = arith.constant 128 : index
      %get3A_124 = tpu.vector_load %arg15[%get3A_123] {strides = array<i32>} : memref<320xi32, #tpu.memory_space<vmem>>, vector<16xi32>,
      %get3A_125 = arith.constant 144 : index
      %get3A_126 = tpu.vector_load %arg15[%get3A_125] {strides = array<i32>} : memref<320xi32, #tpu.memory_space<vmem>>, vector<16xi32>,
      %get3A_127 = arith.constant 160 : index
      %get3A_128 = tpu.vector_load %arg15[%get3A_127] {strides = array<i32>} : memref<320xi32, #tpu.memory_space<vmem>>, vector<16xi32>,
      %get3A_129 = arith.constant 176 : index
      %get3A_130 = tpu.vector_load %arg15[%get3A_129] {strides = array<i32>} : memref<320xi32, #tpu.memory_space<vmem>>, vector<16xi32>,
      %get3A_131 = arith.constant 192 : index
      %get3A_132 = tpu.vector_load %arg15[%get3A_131] {strides = array<i32>} : memref<320xi32, #tpu.memory_space<vmem>>, vector<16xi32>,
      %get3A_133 = arith.constant 208 : index
      %get3A_134 = tpu.vector_load %arg15[%get3A_133] {strides = array<i32>} : memref<320xi32, #tpu.memory_space<vmem>>, vector<16xi32>,
      %get3A_135 = arith.constant 224 : index
      %get3A_136 = tpu.vector_load %arg15[%get3A_135] {strides = array<i32>} : memref<320xi32, #tpu.memory_space<vmem>>, vector<16xi32>,
      %get3A_137 = arith.constant 240 : index
      %get3A_138 = tpu.vector_load %arg15[%get3A_137] {strides = array<i32>} : memref<320xi32, #tpu.memory_space<vmem>>, vector<16xi32>,
      %get3A_139 = arith.constant 256 : index
      %get3A_140 = tpu.vector_load %arg15[%get3A_139] {strides = array<i32>} : memref<320xi32, #tpu.memory_space<vmem>>, vector<16xi32>,
      %get3A_141 = arith.constant 272 : index
      %get3A_142 = tpu.vector_load %arg15[%get3A_141] {strides = array<i32>} : memref<320xi32, #tpu.memory_space<vmem>>, vector<16xi32>,
      %get3A_143 = arith.constant 288 : index
      %get3A_144 = tpu.vector_load %arg15[%get3A_143] {strides = array<i32>} : memref<320xi32, #tpu.memory_space<vmem>>, vector<16xi32>,
      %scan3A_145 = arith.constant 0 : i32
      %scan3A_146 = arith.constant 300 : i32
      %scan3A_147 = arith.addi %scan3A_145, %scan3A_146 : i32
      %scan3A_148 = arith.constant 1 : i32
      %scan3A_149:19 = scf.for %scan3A_171 = %scan3A_145 to %scan3A_147 step %scan3A_148 iter_args(%scan3A_172 = %get3A_108, %scan3A_173 = %get3A_110, %scan3A_174 = %get3A_112, %scan3A_175 = %get3A_114, %scan3A_176 = %get3A_116, %scan3A_177 = %get3A_118, %scan3A_178 = %get3A_120, %scan3A_179 = %get3A_122, %scan3A_180 = %get3A_124, %scan3A_181 = %get3A_126, %scan3A_182 = %get3A_128, %scan3A_183 = %get3A_130, %scan3A_184 = %get3A_132, %scan3A_185 = %get3A_134, %scan3A_186 = %get3A_136, %scan3A_187 = %get3A_138, %scan3A_188 = %get3A_140, %scan3A_189 = %get3A_142, %scan3A_190 = %get3A_144) -> (vector<16xi32>, vector<16xi32>, vector<16xi32>, vector<16xi32>, vector<16xi32>, vector<16xi32>, vector<16xi32>, vector<16xi32>, vector<16xi32>, vector<16xi32>, vector<16xi32>, vector<16xi32>, vector<16xi32>, vector<16xi32>, vector<16xi32>, vector<16xi32>, vector<16xi32>, vector<16xi32>, vector<16xi32>)  : i32 {
        %add3A_191 = arith.constant 0 : i32
        %add3A_192 = vector.broadcast %add3A_191 : i32 to vector<16xi32>
        %add3A_193 = arith.addi %add3A_192, %iota3A : vector<16xi32>
        %add3A_194 = arith.constant 16 : i32
        %add3A_195 = vector.broadcast %add3A_194 : i32 to vector<16xi32>
        %add3A_196 = arith.addi %add3A_195, %iota3A : vector<16xi32>
        %add3A_197 = arith.constant 32 : i32
        %add3A_198 = vector.broadcast %add3A_197 : i32 to vector<16xi32>
        %add3A_199 = arith.addi %add3A_198, %iota3A : vector<16xi32>
        %add3A_200 = arith.constant 48 : i32
        %add3A_201 = vector.broadcast %add3A_200 : i32 to vector<16xi32>
        %add3A_202 = arith.addi %add3A_201, %iota3A : vector<16xi32>
        %add3A_203 = arith.constant 64 : i32
        %add3A_204 = vector.broadcast %add3A_203 : i32 to vector<16xi32>
        %add3A_205 = arith.addi %add3A_204, %iota3A : vector<16xi32>
        %add3A_206 = arith.constant 80 : i32
        %add3A_207 = vector.broadcast %add3A_206 : i32 to vector<16xi32>
        %add3A_208 = arith.addi %add3A_207, %iota3A : vector<16xi32>
        %add3A_209 = arith.constant 96 : i32
        %add3A_210 = vector.broadcast %add3A_209 : i32 to vector<16xi32>
        %add3A_211 = arith.addi %add3A_210, %iota3A : vector<16xi32>
        %add3A_212 = arith.constant 112 : i32
        %add3A_213 = vector.broadcast %add3A_212 : i32 to vector<16xi32>
        %add3A_214 = arith.addi %add3A_213, %iota3A : vector<16xi32>
        %add3A_215 = arith.constant 128 : i32
        %add3A_216 = vector.broadcast %add3A_215 : i32 to vector<16xi32>
        %add3A_217 = arith.addi %add3A_216, %iota3A : vector<16xi32>
        %add3A_218 = arith.constant 144 : i32
        %add3A_219 = vector.broadcast %add3A_218 : i32 to vector<16xi32>
        %add3A_220 = arith.addi %add3A_219, %iota3A : vector<16xi32>
        %add3A_221 = arith.constant 160 : i32
        %add3A_222 = vector.broadcast %add3A_221 : i32 to vector<16xi32>
        %add3A_223 = arith.addi %add3A_222, %iota3A : vector<16xi32>
        %add3A_224 = arith.constant 176 : i32
        %add3A_225 = vector.broadcast %add3A_224 : i32 to vector<16xi32>
        %add3A_226 = arith.addi %add3A_225, %iota3A : vector<16xi32>
        %add3A_227 = arith.constant 192 : i32
        %add3A_228 = vector.broadcast %add3A_227 : i32 to vector<16xi32>
        %add3A_229 = arith.addi %add3A_228, %iota3A : vector<16xi32>
        %add3A_230 = arith.constant 208 : i32
        %add3A_231 = vector.broadcast %add3A_230 : i32 to vector<16xi32>
        %add3A_232 = arith.addi %add3A_231, %iota3A : vector<16xi32>
        %add3A_233 = arith.constant 224 : i32
        %add3A_234 = vector.broadcast %add3A_233 : i32 to vector<16xi32>
        %add3A_235 = arith.addi %add3A_234, %iota3A : vector<16xi32>
        %add3A_236 = arith.constant 240 : i32
        %add3A_237 = vector.broadcast %add3A_236 : i32 to vector<16xi32>
        %add3A_238 = arith.addi %add3A_237, %iota3A : vector<16xi32>
        %add3A_239 = arith.constant 256 : i32
        %add3A_240 = vector.broadcast %add3A_239 : i32 to vector<16xi32>
        %add3A_241 = arith.addi %add3A_240, %iota3A : vector<16xi32>
        %add3A_242 = arith.constant 272 : i32
        %add3A_243 = vector.broadcast %add3A_242 : i32 to vector<16xi32>
        %add3A_244 = arith.addi %add3A_243, %iota3A : vector<16xi32>
        %add3A_245 = arith.constant 288 : i32
        %add3A_246 = vector.broadcast %add3A_245 : i32 to vector<16xi32>
        %add3A_247 = arith.addi %add3A_246, %iota3A : vector<16xi32>
        %ge3A = arith.cmpi sge, %scan3A_172, %scan3A_173 : vector<16xi32>
        %select_n3A_248 = arith.select %ge3A, %scan3A_172, %scan3A_173 : vector<16xi1>, vector<16xi32>
        %select_n3A_249 = arith.select %ge3A, %add3A_193, %add3A_196 : vector<16xi1>, vector<16xi32>
        %ge3A_250 = arith.cmpi sge, %scan3A_174, %scan3A_175 : vector<16xi32>
        %select_n3A_251 = arith.select %ge3A_250, %scan3A_174, %scan3A_175 : vector<16xi1>, vector<16xi32>
        %select_n3A_252 = arith.select %ge3A_250, %add3A_199, %add3A_202 : vector<16xi1>, vector<16xi32>
        %ge3A_253 = arith.cmpi sge, %scan3A_176, %scan3A_177 : vector<16xi32>
        %select_n3A_254 = arith.select %ge3A_253, %scan3A_176, %scan3A_177 : vector<16xi1>, vector<16xi32>
        %select_n3A_255 = arith.select %ge3A_253, %add3A_205, %add3A_208 : vector<16xi1>, vector<16xi32>
        %ge3A_256 = arith.cmpi sge, %scan3A_178, %scan3A_179 : vector<16xi32>
        %select_n3A_257 = arith.select %ge3A_256, %scan3A_178, %scan3A_179 : vector<16xi1>, vector<16xi32>
        %select_n3A_258 = arith.select %ge3A_256, %add3A_211, %add3A_214 : vector<16xi1>, vector<16xi32>
        %ge3A_259 = arith.cmpi sge, %scan3A_180, %scan3A_181 : vector<16xi32>
        %select_n3A_260 = arith.select %ge3A_259, %scan3A_180, %scan3A_181 : vector<16xi1>, vector<16xi32>
        %select_n3A_261 = arith.select %ge3A_259, %add3A_217, %add3A_220 : vector<16xi1>, vector<16xi32>
        %ge3A_262 = arith.cmpi sge, %scan3A_182, %scan3A_183 : vector<16xi32>
        %select_n3A_263 = arith.select %ge3A_262, %scan3A_182, %scan3A_183 : vector<16xi1>, vector<16xi32>
        %select_n3A_264 = arith.select %ge3A_262, %add3A_223, %add3A_226 : vector<16xi1>, vector<16xi32>
        %ge3A_265 = arith.cmpi sge, %scan3A_184, %scan3A_185 : vector<16xi32>
        %select_n3A_266 = arith.select %ge3A_265, %scan3A_184, %scan3A_185 : vector<16xi1>, vector<16xi32>
        %select_n3A_267 = arith.select %ge3A_265, %add3A_229, %add3A_232 : vector<16xi1>, vector<16xi32>
        %ge3A_268 = arith.cmpi sge, %scan3A_186, %scan3A_187 : vector<16xi32>
        %select_n3A_269 = arith.select %ge3A_268, %scan3A_186, %scan3A_187 : vector<16xi1>, vector<16xi32>
        %select_n3A_270 = arith.select %ge3A_268, %add3A_235, %add3A_238 : vector<16xi1>, vector<16xi32>
        %ge3A_271 = arith.cmpi sge, %scan3A_188, %scan3A_189 : vector<16xi32>
        %select_n3A_272 = arith.select %ge3A_271, %scan3A_188, %scan3A_189 : vector<16xi1>, vector<16xi32>
        %select_n3A_273 = arith.select %ge3A_271, %add3A_241, %add3A_244 : vector<16xi1>, vector<16xi32>
        %ge3A_274 = arith.cmpi sge, %select_n3A_248, %select_n3A_251 : vector<16xi32>
        %select_n3A_275 = arith.select %ge3A_274, %select_n3A_248, %select_n3A_251 : vector<16xi1>, vector<16xi32>
        %select_n3A_276 = arith.select %ge3A_274, %select_n3A_249, %select_n3A_252 : vector<16xi1>, vector<16xi32>
        %ge3A_277 = arith.cmpi sge, %select_n3A_254, %select_n3A_257 : vector<16xi32>
        %select_n3A_278 = arith.select %ge3A_277, %select_n3A_254, %select_n3A_257 : vector<16xi1>, vector<16xi32>
        %select_n3A_279 = arith.select %ge3A_277, %select_n3A_255, %select_n3A_258 : vector<16xi1>, vector<16xi32>
        %ge3A_280 = arith.cmpi sge, %select_n3A_260, %select_n3A_263 : vector<16xi32>
        %select_n3A_281 = arith.select %ge3A_280, %select_n3A_260, %select_n3A_263 : vector<16xi1>, vector<16xi32>
        %select_n3A_282 = arith.select %ge3A_280, %select_n3A_261, %select_n3A_264 : vector<16xi1>, vector<16xi32>
        %ge3A_283 = arith.cmpi sge, %select_n3A_266, %select_n3A_269 : vector<16xi32>
        %select_n3A_284 = arith.select %ge3A_283, %select_n3A_266, %select_n3A_269 : vector<16xi1>, vector<16xi32>
        %select_n3A_285 = arith.select %ge3A_283, %select_n3A_267, %select_n3A_270 : vector<16xi1>, vector<16xi32>
        %ge3A_286 = arith.cmpi sge, %select_n3A_272, %scan3A_190 : vector<16xi32>
        %select_n3A_287 = arith.select %ge3A_286, %select_n3A_272, %scan3A_190 : vector<16xi1>, vector<16xi32>
        %select_n3A_288 = arith.select %ge3A_286, %select_n3A_273, %add3A_247 : vector<16xi1>, vector<16xi32>
        %ge3A_289 = arith.cmpi sge, %select_n3A_275, %select_n3A_278 : vector<16xi32>
        %select_n3A_290 = arith.select %ge3A_289, %select_n3A_275, %select_n3A_278 : vector<16xi1>, vector<16xi32>
        %select_n3A_291 = arith.select %ge3A_289, %select_n3A_276, %select_n3A_279 : vector<16xi1>, vector<16xi32>
        %ge3A_292 = arith.cmpi sge, %select_n3A_281, %select_n3A_284 : vector<16xi32>
        %select_n3A_293 = arith.select %ge3A_292, %select_n3A_281, %select_n3A_284 : vector<16xi1>, vector<16xi32>
        %select_n3A_294 = arith.select %ge3A_292, %select_n3A_282, %select_n3A_285 : vector<16xi1>, vector<16xi32>
        %ge3A_295 = arith.cmpi sge, %select_n3A_290, %select_n3A_293 : vector<16xi32>
        %select_n3A_296 = arith.select %ge3A_295, %select_n3A_290, %select_n3A_293 : vector<16xi1>, vector<16xi32>
        %select_n3A_297 = arith.select %ge3A_295, %select_n3A_291, %select_n3A_294 : vector<16xi1>, vector<16xi32>
        %ge3A_298 = arith.cmpi sge, %select_n3A_296, %select_n3A_287 : vector<16xi32>
        %select_n3A_299 = arith.select %ge3A_298, %select_n3A_296, %select_n3A_287 : vector<16xi1>, vector<16xi32>
        %select_n3A_300 = arith.select %ge3A_298, %select_n3A_297, %select_n3A_288 : vector<16xi1>, vector<16xi32>
        %reduce_max3A = arith.constant true
        %reduce_max3A_301 = vector.broadcast %reduce_max3A : i1 to vector<16xi1>
        %reduce_max3A_302 = arith.constant -2147483648 : i32
        %reduce_max3A_303 = vector.broadcast %reduce_max3A_302 : i32 to vector<16xi32>
        %reduce_max3A_304 = arith.xori %select_n3A_299, %reduce_max3A_303 : vector<16xi32>
        %reduce_max3A_305 = tpu.scan <max>, %reduce_max3A_304 masked %reduce_max3A_301 : vector<16xi32>, vector<16xi1> -> vector<16xi32>
        %reduce_max3A_306 = arith.xori %reduce_max3A_305, %reduce_max3A_303 : vector<16xi32>
        %reduce_max3A_307 = vector.extract %reduce_max3A_306[15] : i32 from vector<16xi32>
        %eq3A_308 = vector.broadcast %reduce_max3A_307 : i32 to vector<16xi32>
        %eq3A_309 = arith.cmpi eq, %select_n3A_299, %eq3A_308 : vector<16xi32>
        %broadcast_in_dim3A_310 = vector.broadcast %scan3A : i32 to vector<16xi32>
        %select_n3A_311 = arith.select %eq3A_309, %select_n3A_300, %broadcast_in_dim3A_310 : vector<16xi1>, vector<16xi32>
        %reduce_min3A = arith.constant true
        %reduce_min3A_312 = vector.broadcast %reduce_min3A : i1 to vector<16xi1>
        %reduce_min3A_313 = arith.constant -2147483648 : i32
        %reduce_min3A_314 = vector.broadcast %reduce_min3A_313 : i32 to vector<16xi32>
        %reduce_min3A_315 = arith.xori %select_n3A_311, %reduce_min3A_314 : vector<16xi32>
        %reduce_min3A_316 = tpu.scan <min>, %reduce_min3A_315 masked %reduce_min3A_312 : vector<16xi32>, vector<16xi1> -> vector<16xi32>
        %reduce_min3A_317 = arith.xori %reduce_min3A_316, %reduce_min3A_314 : vector<16xi32>
        %reduce_min3A_318 = vector.extract %reduce_min3A_317[15] : i32 from vector<16xi32>
        %add3A_319 = vector.broadcast %reduce_min3A_318 : i32 to vector<16xi32>
        %add3A_320 = arith.addi %broadcast_in_dim3A_2, %add3A_319 : vector<16xi32>
        %gather3A_321 = tpu.vector_load_idx %arg16[%add3A_320] : memref<320xi32, #tpu.memory_space<vmem>>[vector<16xi32>], vector<16xi32>,
        %add3A_322 = vector.broadcast %scan3A_171 : i32 to vector<16xi32>
        %add3A_323 = arith.addi %broadcast_in_dim3A_2, %add3A_322 : vector<16xi32>
        %add3A_324 = vector.broadcast %reduce_max3A_307 : i32 to vector<16xi32>
        %add3A_325 = arith.addi %broadcast_in_dim3A_2, %add3A_324 : vector<16xi32>
        %eq3A_326 = arith.constant 0 : i32
        %eq3A_327 = vector.broadcast %eq3A_326 : i32 to vector<16xi32>
        %eq3A_328 = arith.cmpi eq, %iota3A, %eq3A_327 : vector<16xi32>
        tpu.vector_store_idx %arg17[%add3A_323], %add3A_325 masked %eq3A_328 : memref<320xi32, #tpu.memory_space<vmem>>[vector<16xi32>], vector<16xi32>, vector<16xi1>
        %add3A_329 = vector.broadcast %scan3A_171 : i32 to vector<16xi32>
        %add3A_330 = arith.addi %broadcast_in_dim3A_2, %add3A_329 : vector<16xi32>
        %eq3A_331 = arith.constant 0 : i32
        %eq3A_332 = vector.broadcast %eq3A_331 : i32 to vector<16xi32>
        %eq3A_333 = arith.cmpi eq, %iota3A, %eq3A_332 : vector<16xi32>
        tpu.vector_store_idx %arg18[%add3A_330], %gather3A_321 masked %eq3A_333 : memref<320xi32, #tpu.memory_space<vmem>>[vector<16xi32>], vector<16xi32>, vector<16xi1>
        %add3A_334 = arith.constant 0 : i32
        %add3A_335 = vector.broadcast %add3A_334 : i32 to vector<16xi32>
        %add3A_336 = arith.addi %add3A_335, %iota3A : vector<16xi32>
        %eq3A_337 = vector.broadcast %reduce_min3A_318 : i32 to vector<16xi32>
        %eq3A_338 = arith.cmpi eq, %add3A_336, %eq3A_337 : vector<16xi32>
        %jit3A_339 = arith.constant 0 : i32
        %broadcast_in_dim3A_340 = vector.broadcast %jit3A_339 : i32 to vector<16xi32>
        %select_n3A_341 = arith.select %eq3A_338, %broadcast_in_dim3A_340, %scan3A_172 : vector<16xi1>, vector<16xi32>
        %add3A_342 = arith.constant 16 : i32
        %add3A_343 = vector.broadcast %add3A_342 : i32 to vector<16xi32>
        %add3A_344 = arith.addi %add3A_343, %iota3A : vector<16xi32>
        %eq3A_345 = vector.broadcast %reduce_min3A_318 : i32 to vector<16xi32>
        %eq3A_346 = arith.cmpi eq, %add3A_344, %eq3A_345 : vector<16xi32>
        %jit3A_347 = arith.constant 0 : i32
        %broadcast_in_dim3A_348 = vector.broadcast %jit3A_347 : i32 to vector<16xi32>
        %select_n3A_349 = arith.select %eq3A_346, %broadcast_in_dim3A_348, %scan3A_173 : vector<16xi1>, vector<16xi32>
        %add3A_350 = arith.constant 32 : i32
        %add3A_351 = vector.broadcast %add3A_350 : i32 to vector<16xi32>
        %add3A_352 = arith.addi %add3A_351, %iota3A : vector<16xi32>
        %eq3A_353 = vector.broadcast %reduce_min3A_318 : i32 to vector<16xi32>
        %eq3A_354 = arith.cmpi eq, %add3A_352, %eq3A_353 : vector<16xi32>
        %jit3A_355 = arith.constant 0 : i32
        %broadcast_in_dim3A_356 = vector.broadcast %jit3A_355 : i32 to vector<16xi32>
        %select_n3A_357 = arith.select %eq3A_354, %broadcast_in_dim3A_356, %scan3A_174 : vector<16xi1>, vector<16xi32>
        %add3A_358 = arith.constant 48 : i32
        %add3A_359 = vector.broadcast %add3A_358 : i32 to vector<16xi32>
        %add3A_360 = arith.addi %add3A_359, %iota3A : vector<16xi32>
        %eq3A_361 = vector.broadcast %reduce_min3A_318 : i32 to vector<16xi32>
        %eq3A_362 = arith.cmpi eq, %add3A_360, %eq3A_361 : vector<16xi32>
        %jit3A_363 = arith.constant 0 : i32
        %broadcast_in_dim3A_364 = vector.broadcast %jit3A_363 : i32 to vector<16xi32>
        %select_n3A_365 = arith.select %eq3A_362, %broadcast_in_dim3A_364, %scan3A_175 : vector<16xi1>, vector<16xi32>
        %add3A_366 = arith.constant 64 : i32
        %add3A_367 = vector.broadcast %add3A_366 : i32 to vector<16xi32>
        %add3A_368 = arith.addi %add3A_367, %iota3A : vector<16xi32>
        %eq3A_369 = vector.broadcast %reduce_min3A_318 : i32 to vector<16xi32>
        %eq3A_370 = arith.cmpi eq, %add3A_368, %eq3A_369 : vector<16xi32>
        %jit3A_371 = arith.constant 0 : i32
        %broadcast_in_dim3A_372 = vector.broadcast %jit3A_371 : i32 to vector<16xi32>
        %select_n3A_373 = arith.select %eq3A_370, %broadcast_in_dim3A_372, %scan3A_176 : vector<16xi1>, vector<16xi32>
        %add3A_374 = arith.constant 80 : i32
        %add3A_375 = vector.broadcast %add3A_374 : i32 to vector<16xi32>
        %add3A_376 = arith.addi %add3A_375, %iota3A : vector<16xi32>
        %eq3A_377 = vector.broadcast %reduce_min3A_318 : i32 to vector<16xi32>
        %eq3A_378 = arith.cmpi eq, %add3A_376, %eq3A_377 : vector<16xi32>
        %jit3A_379 = arith.constant 0 : i32
        %broadcast_in_dim3A_380 = vector.broadcast %jit3A_379 : i32 to vector<16xi32>
        %select_n3A_381 = arith.select %eq3A_378, %broadcast_in_dim3A_380, %scan3A_177 : vector<16xi1>, vector<16xi32>
        %add3A_382 = arith.constant 96 : i32
        %add3A_383 = vector.broadcast %add3A_382 : i32 to vector<16xi32>
        %add3A_384 = arith.addi %add3A_383, %iota3A : vector<16xi32>
        %eq3A_385 = vector.broadcast %reduce_min3A_318 : i32 to vector<16xi32>
        %eq3A_386 = arith.cmpi eq, %add3A_384, %eq3A_385 : vector<16xi32>
        %jit3A_387 = arith.constant 0 : i32
        %broadcast_in_dim3A_388 = vector.broadcast %jit3A_387 : i32 to vector<16xi32>
        %select_n3A_389 = arith.select %eq3A_386, %broadcast_in_dim3A_388, %scan3A_178 : vector<16xi1>, vector<16xi32>
        %add3A_390 = arith.constant 112 : i32
        %add3A_391 = vector.broadcast %add3A_390 : i32 to vector<16xi32>
        %add3A_392 = arith.addi %add3A_391, %iota3A : vector<16xi32>
        %eq3A_393 = vector.broadcast %reduce_min3A_318 : i32 to vector<16xi32>
        %eq3A_394 = arith.cmpi eq, %add3A_392, %eq3A_393 : vector<16xi32>
        %jit3A_395 = arith.constant 0 : i32
        %broadcast_in_dim3A_396 = vector.broadcast %jit3A_395 : i32 to vector<16xi32>
        %select_n3A_397 = arith.select %eq3A_394, %broadcast_in_dim3A_396, %scan3A_179 : vector<16xi1>, vector<16xi32>
        %add3A_398 = arith.constant 128 : i32
        %add3A_399 = vector.broadcast %add3A_398 : i32 to vector<16xi32>
        %add3A_400 = arith.addi %add3A_399, %iota3A : vector<16xi32>
        %eq3A_401 = vector.broadcast %reduce_min3A_318 : i32 to vector<16xi32>
        %eq3A_402 = arith.cmpi eq, %add3A_400, %eq3A_401 : vector<16xi32>
        %jit3A_403 = arith.constant 0 : i32
        %broadcast_in_dim3A_404 = vector.broadcast %jit3A_403 : i32 to vector<16xi32>
        %select_n3A_405 = arith.select %eq3A_402, %broadcast_in_dim3A_404, %scan3A_180 : vector<16xi1>, vector<16xi32>
        %add3A_406 = arith.constant 144 : i32
        %add3A_407 = vector.broadcast %add3A_406 : i32 to vector<16xi32>
        %add3A_408 = arith.addi %add3A_407, %iota3A : vector<16xi32>
        %eq3A_409 = vector.broadcast %reduce_min3A_318 : i32 to vector<16xi32>
        %eq3A_410 = arith.cmpi eq, %add3A_408, %eq3A_409 : vector<16xi32>
        %jit3A_411 = arith.constant 0 : i32
        %broadcast_in_dim3A_412 = vector.broadcast %jit3A_411 : i32 to vector<16xi32>
        %select_n3A_413 = arith.select %eq3A_410, %broadcast_in_dim3A_412, %scan3A_181 : vector<16xi1>, vector<16xi32>
        %add3A_414 = arith.constant 160 : i32
        %add3A_415 = vector.broadcast %add3A_414 : i32 to vector<16xi32>
        %add3A_416 = arith.addi %add3A_415, %iota3A : vector<16xi32>
        %eq3A_417 = vector.broadcast %reduce_min3A_318 : i32 to vector<16xi32>
        %eq3A_418 = arith.cmpi eq, %add3A_416, %eq3A_417 : vector<16xi32>
        %jit3A_419 = arith.constant 0 : i32
        %broadcast_in_dim3A_420 = vector.broadcast %jit3A_419 : i32 to vector<16xi32>
        %select_n3A_421 = arith.select %eq3A_418, %broadcast_in_dim3A_420, %scan3A_182 : vector<16xi1>, vector<16xi32>
        %add3A_422 = arith.constant 176 : i32
        %add3A_423 = vector.broadcast %add3A_422 : i32 to vector<16xi32>
        %add3A_424 = arith.addi %add3A_423, %iota3A : vector<16xi32>
        %eq3A_425 = vector.broadcast %reduce_min3A_318 : i32 to vector<16xi32>
        %eq3A_426 = arith.cmpi eq, %add3A_424, %eq3A_425 : vector<16xi32>
        %jit3A_427 = arith.constant 0 : i32
        %broadcast_in_dim3A_428 = vector.broadcast %jit3A_427 : i32 to vector<16xi32>
        %select_n3A_429 = arith.select %eq3A_426, %broadcast_in_dim3A_428, %scan3A_183 : vector<16xi1>, vector<16xi32>
        %add3A_430 = arith.constant 192 : i32
        %add3A_431 = vector.broadcast %add3A_430 : i32 to vector<16xi32>
        %add3A_432 = arith.addi %add3A_431, %iota3A : vector<16xi32>
        %eq3A_433 = vector.broadcast %reduce_min3A_318 : i32 to vector<16xi32>
        %eq3A_434 = arith.cmpi eq, %add3A_432, %eq3A_433 : vector<16xi32>
        %jit3A_435 = arith.constant 0 : i32
        %broadcast_in_dim3A_436 = vector.broadcast %jit3A_435 : i32 to vector<16xi32>
        %select_n3A_437 = arith.select %eq3A_434, %broadcast_in_dim3A_436, %scan3A_184 : vector<16xi1>, vector<16xi32>
        %add3A_438 = arith.constant 208 : i32
        %add3A_439 = vector.broadcast %add3A_438 : i32 to vector<16xi32>
        %add3A_440 = arith.addi %add3A_439, %iota3A : vector<16xi32>
        %eq3A_441 = vector.broadcast %reduce_min3A_318 : i32 to vector<16xi32>
        %eq3A_442 = arith.cmpi eq, %add3A_440, %eq3A_441 : vector<16xi32>
        %jit3A_443 = arith.constant 0 : i32
        %broadcast_in_dim3A_444 = vector.broadcast %jit3A_443 : i32 to vector<16xi32>
        %select_n3A_445 = arith.select %eq3A_442, %broadcast_in_dim3A_444, %scan3A_185 : vector<16xi1>, vector<16xi32>
        %add3A_446 = arith.constant 224 : i32
        %add3A_447 = vector.broadcast %add3A_446 : i32 to vector<16xi32>
        %add3A_448 = arith.addi %add3A_447, %iota3A : vector<16xi32>
        %eq3A_449 = vector.broadcast %reduce_min3A_318 : i32 to vector<16xi32>
        %eq3A_450 = arith.cmpi eq, %add3A_448, %eq3A_449 : vector<16xi32>
        %jit3A_451 = arith.constant 0 : i32
        %broadcast_in_dim3A_452 = vector.broadcast %jit3A_451 : i32 to vector<16xi32>
        %select_n3A_453 = arith.select %eq3A_450, %broadcast_in_dim3A_452, %scan3A_186 : vector<16xi1>, vector<16xi32>
        %add3A_454 = arith.constant 240 : i32
        %add3A_455 = vector.broadcast %add3A_454 : i32 to vector<16xi32>
        %add3A_456 = arith.addi %add3A_455, %iota3A : vector<16xi32>
        %eq3A_457 = vector.broadcast %reduce_min3A_318 : i32 to vector<16xi32>
        %eq3A_458 = arith.cmpi eq, %add3A_456, %eq3A_457 : vector<16xi32>
        %jit3A_459 = arith.constant 0 : i32
        %broadcast_in_dim3A_460 = vector.broadcast %jit3A_459 : i32 to vector<16xi32>
        %select_n3A_461 = arith.select %eq3A_458, %broadcast_in_dim3A_460, %scan3A_187 : vector<16xi1>, vector<16xi32>
        %add3A_462 = arith.constant 256 : i32
        %add3A_463 = vector.broadcast %add3A_462 : i32 to vector<16xi32>
        %add3A_464 = arith.addi %add3A_463, %iota3A : vector<16xi32>
        %eq3A_465 = vector.broadcast %reduce_min3A_318 : i32 to vector<16xi32>
        %eq3A_466 = arith.cmpi eq, %add3A_464, %eq3A_465 : vector<16xi32>
        %jit3A_467 = arith.constant 0 : i32
        %broadcast_in_dim3A_468 = vector.broadcast %jit3A_467 : i32 to vector<16xi32>
        %select_n3A_469 = arith.select %eq3A_466, %broadcast_in_dim3A_468, %scan3A_188 : vector<16xi1>, vector<16xi32>
        %add3A_470 = arith.constant 272 : i32
        %add3A_471 = vector.broadcast %add3A_470 : i32 to vector<16xi32>
        %add3A_472 = arith.addi %add3A_471, %iota3A : vector<16xi32>
        %eq3A_473 = vector.broadcast %reduce_min3A_318 : i32 to vector<16xi32>
        %eq3A_474 = arith.cmpi eq, %add3A_472, %eq3A_473 : vector<16xi32>
        %jit3A_475 = arith.constant 0 : i32
        %broadcast_in_dim3A_476 = vector.broadcast %jit3A_475 : i32 to vector<16xi32>
        %select_n3A_477 = arith.select %eq3A_474, %broadcast_in_dim3A_476, %scan3A_189 : vector<16xi1>, vector<16xi32>
        %add3A_478 = arith.constant 288 : i32
        %add3A_479 = vector.broadcast %add3A_478 : i32 to vector<16xi32>
        %add3A_480 = arith.addi %add3A_479, %iota3A : vector<16xi32>
        %eq3A_481 = vector.broadcast %reduce_min3A_318 : i32 to vector<16xi32>
        %eq3A_482 = arith.cmpi eq, %add3A_480, %eq3A_481 : vector<16xi32>
        %jit3A_483 = arith.constant 0 : i32
        %broadcast_in_dim3A_484 = vector.broadcast %jit3A_483 : i32 to vector<16xi32>
        %select_n3A_485 = arith.select %eq3A_482, %broadcast_in_dim3A_484, %scan3A_190 : vector<16xi1>, vector<16xi32>
        scf.yield %select_n3A_341, %select_n3A_349, %select_n3A_357, %select_n3A_365, %select_n3A_373, %select_n3A_381, %select_n3A_389, %select_n3A_397, %select_n3A_405, %select_n3A_413, %select_n3A_421, %select_n3A_429, %select_n3A_437, %select_n3A_445, %select_n3A_453, %select_n3A_461, %select_n3A_469, %select_n3A_477, %select_n3A_485 : vector<16xi32>, vector<16xi32>, vector<16xi32>, vector<16xi32>, vector<16xi32>, vector<16xi32>, vector<16xi32>, vector<16xi32>, vector<16xi32>, vector<16xi32>, vector<16xi32>, vector<16xi32>, vector<16xi32>, vector<16xi32>, vector<16xi32>, vector<16xi32>, vector<16xi32>, vector<16xi32>, vector<16xi32>
      }
      %scan3A_150 = arith.constant 300 : i32
      %mul3A_151 = arith.constant 16 : i32
      %mul3A_152 = arith.muli %add3A_15, %mul3A_151 : i32
      %add3A_153 = vector.broadcast %mul3A_152 : i32 to vector<16xi32>
      %add3A_154 = arith.addi %broadcast_in_dim3A_2, %add3A_153 : vector<16xi32>
      %gather3A = tpu.vector_load_idx %arg10[%add3A_154] : memref<1024xf32, #tpu.memory_space<vmem>>[vector<16xi32>], vector<16xf32>,
      %mul3A_155 = arith.constant 16 : i32
      %mul3A_156 = arith.muli %add3A_15, %mul3A_155 : i32
      %add3A_157 = vector.broadcast %mul3A_156 : i32 to vector<16xi32>
      %add3A_158 = arith.addi %broadcast_in_dim3A_2, %add3A_157 : vector<16xi32>
      %add3A_159 = arith.constant 1 : i32
      %add3A_160 = vector.broadcast %add3A_159 : i32 to vector<16xi32>
      %add3A_161 = arith.addi %add3A_158, %add3A_160 : vector<16xi32>
      %gather3A_162 = tpu.vector_load_idx %arg10[%add3A_161] : memref<1024xf32, #tpu.memory_space<vmem>>[vector<16xi32>], vector<16xf32>,
      %scan3A_163 = arith.constant 0 : i32
      %scan3A_164 = arith.constant 0 : i32
      %scan3A_165 = arith.constant 20 : i32
      %scan3A_166 = arith.addi %scan3A_164, %scan3A_165 : i32
      %scan3A_167 = arith.constant 1 : i32
      %scan3A_168 = scf.for %scan3A_171 = %scan3A_164 to %scan3A_166 step %scan3A_167 iter_args(%scan3A_172 = %scan3A_163) -> (i32)  : i32 {
        %mul3A_173 = arith.constant 16 : i32
        %mul3A_174 = arith.muli %scan3A_171, %mul3A_173 : i32
        %get3A_175 = arith.index_cast %mul3A_174 : i32 to index
        %get3A_176 = tpu.vector_load %arg17[%get3A_175] {strides = array<i32>} : memref<320xi32, #tpu.memory_space<vmem>>, vector<16xi32>,
        %mul3A_177 = arith.constant 16 : i32
        %mul3A_178 = arith.muli %scan3A_171, %mul3A_177 : i32
        %swap3A_179 = arith.index_cast %mul3A_178 : i32 to index
        %swap3A_180 = tpu.vector_load %arg19[%swap3A_179] {strides = array<i32>} : memref<320xi32, #tpu.memory_space<vmem>>, vector<16xi32>,
        tpu.vector_store %arg19[%swap3A_179], %get3A_176 {strides = array<i32>} : memref<320xi32, #tpu.memory_space<vmem>>, vector<16xi32>,
        %mul3A_181 = arith.constant 16 : i32
        %mul3A_182 = arith.muli %scan3A_171, %mul3A_181 : i32
        %get3A_183 = arith.index_cast %mul3A_182 : i32 to index
        %get3A_184 = tpu.vector_load %arg18[%get3A_183] {strides = array<i32>} : memref<320xi32, #tpu.memory_space<vmem>>, vector<16xi32>,
        %jit3A_185 = arith.constant 80 : i32
        %eq3A_186 = arith.constant 0 : i32
        %eq3A_187 = arith.cmpi eq, %jit3A_185, %eq3A_186 : i32
        %jit3A_188 = arith.constant 1 : i32
        %select_n3A_189 = arith.select %eq3A_187, %jit3A_188, %jit3A_185 : i32
        %rem3A_190 = vector.broadcast %select_n3A_189 : i32 to vector<16xi32>
        %rem3A_191 = arith.remsi %get3A_184, %rem3A_190 : vector<16xi32>
        %ne3A_192 = arith.constant 0 : i32
        %ne3A_193 = vector.broadcast %ne3A_192 : i32 to vector<16xi32>
        %ne3A_194 = arith.cmpi ne, %rem3A_191, %ne3A_193 : vector<16xi32>
        %lt3A_195 = arith.constant 0 : i32
        %lt3A_196 = vector.broadcast %lt3A_195 : i32 to vector<16xi32>
        %lt3A_197 = arith.cmpi slt, %rem3A_191, %lt3A_196 : vector<16xi32>
        %lt3A_198 = arith.constant 0 : i32
        %lt3A_199 = arith.cmpi slt, %select_n3A_189, %lt3A_198 : i32
        %ne3A_200 = vector.broadcast %lt3A_199 : i1 to vector<16xi1>
        %ne3A_201 = vector.broadcast %ne3A_200 : vector<16xi1> to vector<16xi1>
        %ne3A_202 = arith.xori %lt3A_197, %ne3A_201 : vector<16xi1>
        %and3A_203 = arith.andi %ne3A_202, %ne3A_194 : vector<16xi1>
        %add3A_204 = vector.broadcast %select_n3A_189 : i32 to vector<16xi32>
        %add3A_205 = arith.addi %rem3A_191, %add3A_204 : vector<16xi32>
        %select_n3A_206 = arith.select %and3A_203, %add3A_205, %rem3A_191 : vector<16xi1>, vector<16xi32>
        %mul3A_207 = arith.constant 16 : i32
        %mul3A_208 = arith.muli %scan3A_171, %mul3A_207 : i32
        %swap3A_209 = arith.index_cast %mul3A_208 : i32 to index
        %swap3A_210 = tpu.vector_load %arg20[%swap3A_209] {strides = array<i32>} : memref<320xi32, #tpu.memory_space<vmem>>, vector<16xi32>,
        tpu.vector_store %arg20[%swap3A_209], %select_n3A_206 {strides = array<i32>} : memref<320xi32, #tpu.memory_space<vmem>>, vector<16xi32>,
        %jit3A_211 = arith.constant 80 : i32
        %div3A_212 = vector.broadcast %jit3A_211 : i32 to vector<16xi32>
        %div3A_213 = arith.divsi %get3A_184, %div3A_212 : vector<16xi32>
        %sign3A_214 = arith.constant 0 : i32
        %sign3A_215 = vector.broadcast %sign3A_214 : i32 to vector<16xi32>
        %sign3A_216 = arith.cmpi sgt, %get3A_184, %sign3A_215 : vector<16xi32>
        %sign3A_217 = arith.extui %sign3A_216 : vector<16xi1> to vector<16xi32>
        %sign3A_218 = arith.constant 0 : i32
        %sign3A_219 = vector.broadcast %sign3A_218 : i32 to vector<16xi32>
        %sign3A_220 = arith.cmpi slt, %get3A_184, %sign3A_219 : vector<16xi32>
        %sign3A_221 = arith.extui %sign3A_220 : vector<16xi1> to vector<16xi32>
        %sign3A_222 = arith.subi %sign3A_217, %sign3A_221 : vector<16xi32>
        %sign3A_223 = arith.constant 0 : i32
        %sign3A_224 = arith.cmpi sgt, %jit3A_211, %sign3A_223 : i32
        %sign3A_225 = arith.extui %sign3A_224 : i1 to i32
        %sign3A_226 = arith.constant 0 : i32
        %sign3A_227 = arith.cmpi slt, %jit3A_211, %sign3A_226 : i32
        %sign3A_228 = arith.extui %sign3A_227 : i1 to i32
        %sign3A_229 = arith.subi %sign3A_225, %sign3A_228 : i32
        %ne3A_230 = vector.broadcast %sign3A_229 : i32 to vector<16xi32>
        %ne3A_231 = arith.cmpi ne, %sign3A_222, %ne3A_230 : vector<16xi32>
        %rem3A_232 = vector.broadcast %jit3A_211 : i32 to vector<16xi32>
        %rem3A_233 = arith.remsi %get3A_184, %rem3A_232 : vector<16xi32>
        %ne3A_234 = arith.constant 0 : i32
        %ne3A_235 = vector.broadcast %ne3A_234 : i32 to vector<16xi32>
        %ne3A_236 = arith.cmpi ne, %rem3A_233, %ne3A_235 : vector<16xi32>
        %and3A_237 = arith.andi %ne3A_231, %ne3A_236 : vector<16xi1>
        %sub3A_238 = arith.constant 1 : i32
        %sub3A_239 = vector.broadcast %sub3A_238 : i32 to vector<16xi32>
        %sub3A_240 = arith.subi %div3A_213, %sub3A_239 : vector<16xi32>
        %select_n3A_241 = arith.select %and3A_237, %sub3A_240, %div3A_213 : vector<16xi1>, vector<16xi32>
        %mul3A_242 = arith.constant 4 : i32
        %mul3A_243 = vector.broadcast %mul3A_242 : i32 to vector<16xi32>
        %mul3A_244 = arith.muli %select_n3A_241, %mul3A_243 : vector<16xi32>
        %gather3A_245 = tpu.vector_load_idx %arg9[%mul3A_244] : memref<4000xf32, #tpu.memory_space<vmem>>[vector<16xi32>], vector<16xf32>,
        %add3A_246 = arith.constant 1 : i32
        %add3A_247 = vector.broadcast %add3A_246 : i32 to vector<16xi32>
        %add3A_248 = arith.addi %mul3A_244, %add3A_247 : vector<16xi32>
        %gather3A_249 = tpu.vector_load_idx %arg9[%add3A_248] : memref<4000xf32, #tpu.memory_space<vmem>>[vector<16xi32>], vector<16xf32>,
        %add3A_250 = arith.constant 2 : i32
        %add3A_251 = vector.broadcast %add3A_250 : i32 to vector<16xi32>
        %add3A_252 = arith.addi %mul3A_244, %add3A_251 : vector<16xi32>
        %gather3A_253 = tpu.vector_load_idx %arg9[%add3A_252] : memref<4000xf32, #tpu.memory_space<vmem>>[vector<16xi32>], vector<16xf32>,
        %add3A_254 = arith.constant 3 : i32
        %add3A_255 = vector.broadcast %add3A_254 : i32 to vector<16xi32>
        %add3A_256 = arith.addi %mul3A_244, %add3A_255 : vector<16xi32>
        %gather3A_257 = tpu.vector_load_idx %arg9[%add3A_256] : memref<4000xf32, #tpu.memory_space<vmem>>[vector<16xi32>], vector<16xf32>,
        %mul3A_258 = arith.constant 16 : i32
        %mul3A_259 = arith.muli %scan3A_171, %mul3A_258 : i32
        %add3A_260 = vector.broadcast %mul3A_259 : i32 to vector<16xi32>
        %add3A_261 = arith.addi %add3A_260, %iota3A : vector<16xi32>
        %mul3A_262 = arith.constant 4 : i32
        %mul3A_263 = vector.broadcast %mul3A_262 : i32 to vector<16xi32>
        %mul3A_264 = arith.muli %add3A_261, %mul3A_263 : vector<16xi32>
        %mul3A_265 = arith.constant 5.000000e-01 : f32
        %mul3A_266 = vector.broadcast %mul3A_265 : f32 to vector<16xf32>
        %mul3A_267 = arith.mulf %mul3A_266, %gather3A_253 : vector<16xf32>
        %sub3A_268 = arith.subf %gather3A_245, %mul3A_267 : vector<16xf32>
        %mul3A_269 = arith.mulf %sub3A_268, %gather3A : vector<16xf32>
        tpu.vector_store_idx %arg21[%mul3A_264], %mul3A_269 : memref<1280xf32, #tpu.memory_space<vmem>>[vector<16xi32>], vector<16xf32>,
        %add3A_270 = arith.constant 1 : i32
        %add3A_271 = vector.broadcast %add3A_270 : i32 to vector<16xi32>
        %add3A_272 = arith.addi %mul3A_264, %add3A_271 : vector<16xi32>
        %mul3A_273 = arith.constant 5.000000e-01 : f32
        %mul3A_274 = vector.broadcast %mul3A_273 : f32 to vector<16xf32>
        %mul3A_275 = arith.mulf %mul3A_274, %gather3A_257 : vector<16xf32>
        %sub3A_276 = arith.subf %gather3A_249, %mul3A_275 : vector<16xf32>
        %mul3A_277 = arith.mulf %sub3A_276, %gather3A_162 : vector<16xf32>
        tpu.vector_store_idx %arg21[%add3A_272], %mul3A_277 : memref<1280xf32, #tpu.memory_space<vmem>>[vector<16xi32>], vector<16xf32>,
        %add3A_278 = arith.constant 2 : i32
        %add3A_279 = vector.broadcast %add3A_278 : i32 to vector<16xi32>
        %add3A_280 = arith.addi %mul3A_264, %add3A_279 : vector<16xi32>
        %mul3A_281 = arith.constant 5.000000e-01 : f32
        %mul3A_282 = vector.broadcast %mul3A_281 : f32 to vector<16xf32>
        %mul3A_283 = arith.mulf %mul3A_282, %gather3A_253 : vector<16xf32>
        %add3A_284 = arith.addf %gather3A_245, %mul3A_283 : vector<16xf32>
        %mul3A_285 = arith.mulf %add3A_284, %gather3A : vector<16xf32>
        tpu.vector_store_idx %arg21[%add3A_280], %mul3A_285 : memref<1280xf32, #tpu.memory_space<vmem>>[vector<16xi32>], vector<16xf32>,
        %add3A_286 = arith.constant 3 : i32
        %add3A_287 = vector.broadcast %add3A_286 : i32 to vector<16xi32>
        %add3A_288 = arith.addi %mul3A_264, %add3A_287 : vector<16xi32>
        %mul3A_289 = arith.constant 5.000000e-01 : f32
        %mul3A_290 = vector.broadcast %mul3A_289 : f32 to vector<16xf32>
        %mul3A_291 = arith.mulf %mul3A_290, %gather3A_257 : vector<16xf32>
        %add3A_292 = arith.addf %gather3A_249, %mul3A_291 : vector<16xf32>
        %mul3A_293 = arith.mulf %add3A_292, %gather3A_162 : vector<16xf32>
        tpu.vector_store_idx %arg21[%add3A_288], %mul3A_293 : memref<1280xf32, #tpu.memory_space<vmem>>[vector<16xi32>], vector<16xf32>,
        %scan3A_294 = arith.constant 0 : i32
        scf.yield %scan3A_294 : i32
      }
      %scan3A_169 = arith.constant 20 : i32
      "tpu.region"() ({
        %run_scoped3A = tpu.sem_alloc : memref<!tpu.dma_semaphore, #tpu.memory_space<semaphore_mem>>
        %dma_start3A = arith.constant 0 : i32
        %dma_start3A_171 = tpu.memref_slice %arg5[%add3A_15, %dma_start3A] : memref<64x320xi32, #tpu.memory_space<hbm>> -> memref<1x320xi32, #tpu.memory_space<hbm>>
        %dma_start3A_172 = tpu.memref_squeeze %dma_start3A_171 : memref<1x320xi32, #tpu.memory_space<hbm>> -> memref<320xi32, #tpu.memory_space<hbm>>
        %dma_start3A_173 = arith.constant 0 : i32
        %dma_start3A_174 = tpu.memref_slice %arg5[%add3A_15, %dma_start3A_173] : memref<64x320xi32, #tpu.memory_space<hbm>> -> memref<1x320xi32, #tpu.memory_space<hbm>>
        %dma_start3A_175 = tpu.memref_squeeze %dma_start3A_174 : memref<1x320xi32, #tpu.memory_space<hbm>> -> memref<320xi32, #tpu.memory_space<hbm>>
        tpu.enqueue_dma source(%arg19 : memref<320xi32, #tpu.memory_space<vmem>>) target(%dma_start3A_175 : memref<320xi32, #tpu.memory_space<hbm>>) target_semaphore(%run_scoped3A : memref<!tpu.dma_semaphore, #tpu.memory_space<semaphore_mem>>)
        %dma_wait3A = arith.constant 0 : i32
        %dma_wait3A_176 = tpu.memref_slice %arg5[%add3A_15, %dma_wait3A] : memref<64x320xi32, #tpu.memory_space<hbm>> -> memref<1x320xi32, #tpu.memory_space<hbm>>
        %dma_wait3A_177 = tpu.memref_squeeze %dma_wait3A_176 : memref<1x320xi32, #tpu.memory_space<hbm>> -> memref<320xi32, #tpu.memory_space<hbm>>
        %dma_wait3A_178 = arith.constant 0 : i32
        %dma_wait3A_179 = tpu.memref_slice %arg5[%add3A_15, %dma_wait3A_178] : memref<64x320xi32, #tpu.memory_space<hbm>> -> memref<1x320xi32, #tpu.memory_space<hbm>>
        %dma_wait3A_180 = tpu.memref_squeeze %dma_wait3A_179 : memref<1x320xi32, #tpu.memory_space<hbm>> -> memref<320xi32, #tpu.memory_space<hbm>>
        tpu.wait_dma2 semaphore(%run_scoped3A : memref<!tpu.dma_semaphore, #tpu.memory_space<semaphore_mem>>) src(%arg19 : memref<320xi32, #tpu.memory_space<vmem>>) dst(%dma_wait3A_180 : memref<320xi32, #tpu.memory_space<hbm>>)
        tpu.yield
      }) : () -> ()
      "tpu.region"() ({
        %run_scoped3A = tpu.sem_alloc : memref<!tpu.dma_semaphore, #tpu.memory_space<semaphore_mem>>
        %dma_start3A = arith.constant 0 : i32
        %dma_start3A_171 = tpu.memref_slice %arg6[%add3A_15, %dma_start3A] : memref<64x320xi32, #tpu.memory_space<hbm>> -> memref<1x320xi32, #tpu.memory_space<hbm>>
        %dma_start3A_172 = tpu.memref_squeeze %dma_start3A_171 : memref<1x320xi32, #tpu.memory_space<hbm>> -> memref<320xi32, #tpu.memory_space<hbm>>
        %dma_start3A_173 = arith.constant 0 : i32
        %dma_start3A_174 = tpu.memref_slice %arg6[%add3A_15, %dma_start3A_173] : memref<64x320xi32, #tpu.memory_space<hbm>> -> memref<1x320xi32, #tpu.memory_space<hbm>>
        %dma_start3A_175 = tpu.memref_squeeze %dma_start3A_174 : memref<1x320xi32, #tpu.memory_space<hbm>> -> memref<320xi32, #tpu.memory_space<hbm>>
        tpu.enqueue_dma source(%arg20 : memref<320xi32, #tpu.memory_space<vmem>>) target(%dma_start3A_175 : memref<320xi32, #tpu.memory_space<hbm>>) target_semaphore(%run_scoped3A : memref<!tpu.dma_semaphore, #tpu.memory_space<semaphore_mem>>)
        %dma_wait3A = arith.constant 0 : i32
        %dma_wait3A_176 = tpu.memref_slice %arg6[%add3A_15, %dma_wait3A] : memref<64x320xi32, #tpu.memory_space<hbm>> -> memref<1x320xi32, #tpu.memory_space<hbm>>
        %dma_wait3A_177 = tpu.memref_squeeze %dma_wait3A_176 : memref<1x320xi32, #tpu.memory_space<hbm>> -> memref<320xi32, #tpu.memory_space<hbm>>
        %dma_wait3A_178 = arith.constant 0 : i32
        %dma_wait3A_179 = tpu.memref_slice %arg6[%add3A_15, %dma_wait3A_178] : memref<64x320xi32, #tpu.memory_space<hbm>> -> memref<1x320xi32, #tpu.memory_space<hbm>>
        %dma_wait3A_180 = tpu.memref_squeeze %dma_wait3A_179 : memref<1x320xi32, #tpu.memory_space<hbm>> -> memref<320xi32, #tpu.memory_space<hbm>>
        tpu.wait_dma2 semaphore(%run_scoped3A : memref<!tpu.dma_semaphore, #tpu.memory_space<semaphore_mem>>) src(%arg20 : memref<320xi32, #tpu.memory_space<vmem>>) dst(%dma_wait3A_180 : memref<320xi32, #tpu.memory_space<hbm>>)
        tpu.yield
      }) : () -> ()
      "tpu.region"() ({
        %run_scoped3A = tpu.sem_alloc : memref<!tpu.dma_semaphore, #tpu.memory_space<semaphore_mem>>
        %dma_start3A = arith.constant 0 : i32
        %dma_start3A_171 = tpu.memref_slice %arg7[%add3A_15, %dma_start3A] : memref<64x1280xf32, #tpu.memory_space<hbm>> -> memref<1x1280xf32, #tpu.memory_space<hbm>>
        %dma_start3A_172 = tpu.memref_squeeze %dma_start3A_171 : memref<1x1280xf32, #tpu.memory_space<hbm>> -> memref<1280xf32, #tpu.memory_space<hbm>>
        %dma_start3A_173 = arith.constant 0 : i32
        %dma_start3A_174 = tpu.memref_slice %arg7[%add3A_15, %dma_start3A_173] : memref<64x1280xf32, #tpu.memory_space<hbm>> -> memref<1x1280xf32, #tpu.memory_space<hbm>>
        %dma_start3A_175 = tpu.memref_squeeze %dma_start3A_174 : memref<1x1280xf32, #tpu.memory_space<hbm>> -> memref<1280xf32, #tpu.memory_space<hbm>>
        tpu.enqueue_dma source(%arg21 : memref<1280xf32, #tpu.memory_space<vmem>>) target(%dma_start3A_175 : memref<1280xf32, #tpu.memory_space<hbm>>) target_semaphore(%run_scoped3A : memref<!tpu.dma_semaphore, #tpu.memory_space<semaphore_mem>>)
        %dma_wait3A = arith.constant 0 : i32
        %dma_wait3A_176 = tpu.memref_slice %arg7[%add3A_15, %dma_wait3A] : memref<64x1280xf32, #tpu.memory_space<hbm>> -> memref<1x1280xf32, #tpu.memory_space<hbm>>
        %dma_wait3A_177 = tpu.memref_squeeze %dma_wait3A_176 : memref<1x1280xf32, #tpu.memory_space<hbm>> -> memref<1280xf32, #tpu.memory_space<hbm>>
        %dma_wait3A_178 = arith.constant 0 : i32
        %dma_wait3A_179 = tpu.memref_slice %arg7[%add3A_15, %dma_wait3A_178] : memref<64x1280xf32, #tpu.memory_space<hbm>> -> memref<1x1280xf32, #tpu.memory_space<hbm>>
        %dma_wait3A_180 = tpu.memref_squeeze %dma_wait3A_179 : memref<1x1280xf32, #tpu.memory_space<hbm>> -> memref<1280xf32, #tpu.memory_space<hbm>>
        tpu.wait_dma2 semaphore(%run_scoped3A : memref<!tpu.dma_semaphore, #tpu.memory_space<semaphore_mem>>) src(%arg21 : memref<1280xf32, #tpu.memory_space<vmem>>) dst(%dma_wait3A_180 : memref<1280xf32, #tpu.memory_space<hbm>>)
        tpu.yield
      }) : () -> ()
      %scan3A_170 = arith.constant 0 : i32
      scf.yield %scan3A_170 : i32
    }
    %scan3A_10 = arith.constant 2 : i32
    return
  }
}

</mosaic_0001>

<sc_bundles>
// kernel: kernel.3.cloned.1.call-start
scs
__scs_entry_jumppad:
0x0: {  	(pc) =	sbr.rel $0x88, $3  }
0x1: {  	(tag) =	ssettag $0x0;
	lr =	simm.s32 $0x1  }
0x2: {  	[smem:$0x3F9E] =	sst lr;
	_ =	strace $0xD0000000  }
0x3: {  	_ = 	snop  }
0x4: {  	_ = 	snop  }
0x5: {  	_ = 	snop  }
0x6: {  	_ = 	snop  }
0x7: {  	_ = 	snop  }
__scs_overlays_trampoline_lowered:
0x8: {  	[smem:$0x3FAD] =	sst s0  }
0x9: {  	[smem:$0x3FAE] =	sst s1  }
0xa: {  	[smem:$0x3FAF] =	sst s2  }
0xb: {  	[smem:$0x3FB0] =	sst s3  }
0xc: {  	[smem:$0x3FB1] =	sst s4  }
0xd: {  	[smem:$0x3FB2] =	sst s5  }
0xe: {  	[smem:$0x3FB3] =	sst s6  }
0xf: {  	[smem:$0x3FB4] =	sst s7  }
0x10: {  	[smem:$0x3FB5] =	sst s8  }
0x11: {  	[smem:$0x3FB6] =	sst s9;
	s0 =	simm.s32 @!p0 $0x0  }
0x12: {  	s1 =	sld [smem:$0x3F9C];
	s0 =	simm.s32 @p0 $0x1  }
0x13: {  	[smem:$0x3FB7] =	sst s0;
	s0 =	simm.s32 @!p1 $0x0  }
0x14: {  	s2 =	sld [smem:$0x3F9B];
	s0 =	simm.s32 @p1 $0x1  }
0x15: {  	[smem:$0x3FB8] =	sst s0;
	s0 =	simm.s32 @!p2 $0x0  }
0x16: {  	s3 =	sld [smem:$0x3FDB];
	s0 =	simm.s32 @p2 $0x1  }
0x17: {  	s4 =	simm.s32 $0x1BF5;
	[smem:$0x3FBA] =	sst s0  }
0x18: {  	s0 =	sld [smem:$0x3F9D];
	_ =	swait.ge [sflag:s4], $0x0  }
0x19: {  	s7 =	sld [smem:$0x3F9E]  }
0x1a: {  	s8 =	sadd.s32 $0xFFFFE003, lr  }
0x1b: {  	s9 =	sadd.s32 $0xFFFFFEF7, lr;
	s5 =	simm.s32 $0xFFFFFFFF;
	p2 =	slt.u32 s8, $0xFFFFF086  }
0x1c: {  	p1 =	slt.u32 s9, $0xF7A;
	s5 =	simm.s32 @!p2 $0x0  }
0x1d: {  	s5 =	simm.s32 @p1 $0x1;
	p0 =	seq.s32 s7, s2  }
0x1e: {  	s7 =	smul.u32 @!p0 $0xF7A, s2;
	p2 =	seq.s32 @!p0 s5, $0x0  }
0x1f: {  	s9 =	smul.u32 $0xF7A, s1;
	s8 =	simm.s32 @!p0 $0x1BF5;
	p2 =	por !p2, p0  }
0x20: {  	[sflag:s8] =	ssyncset.s32 @!p0 $0xFFFFF086;
	s6 =	sadd.s32 @!p0 s3, s7;
	s7 =	simm.s32 @!p0 $0x108  }
0x21: {  	s3 =	sadd.s32 s3, s9;
	s6 =	sadd.s32 @!p0 $0x88, s6;
	s7 =	simm.s32 @p2 $0x1082  }
0x22: {  	[simem:s7], [sflag:s8] =	dma.local @!p0 [hbm:s6], $0xF7A  }
0x23: {  	s9 =	sor.u32 $0xD0000000, s2;
	s6 =	simm.s32 $0x108;
	_ =	swait.ge @!p0 [sflag:s8], $0x0  }
0x24: {  	s3 =	sadd.s32 $0x88, s3;
	s6 =	simm.s32 @!p1 $0x1082;
	[sflag:s4] =	ssyncset.s32 $0xFFFFF086  }
0x25: {  	[simem:s6], [sflag:s4] =	dma.local [hbm:s3], $0xF7A  }
0x26: {  	[smem:$0x3F9E] =	sst s1;
	(tag) =	ssettag s2;
	_ =	strace s9  }
0x27: {  	s1 =	sld [smem:$0x3FAE]  }
0x28: {  	s2 =	sld [smem:$0x3FAF]  }
0x29: {  	s4 =	sld [smem:$0x3FB1]  }
0x2a: {  	p0 =	seq.s32 s5, $0x0;
	s5 =	sld [smem:$0x3FB2]  }
0x2b: {  	s6 =	sld [smem:$0x3FB3]  }
0x2c: {  	s7 =	sld [smem:$0x3FB4]  }
0x2d: {  	s3 =	simm.s32 $0x108;
	s8 =	sld [smem:$0x3FB5]  }
0x2e: {  	s3 =	simm.s32 @!p0 $0x1082;
	s9 =	sld [smem:$0x3FB6]  }
0x2f: {  	lr =	sadd.s32 s0, s3;
	s0 =	sld [smem:$0x3FAD]  }
0x30: {  	s3 =	sld [smem:$0x3FB0]  }
0x31: {  	[smem:$0x3FB9] =	sst s10  }
0x32: {  	s10 =	sld [smem:$0x3FB7];
	_ =	sdelay $0x3  }
0x33: {  	p0 =	seq.s32 s10, $0x1;
	s10 =	sld [smem:$0x3FB9];
	_ =	sdelay $0x3  }
0x34: {  	[smem:$0x3FB9] =	sst s10  }
0x35: {  	s10 =	sld [smem:$0x3FB8];
	_ =	sdelay $0x3  }
0x36: {  	p1 =	seq.s32 s10, $0x1;
	s10 =	sld [smem:$0x3FB9];
	_ =	sdelay $0x3  }
0x37: {  	[smem:$0x3FB9] =	sst s10  }
0x38: {  	s10 =	sld [smem:$0x3FBA]  }
0x39: {  	_ = 	snop;
	(pc) =	sbr.ind lr, $3  }
0x3a: {  	_ = 	snop  }
0x3b: {  	_ = 	snop  }
0x3c: {  	p2 =	seq.s32 s10, $0x1;
	s10 =	sld [smem:$0x3FB9]  }
0x3d: {  	_ =	shalt  }
0x3e: {  	_ =	shalt  }
0x3f: {  	_ =	shalt  }
0x40: {  	_ =	shalt  }
0x41: {  	_ =	shalt  }
0x42: {  	_ =	shalt  }
0x43: {  	_ =	shalt  }
0x44: {  	_ =	shalt  }
0x45: {  	_ =	shalt  }
0x46: {  	_ =	shalt  }
0x47: {  	_ =	shalt  }
0x48: {  	_ =	shalt  }
0x49: {  	_ =	shalt  }
0x4a: {  	_ =	shalt  }
0x4b: {  	_ =	shalt  }
0x4c: {  	_ =	shalt  }
0x4d: {  	_ =	shalt  }
0x4e: {  	_ =	shalt  }
0x4f: {  	_ =	shalt  }
0x50: {  	_ =	shalt  }
0x51: {  	_ =	shalt  }
0x52: {  	_ =	shalt  }
0x53: {  	_ =	shalt  }
0x54: {  	_ =	shalt  }
0x55: {  	_ =	shalt  }
0x56: {  	_ =	shalt  }
0x57: {  	_ =	shalt  }
0x58: {  	_ =	shalt  }
0x59: {  	_ =	shalt  }
0x5a: {  	_ =	shalt  }
0x5b: {  	_ =	shalt  }
0x5c: {  	_ =	shalt  }
0x5d: {  	_ =	shalt  }
0x5e: {  	_ =	shalt  }
0x5f: {  	_ =	shalt  }
0x60: {  	_ =	shalt  }
0x61: {  	_ =	shalt  }
0x62: {  	_ =	shalt  }
0x63: {  	_ =	shalt  }
0x64: {  	_ =	shalt  }
0x65: {  	_ =	shalt  }
0x66: {  	_ =	shalt  }
0x67: {  	_ =	shalt  }
0x68: {  	_ =	shalt  }
0x69: {  	_ =	shalt  }
0x6a: {  	_ =	shalt  }
0x6b: {  	_ =	shalt  }
0x6c: {  	_ =	shalt  }
0x6d: {  	_ =	shalt  }
0x6e: {  	_ =	shalt  }
0x6f: {  	_ =	shalt  }
0x70: {  	_ =	shalt  }
0x71: {  	_ =	shalt  }
0x72: {  	_ =	shalt  }
0x73: {  	_ =	shalt  }
0x74: {  	_ =	shalt  }
0x75: {  	_ =	shalt  }
0x76: {  	_ =	shalt  }
0x77: {  	_ =	shalt  }
0x78: {  	_ =	shalt  }
0x79: {  	_ =	shalt  }
0x7a: {  	_ =	shalt  }
0x7b: {  	_ =	shalt  }
0x7c: {  	_ =	shalt  }
0x7d: {  	_ =	shalt  }
0x7e: {  	_ =	shalt  }
0x7f: {  	_ =	shalt  }
0x80: {  	_ =	shalt  }
0x81: {  	_ =	shalt  }
0x82: {  	_ =	shalt  }
0x83: {  	_ =	shalt  }
0x84: {  	_ =	shalt  }
0x85: {  	_ =	shalt  }
0x86: {  	_ =	shalt  }
0x87: {  	_ =	shalt  }
.Lfunc_end0:
.L_simem_size_0:
called_computation_lowered:
.L_overlay_start_0:
0x88: {  	s2 =	sld [smem:$0x3FD9]  }
0x89: {  	s3 =	sld [smem:$0x3FFE];
	_ =	sdelay $0x1  }
0x8a: {  	s1 =	srdreg.scid  }
0x8b: {  	s0 =	sand.u32 $0x1, s1  }
0x8c: {  	s14 =	sshll.u32 s0, $0xA;
	s2 =	sadd.s32 s3, s2  }
0x8d: {  	s2 =	sadd.s32 s2, s14  }
0x8e: {  	[smem:$0x3FC5] =	sst s2  }
0x8f: {  	_ = 	snop  }
0x90: {  	s2 =	sld [smem:$0x3FD0];
	_ =	sdelay $0x2  }
0x91: {  	s15 =	simm.s32 $0xA;
	s4 =	simm.s32 $0x10  }
0x92: {  	[smem:s4], [sflag:s15] =	dma.local [hbm:s2], $0x1  }
0x93: {  	_ =	swait.eq [sflag:s15], $0x1  }
0x94: {  	s16 =	sld [smem:$0x10];
	[sflag:s15] =	ssyncset.done $0x0  }
0x95: {  	s17 =	sld [smem:$0x11];
	[sflag:s15] =	ssyncadd.s32 $0xFFFFFFFF  }
0x96: {  	s18 =	sld [smem:$0x12];
	(tm) =	ssettm $0x1  }
0x97: {  	s5 =	sld [smem:$0x3FFB];
	_ =	sdelay $0x3  }
0x98: {  	_ =	strace s5  }
0x99: {  	s5 =	sld [smem:$0x3FFC];
	_ =	sdelay $0x3  }
0x9a: {  	_ =	strace s5  }
0x9b: {  	s5 =	sld [smem:$0x3FFD];
	_ =	sdelay $0x3  }
0x9c: {  	_ =	strace s5  }
0x9d: {  	_ =	strace $0x8FFFFFFF  }
0x9e: {  	s19 =	sld [smem:$0x3FDB];
	_ =	sdelay $0x1  }
0x9f: {  	s6 =	simm.s32 $_scs_section_size  }
0xa0: {  	s7 =	simm.s32 $_size__tile_overlayer_lowered;
	s8 =	simm.s32 $_tile_overlayer_lowered  }
0xa1: {  	s22 =	simm.s32 $0x1BFF;
	s21 =	sshll.u32 s8, $0x1;
	s5 =	sadd.s32 s6, s19  }
0xa2: {  	s9 =	simm.s32 $0x0;
	s20 =	sshll.u32 s7, $0x1;
	s7 =	sadd.s32 s21, s5  }
0xa3: {  	[timem:s9], [sflag:s22] =	dma.local [hbm:s7], s20  }
0xa4: {  	_ =	swait.ge [sflag:s22], s20  }
0xa5: {  	s6 =	ssub.s32 $0x0, s20;
	[sflag:s22] =	ssyncset.done $0x0  }
0xa6: {  	[sflag:s22] =	ssyncadd.s32 s6;
	_ =	sdelay $0x1  }
0xa7: {  	s23 =	simm.s32 $0x1B8B  }
0xa8: {  	_ =	swait.ge [sflag:s23], $0x1  }
0xa9: {  	[sflag:s23] =	ssyncset.done $0x0  }
0xaa: {  	s25 =	simm.s32 $0x1B8E;
	s24 =	sld [smem:$0x3FFE];
	[sflag:s23] =	ssyncadd.s32 $0xFFFFFFFF  }
0xab: {  	s26 =	simm.s32 $execute0_lowered;
	[smem:$0x3FD2] =	sst s25  }
0xac: {  	s7 =	sshll.u32 s26, $0x1;
	_ =	strace $0x80000046;
	[dreg:$0x1] =	wrdreg $0xFFFFFFFF  }
0xad: {  	s28 =	simm.s32 $_size_execute0_lowered;
	s5 =	sadd.s32 s5, s7;
	[dreg:$0x0] =	wrdreg $0x0  }
0xae: {  	s7 =	sshll.u32 s28, $0x1;
	[dreg:$0x2] =	wrdreg s5  }
0xaf: {  	[dreg:$0x3] =	wrdreg s7  }
0xb0: {  	[dreg:$0x4] =	wrdreg $0xC0  }
0xb1: {  	_ =	task [dreg:s9], $0x5FFFF  }
0xb2: {  	[dreg:$0x1] =	wrdreg $0xFFFFFFFF  }
0xb3: {  	[dreg:$0x0] =	wrdreg $0x60  }
0xb4: {  	[dreg:$0x2] =	wrdreg s24  }
0xb5: {  	[dreg:$0x3] =	wrdreg s16  }
0xb6: {  	[dreg:$0x4] =	wrdreg s17  }
0xb7: {  	[dreg:$0x5] =	wrdreg s18  }
0xb8: {  	[dreg:$0x6] =	wrdreg $0x9  }
0xb9: {  	_ =	task.clear_ibuf [dreg:s9], $0x7FFFF;
	_ =	strace $0x90000046  }
0xba: {  	s29 =	simm.s32 $0x9;
	_ =	strace $0x80000048  }
0xbb: {  	_ =	swait.ge [sflag:s29], $0x1  }
0xbc: {  	[sflag:s29] =	ssyncadd.s32 $0xFFFFFFFF  }
0xbd: {  	_ =	strace $0x90000048  }
0xbe: {  	_ =	sfence  }
0xbf: {  	s30 =	sld [smem:$0x0];
	_ =	sdelay $0x2  }
0xc0: {  	s31 =	sshll.u32 s1, $0xD;
	s1 =	sshrl.u32 s1, $0x2  }
0xc1: {  	s3 =	sand.u32 $0x4000, s31;
	s1 =	sadd.s32 s1, s30  }
0xc2: {  	s0 =	sor.u32 s3, s0;
	s1 =	sshll.u32 s1, $0x11  }
0xc3: {  	s0 =	sor.u32 s1, s0  }
0xc4: {  	s0 =	sadd.s32 $0x8F2B, s0  }
0xc5: {  	[sflag:s0] =	ssyncadd.remote.s32 $0x1  }
0xc6: {  	_ =	sfence.sel $0xFFFF  }
0xc7: {  	[dreg:$0x0] =	wrdreg $0xFFFFFFFF;
	(pc) =	sbr.abs _section_cstart, $3  }
0xc8: {  	[dreg:$0x1] =	wrdreg $0xFFFFFFFF  }
0xc9: {  	_ =	task.clear_ibuf [dreg:s9], $0x2FFFF;
	_ =	strace $0x9FFFFFFF  }
0xca: {  	(tm) =	ssettm $0x7FFFFFFF  }
0xcb: {  	_ =	shalt  }
tec
execute0_lowered:
.L_overlay_start_1:
0x0: {  	(tag) =	ssettag $0x1  }
0x1: {  	s0 =	rddreg [dreg:$0x0]  }
0x2: {  	v0 =	vlaneseq.u32;
	s1 =	simm.s32 $0x0;
	s4 =	simm.s32 $0x0;
	s25 =	srdreg.scid  }
0x3: {  	v1 =	vimm.s32 $0x0;
	v2 =	vimm.s32 $0x1;
	v13 =	vimm.s32 $0xECA86420;
	s5 =	stileid.u32;
	s14 =	simm.s32 $0x13880;
	[smem:$0x7FF] =	sst s1  }
0x4: {  	vm7 =	vcmask $0x3330;
	vm0 =	vcmask $0x3B38;
	vm1 =	vcmask $0xB08;
	s1 =	sand.u32 $0x1, s25;
	s2 =	sadd.s32 $0xA00, s0;
	s3 =	sadd.s32 $0x9CE00, s0  }
0x5: {  	vm2 =	vcmask $0x1310;
	vm6 =	vcmask $0x1B18;
	v4 =	vmul.u32 $0xFFFFFFFF, v0;
	s29 =	sshll.u32 s5, $0x2;
	s0 =	sadd.s32 $0xA4C00, s0;
	_ =	strace $0x80000047  }
.Ltmp0:
0x6: {  	v3 =	vand.u32 $0x3, v0;
	v5 =	vor.u32 $0x10, v0;
	v6 =	vor.u32 $0x20, v0;
	[dreg:$0x5] =	wrdreg s2;
	s26 =	ssub.s32 $0x2, s1;
	(pc) =	sbr.rel .LBB2_1-.Ltmp0, $4  }
0x7: {  	v7 =	vor.u32 $0x30, v0;
	v8 =	vor.u32 $0x40, v0;
	v9 =	vor.u32 $0x50, v0;
	[dreg:$0x6] =	wrdreg s3;
	s1 =	sshll.u32 s1, $0x1;
	s28 =	sshrl.u32 s26, $0x1  }
0x8: {  	v10 =	vor.u32 $0x60, v0;
	v11 =	vor.u32 $0x70, v0;
	v15 =	vunpack.c.l.s4.s8 v13;
	[dreg:$0x7] =	wrdreg s0;
	s30 =	sor.u32 s1, s29;
	s2 =	ssub.s32 s26, s28  }
0x9: {  	s15 =	simm.s32 $0x14C20;
	v12 =	vor.u32 $0x80, v0;
	v13 =	vor.u32 $0x90, v0;
	v14 =	vor.u32 $0xA0, v0;
	[dreg:$0x8] =	wrdreg s30;
	s31 =	smax.u32 s2, $0x1  }
0xa: {  	s5 =	simm.s32 $0x15020;
	v3 =	vmul.u32 $0x400, v3;
	v4 =	vadd.s32 $0xF, v4;
	v15 =	vunpack.c.0.s8.s32 v15;
	s1 =	simm.s32 $0x0;
	[dreg:$0x9] =	wrdreg s31  }
.LBB2_69:
0xb: {  	s1 =	rddreg [dreg:$0xa]  }
0xc: {  	s0 =	rddreg [dreg:$0x9];
	s1 =	sadd.s32 $0x1, s1  }
0xd: {  	p0 =	sne.s32 s1, s0  }
.Ltmp1:
0xe: {  	_ = 	snop;
	(pc) =	sbr.rel @!p0 .LBB2_70-.Ltmp1, $1  }
0xf: {  	_ =	sdelay $0x3  }
.LBB2_1:
0x10: {  	[dreg:$0xa] =	wrdreg s1  }
0x11: {  	s0 =	rddreg [dreg:$0x1];
	s30 =	simm.s32 $0x14820;
	s31 =	simm.s32 $0x1  }
0x12: {  	[tilespmem:s30], [sflag:$0x1] =	stream.linear.gather [hbm4b:s0+s4], $0x400, $0x38;
	[tilespmem:$0x1ACC0] =	vst v63  }
0x13: {  	_ =	swait.ge [sflag:s31], $0x400  }
0x14: {  	[sflag:s31] =	ssyncset.done $0x0  }
0x15: {  	p0 =	por $0x1, $0x1;
	s0 =	simm.s32 $0x0;
	[sflag:s31] =	ssyncadd.s32 $0xFFFFFC00  }
.LBB2_2:
0x16: {  	s1 =	rddreg [dreg:$0x8]  }
0x17: {  	s16 =	sor.u32 s1, s0  }
0x18: {  	s0 =	smul.u32 $0x2710, s16  }
0x19: {  	s30 =	rddreg [dreg:$0x5]  }
0x1a: {  	s3 =	simm.s32 $0x1;
	s1 =	sadd.s32 s30, s0;
	s0 =	simm.s32 $0x0  }
0x1b: {  	[tilespmem:s0], [sflag:$0x1] =	stream.linear.gather [hbm4b:s1+s0], $0x13880, $0x38;
	[tilespmem:$0x1ACC0] =	vst v63  }
0x1c: {  	s31 =	smul.u32 $0x1F4, s16;
	_ =	swait.ge [sflag:s3], $0x13880  }
0x1d: {  	[sflag:s3] =	ssyncset.done $0x0;
	s2 =	rddreg [dreg:$0x6]  }
0x1e: {  	[sflag:s3] =	ssyncadd.s32 $0xFFFEC780;
	s1 =	sadd.s32 s2, s31  }
0x1f: {  	[tilespmem:s14], [sflag:$0x1] =	stream.linear.gather [hbm4b:s1+s0], $0xFA0, $0x38;
	[tilespmem:$0x1ACC0] =	vst v63  }
0x20: {  	s1 =	simm.s32 @!p0 $0x0;
	_ =	swait.ge [sflag:s3], $0xFA0  }
0x21: {  	s2 =	simm.s32 $0x0;
	s1 =	simm.s32 @p0 $0x1;
	[sflag:s3] =	ssyncset.done $0x0  }
0x22: {  	[smem:$0x7FD] =	sst s1;
	s1 =	simm.s32 $0x40;
	[sflag:s3] =	ssyncadd.s32 $0xFFFFF060  }
.LBB2_3:
0x23: {  	p0 =	sne.s32 s1, $0x3FC0;
	[tilespmem:s2+$0x15020] =	vst v1;
	s2 =	smov.u32 s1;
	s1 =	sadd.s32 $0x40, s1  }
.Ltmp2:
0x24: {  	(pc) =	sbr.rel @p0 .LBB2_3-.Ltmp2, $2  }
0x25: {  	_ =	sdelay $0x2  }
0x26: {  	s2 =	sshra.s32 s2, $0x2  }
0x27: {  	[tilespmem:s2+$0x15020] =	vst v1  }
.LBB2_5:
0x28: {  	s1 =	sshra.s32 s0, $0x2  }
0x29: {  	v16 =	vld [tilespmem:s1+$0x0];
	_ =	sdelay $0x4  }
0x2a: {  	vm3 =	vgt.s32 v16, $0x1  }
0x2b: {  	v16 =	vnsel vm3, $0x1, v16  }
0x2c: {  	v16 =	vshrl.u32 v16, $0x14  }
0x2d: {  	v17 =	vand.u32 $0xFF8, v16  }
0x2e: {  	v16 =	vand.u32 $0x7, v16;
	v17 =	vor.u32 v3, v17  }
0x2f: {  	v16 =	vor.u32 v16, v17;
	_ =	sdelay $0x4  }
0x30: {  	[tilespmem:v16+s5+$0x0] =	vst.idx.add.s32.msk $0xffff, v2  }
0x31: {  	v16 =	vld [tilespmem:s1+$0x10];
	_ =	sdelay $0x4  }
0x32: {  	vm3 =	vgt.s32 v16, $0x1  }
0x33: {  	v16 =	vnsel vm3, $0x1, v16  }
0x34: {  	v16 =	vshrl.u32 v16, $0x14  }
0x35: {  	v17 =	vand.u32 $0xFF8, v16  }
0x36: {  	v16 =	vand.u32 $0x7, v16;
	v17 =	vor.u32 v3, v17  }
0x37: {  	v16 =	vor.u32 v16, v17;
	_ =	sdelay $0x4  }
0x38: {  	[tilespmem:v16+s5+$0x0] =	vst.idx.add.s32.msk $0xffff, v2  }
0x39: {  	v16 =	vld [tilespmem:s1+$0x20];
	_ =	sdelay $0x4  }
0x3a: {  	vm3 =	vgt.s32 v16, $0x1  }
0x3b: {  	v16 =	vnsel vm3, $0x1, v16  }
0x3c: {  	v16 =	vshrl.u32 v16, $0x14  }
0x3d: {  	v17 =	vand.u32 $0xFF8, v16  }
0x3e: {  	v16 =	vand.u32 $0x7, v16;
	v17 =	vor.u32 v3, v17  }
0x3f: {  	v16 =	vor.u32 v16, v17;
	_ =	sdelay $0x4  }
0x40: {  	[tilespmem:v16+s5+$0x0] =	vst.idx.add.s32.msk $0xffff, v2  }
0x41: {  	v16 =	vld [tilespmem:s1+$0x30];
	_ =	sdelay $0x4  }
0x42: {  	vm3 =	vgt.s32 v16, $0x1  }
0x43: {  	v16 =	vnsel vm3, $0x1, v16  }
0x44: {  	v16 =	vshrl.u32 v16, $0x14  }
0x45: {  	v17 =	vand.u32 $0xFF8, v16  }
0x46: {  	v16 =	vand.u32 $0x7, v16;
	v17 =	vor.u32 v3, v17  }
0x47: {  	p0 =	sne.s32 s0, $0x4E100;
	v16 =	vor.u32 v16, v17  }
.Ltmp3:
0x48: {  	_ = 	snop;
	(pc) =	sbr.rel @p0 .LBB2_5-.Ltmp3, $2  }
0x49: {  	_ =	sdelay $0x2  }
0x4a: {  	s0 =	sadd.s32 $0x100, s0;
	s24 =	simm.s32 $0x0;
	[tilespmem:v16+s5+$0x0] =	vst.idx.add.s32.msk $0xffff, v2  }
0x4b: {  	s0 =	simm.s32 $0x0  }
0x4c: {  	v16 =	vld [tilespmem:s0+$0x15020]  }
0x4d: {  	v18 =	vld [tilespmem:s0+$0x15420]  }
0x4e: {  	v17 =	vld [tilespmem:s0+$0x15820]  }
0x4f: {  	s1 =	simm.s32 $0x40;
	v19 =	vld [tilespmem:s0+$0x15C20]  }
.LBB2_7:
0x50: {  	p0 =	sne.s32 s1, $0xFC0  }
.Ltmp4:
0x51: {  	s2 =	sshra.s32 s1, $0x2;
	(pc) =	sbr.rel @p0 .LBB2_7-.Ltmp4, $4  }
0x52: {  	s1 =	sadd.s32 $0x40, s1;
	v20 =	vadd.s32 v16, v18;
	v16 =	vld [tilespmem:s2+$0x15020]  }
0x53: {  	v18 =	vld [tilespmem:s2+$0x15420];
	v20 =	vadd.s32 v17, v20  }
0x54: {  	v17 =	vld [tilespmem:s2+$0x15820];
	v20 =	vadd.s32 v19, v20  }
0x55: {  	v19 =	vld [tilespmem:s2+$0x15C20];
	[tilespmem:s0+$0x14C20] =	vst v20;
	s0 =	smov.u32 s2  }
0x56: {  	_ =	sdelay $0x1  }
0x57: {  	v16 =	vadd.s32 v16, v18  }
0x58: {  	v16 =	vadd.s32 v17, v16  }
0x59: {  	v16 =	vadd.s32 v19, v16  }
0x5a: {  	s10 =	simm.s32 $0x15010;
	[tilespmem:s0+$0x14C20] =	vst v16  }
0x5b: {  	v16 =	vld [tilespmem:s10+$0x0];
	_ =	sdelay $0x4  }
0x5c: {  	v16 =	vperm.xlane v16, v4;
	_ =	sdelay $0x1  }
0x5d: {  	(xrf0) =	vadd.scan.msk.s32 $0xffff, v16  }
0x5e: {  	s11 =	simm.s32 $0x15000  }
0x5f: {  	v16 =	vld [tilespmem:s11+$0x0];
	_ =	sdelay $0x3  }
0x60: {  	v17, _, _ =	vpop (xrf0)  }
0x61: {  	v16 =	vperm.xlane v16, v4;
	(v2sf) =	vpush v17, $0xF;
	_ =	sdelay $0x1  }
0x62: {  	(xrf0) =	vadd.scan.msk.s32 $0xffff, v16;
	_ =	sdelay $0x2  }
0x63: {  	s12 =	simm.s32 $0x14FF0  }
0x64: {  	v16 =	vld [tilespmem:s12+$0x0];
	_ =	sdelay $0x1  }
0x65: {  	v18, _, _ =	vpop (xrf0)  }
0x66: {  	(v2sf) =	vpush v18, $0xF;
	_ =	sdelay $0x1  }
0x67: {  	v20 =	vadd.s32 s24, v17;
	v16 =	vperm.xlane v16, v4  }
0x68: {  	vm3 =	vgt.s32 v20, $0x12B  }
0x69: {  	s13 =	simm.s32 $0x14FE0;
	(xrf0) =	vadd.scan.msk.s32 $0xffff, v16;
	v16 =	vmctz.xlane vm3  }
0x6a: {  	v19 =	vld [tilespmem:s13+$0x0]  }
0x6b: {  	s14 =	spop (v2sf);
	(v2sf) =	vpush v16, $0x0;
	_ =	sdelay $0x2  }
0x6c: {  	s28 =	sadd.s32 $0x0, s14  }
0x6d: {  	v19 =	vperm.xlane v19, v4;
	v16 =	vadd.s32 s28, v18  }
0x6e: {  	vm3 =	vgt.s32 v16, $0x12B  }
0x6f: {  	(xrf0) =	vadd.scan.msk.s32 $0xffff, v19;
	v20, _, _ =	vpop (xrf0);
	v16 =	vmctz.xlane vm3  }
0x70: {  	(v2sf) =	vpush v20, $0xF  }
0x71: {  	(v2sf) =	vpush v16, $0x0  }
0x72: {  	s17 =	spop (v2sf)  }
0x73: {  	s18 =	simm.s32 $0x14FD0;
	s26 =	sadd.s32 s28, s17  }
0x74: {  	v21 =	vld [tilespmem:s18+$0x0];
	v19 =	vadd.s32 s26, v20  }
0x75: {  	v16, _, _ =	vpop (xrf0);
	vm3 =	vgt.s32 v19, $0x12B  }
0x76: {  	(v2sf) =	vpush v16, $0xF;
	v19 =	vmctz.xlane vm3  }
0x77: {  	s19 =	simm.s32 $0x14FC0  }
0x78: {  	(v2sf) =	vpush v19, $0x0;
	v19 =	vld [tilespmem:s19+$0x0];
	s1 =	spop (v2sf)  }
0x79: {  	v21 =	vperm.xlane v21, v4;
	s20 =	sadd.s32 $0xFFFFFFFF, s1  }
0x7a: {  	v22 =	vmov s20  }
0x7b: {  	(xrf0) =	vadd.scan.msk.s32 $0xffff, v21;
	vm3 =	veq.s32 v22, v0  }
0x7c: {  	v17 =	vnsel vm3, $0x0, v17  }
0x7d: {  	(xrf0) =	vadd.scan.msk.s32 $0xffff, v17;
	v17 =	vperm.xlane v19, v4;
	_ =	sdelay $0x1  }
0x7e: {  	s21 =	spop (v2sf)  }
0x7f: {  	s4 =	spop (v2sf)  }
0x80: {  	s5 =	sadd.s32 $0xFFFFFFFF, s4;
	(xrf0) =	vadd.scan.msk.s32 $0xffff, v17;
	v17, _, _ =	vpop (xrf0)  }
0x81: {  	s29 =	sadd.s32 s26, s21;
	v19 =	vmov s5;
	(v2sf) =	vpush v17, $0xF  }
0x82: {  	s25 =	simm.s32 $0xFFFFFFFF;
	v60 =	vadd.s32 s29, v16;
	vm3 =	veq.s32 v19, v0  }
0x83: {  	s2 =	simm.s32 $0x3BF;
	p1 =	por $0x1, $0x1;
	p0 =	slt.s32 s1, $0x10;
	v18 =	vnsel vm3, $0x0, v18;
	vm3 =	vgt.s32 v60, $0x12B  }
0x84: {  	s22 =	simm.s32 $0x14FB0;
	p0 =	por !p1, !p0;
	s23 =	spop (v2sf);
	v21 =	vmctz.xlane vm3;
	(xrf0) =	vadd.scan.msk.s32 $0xffff, v18  }
0x85: {  	s0 =	ssub.s32 $0x3FF, s1;
	p0 =	por !p0, !p0;
	s30 =	sadd.s32 s29, s23  }
0x86: {  	s3 =	simm.s32 $0x3AF;
	s6 =	simm.s32 $0x39F;
	s25 =	smov.u32 @p0 s0;
	v19 =	vld [tilespmem:s22+$0x0];
	v61 =	vadd.s32 s30, v17;
	(v2sf) =	vpush v21, $0x0  }
0x87: {  	s10 =	simm.s32 $0x37F;
	p2 =	slt.s32 s25, $0x0;
	p5 =	slt.s32 s4, $0x10;
	vm3 =	vgt.s32 v61, $0x12B;
	v18, _, _ =	vpop (xrf0)  }
0x88: {  	s1 =	simm.s32 $0x38F;
	s20 =	simm.s32 $0x3CF;
	p1 =	por !p2, !p5;
	v21 =	vmctz.xlane vm3;
	(v2sf) =	vpush v18, $0xF;
	v18, _, _ =	vpop (xrf0)  }
0x89: {  	s0 =	ssub.s32 $0x3EF, s4;
	p1 =	por !p1, !p1;
	s7 =	spop (v2sf);
	(v2sf) =	vpush v18, $0xF  }
0x8a: {  	p0 =	por p0, p0;
	s25 =	smov.u32 @p1 s0;
	s31 =	sadd.s32 $0xFFFFFFFF, s7;
	(v2sf) =	vpush v21, $0x0;
	v63, _, _ =	vpop (xrf0)  }
0x8b: {  	s4 =	simm.s32 $0x14FA0;
	p4 =	slt.s32 s25, $0x0;
	v19 =	vperm.xlane v19, v4;
	p3 =	slt.s32 s7, $0x10;
	v62 =	vmov s31;
	(v2sf) =	vpush v63, $0xF  }
0x8c: {  	s5 =	simm.s32 $0x36F;
	p2 =	por p0, p0;
	p6 =	por !p4, !p3;
	vm3 =	veq.s32 v62, v0  }
0x8d: {  	p1 =	por p1, p1;
	s0 =	ssub.s32 $0x3DF, s7;
	(xrf0) =	vadd.scan.msk.s32 $0xffff, v19;
	p3 =	por !p6, !p6;
	v20 =	vnsel vm3, $0x0, v20  }
0x8e: {  	s7 =	simm.s32 $0x35F;
	v19 =	vld [tilespmem:s4+$0x0];
	s25 =	smov.u32 @p3 s0;
	s0 =	simm.s32 $0x0;
	(xrf0) =	vadd.scan.msk.s32 $0xffff, v20  }
.LBB2_9:
0x8f: {  	p0 =	sne.s32 s7, $0xF  }
0x90: {  	s8 =	spop (v2sf);
	s9 =	smov.u32 s26;
	s26 =	smov.u32 s29  }
0x91: {  	s29 =	smov.u32 s30;
	s11 =	smov.u32 s20;
	p4 =	por p2, p2  }
0x92: {  	p2 =	por p1, p1;
	p1 =	por p3, p3;
	s20 =	smov.u32 s2  }
0x93: {  	s2 =	smov.u32 s3;
	s3 =	smov.u32 s6;
	s30 =	sadd.s32 s30, s8  }
0x94: {  	s6 =	smov.u32 s1;
	s1 =	smov.u32 s10;
	s10 =	smov.u32 s5;
	v20, _, _ =	vpop (xrf0);
	v21 =	vadd.s32 s30, v18  }
0x95: {  	s5 =	smov.u32 s7;
	p5 =	slt.s32 s25, $0x0;
	v19 =	vperm.xlane v19, v4;
	(v2sf) =	vpush v20, $0xF;
	vm3 =	vgt.s32 v21, $0x12B;
	s8 =	spop (v2sf)  }
.Ltmp5:
0x96: {  	v21 =	vmctz.xlane vm3;
	p3 =	slt.s32 s8, $0x10;
	s12 =	sadd.s32 $0xFFFFFFFF, s8;
	(pc) =	sbr.rel @p0 .LBB2_9-.Ltmp5, $4  }
0x97: {  	(xrf0) =	vadd.scan.msk.s32 $0xffff, v19;
	p3 =	por !p5, !p3;
	v19 =	vmov s12;
	v22, _, _ =	vpop (xrf0);
	s12 =	spop (v2sf)  }
0x98: {  	s4 =	sadd.s32 $0xFFFFFFF0, s4;
	s8 =	ssub.s32 s11, s8;
	(v2sf) =	vpush v21, $0x0;
	p3 =	por !p3, !p3;
	vm3 =	veq.s32 v19, v0  }
0x99: {  	v19 =	vld [tilespmem:s4+$0x0];
	v21 =	vnsel vm3, $0x0, v16;
	s25 =	smov.u32 @p3 s8;
	s8 =	sadd.s32 s0, s12;
	v16 =	vmovc v17;
	v17 =	vmov v18;
	v18 =	vmov v20;
	s0 =	smov.u32 s28  }
0x9a: {  	s7 =	sadd.s32 $0xFFFFFFF0, s7;
	s28 =	smov.u32 s9;
	(xrf0) =	vadd.scan.msk.s32 $0xffff, v21;
	(v2sf) =	vpush v22, $0xF;
	s24 =	smov.u32 @p4 s8  }
0x9b: {  	_ =	sdelay $0x1  }
0x9c: {  	s7 =	spop (v2sf)  }
0x9d: {  	s4 =	sadd.s32 $0xFFFFFFF0, s4;
	s14 =	spop (v2sf);
	v19 =	vperm.xlane v19, v4  }
0x9e: {  	v20 =	vld [tilespmem:s4+$0x0];
	s31 =	sadd.s32 $0xFFFFFFFF, s14  }
0x9f: {  	s21 =	sadd.s32 s30, s7;
	(xrf0) =	vadd.scan.msk.s32 $0xffff, v19;
	v19 =	vmov s31  }
0xa0: {  	v21 =	vadd.s32 s21, v18  }
0xa1: {  	vm3 =	vgt.s32 v21, $0x12B;
	vm8 =	veq.s32 v19, v0  }
0xa2: {  	v21 =	vmctz.xlane vm3;
	v16 =	vnsel vm8, $0x0, v16;
	v19, _, _ =	vpop (xrf0)  }
0xa3: {  	s9 =	spop (v2sf);
	v20 =	vperm.xlane v20, v4;
	(v2sf) =	vpush v19, $0xF  }
0xa4: {  	(xrf0) =	vadd.scan.msk.s32 $0xffff, v16;
	s8 =	spop (v2sf);
	(v2sf) =	vpush v21, $0x0  }
0xa5: {  	(xrf0) =	vadd.scan.msk.s32 $0xffff, v20;
	s22 =	sadd.s32 s21, s8;
	v16, _, _ =	vpop (xrf0)  }
0xa6: {  	v58 =	vadd.s32 s22, v19;
	(v2sf) =	vpush v16, $0xF;
	v16, _, _ =	vpop (xrf0)  }
0xa7: {  	vm3 =	vgt.s32 v58, $0x12B;
	(v2sf) =	vpush v16, $0xF  }
0xa8: {  	v20 =	vmctz.xlane vm3;
	_ =	sdelay $0x1  }
0xa9: {  	v59, _, _ =	vpop (xrf0);
	(v2sf) =	vpush v20, $0x0  }
0xaa: {  	v60, _, _ =	vpop (xrf0);
	(v2sf) =	vpush v59, $0xF  }
0xab: {  	(v2sf) =	vpush v60, $0xF  }
0xac: {  	s4 =	sadd.s32 $0xFFFFFFF0, s4  }
0xad: {  	v61 =	vld [tilespmem:s4+$0x0]  }
0xae: {  	s19 =	spop (v2sf)  }
0xaf: {  	s11 =	sadd.s32 $0xFFFFFFFF, s19  }
0xb0: {  	v22 =	vmov s11;
	s11 =	spop (v2sf)  }
0xb1: {  	p4 =	slt.s32 s25, $0x0;
	p0 =	slt.s32 s14, $0x10;
	vm3 =	veq.s32 v22, v0;
	s12 =	spop (v2sf)  }
0xb2: {  	p0 =	por !p4, !p0;
	v21 =	vperm.xlane v61, v4;
	v17 =	vnsel vm3, $0x0, v17;
	s7 =	sadd.s32 s22, s12;
	s23 =	spop (v2sf)  }
0xb3: {  	s14 =	ssub.s32 s20, s14;
	p0 =	por !p0, !p0;
	(xrf0) =	vadd.scan.msk.s32 $0xffff, v17;
	v17 =	vadd.s32 s7, v16;
	s13 =	sadd.s32 $0xFFFFFFFF, s23  }
0xb4: {  	s17 =	simm.s32 @!p0 $0x0;
	s25 =	smov.u32 @p0 s14;
	(xrf0) =	vadd.scan.msk.s32 $0xffff, v21;
	s4 =	spop (v2sf);
	vm3 =	vgt.s32 v17, $0x12B;
	v17 =	vmov s13  }
0xb5: {  	p6 =	slt.s32 s25, $0x0;
	p5 =	slt.s32 s19, $0x10;
	s8 =	spop (v2sf);
	v62 =	vmctz.xlane vm3;
	vm3 =	veq.s32 v17, v0  }
0xb6: {  	s17 =	simm.s32 @p0 $0x1;
	p0 =	por !p6, !p5;
	s8 =	sadd.s32 s7, s8;
	v17 =	vnsel vm3, $0x0, v18  }
0xb7: {  	[smem:$0x7F8] =	sst s17;
	s2 =	ssub.s32 s2, s19;
	p0 =	por !p0, !p0;
	(v2sf) =	vpush v62, $0x0;
	(xrf0) =	vadd.scan.msk.s32 $0xffff, v17;
	v17 =	vadd.s32 s8, v60  }
0xb8: {  	s14 =	simm.s32 @!p0 $0x0;
	s25 =	smov.u32 @p0 s2;
	s13 =	spop (v2sf)  }
0xb9: {  	p6 =	slt.s32 s25, $0x0;
	p5 =	slt.s32 s23, $0x10;
	v18, _, _ =	vpop (xrf0);
	vm3 =	vgt.s32 v17, $0x12B;
	s12 =	spop (v2sf)  }
0xba: {  	s14 =	simm.s32 @p0 $0x1;
	p0 =	por !p6, !p5;
	(v2sf) =	vpush v18, $0xF;
	v18 =	vmctz.xlane vm3;
	s17 =	spop (v2sf);
	v17, _, _ =	vpop (xrf0)  }
0xbb: {  	p0 =	por !p0, !p0;
	s20 =	sadd.s32 s8, s17;
	(v2sf) =	vpush v17, $0xF  }
0xbc: {  	s2 =	simm.s32 @!p0 $0x0;
	(v2sf) =	vpush v18, $0x0;
	v18 =	vadd.s32 s20, v17  }
0xbd: {  	s2 =	simm.s32 @p0 $0x1  }
0xbe: {  	[smem:$0x7FA] =	sst s2;
	s2 =	ssub.s32 s3, s23;
	vm3 =	vgt.s32 v18, $0x12B  }
0xbf: {  	s25 =	smov.u32 @p0 s2;
	v63 =	vmctz.xlane vm3;
	v18, _, _ =	vpop (xrf0)  }
0xc0: {  	p5 =	slt.s32 s13, $0x10;
	p6 =	slt.s32 s25, $0x0;
	(v2sf) =	vpush v18, $0xF  }
0xc1: {  	p0 =	por !p6, !p5;
	(v2sf) =	vpush v63, $0x0  }
0xc2: {  	p0 =	por !p0, !p0  }
0xc3: {  	s2 =	simm.s32 @!p0 $0x0  }
0xc4: {  	s2 =	simm.s32 @p0 $0x1  }
0xc5: {  	[smem:$0x7FB] =	sst s2;
	s2 =	ssub.s32 s6, s13  }
0xc6: {  	s25 =	smov.u32 @p0 s2;
	s18 =	spop (v2sf)  }
0xc7: {  	p6 =	slt.s32 s25, $0x0;
	p5 =	slt.s32 s18, $0x10  }
0xc8: {  	p0 =	por !p6, !p5  }
0xc9: {  	p0 =	por !p0, !p0  }
0xca: {  	s2 =	spop (v2sf);
	s6 =	simm.s32 @!p0 $0x0  }
0xcb: {  	s1 =	ssub.s32 s1, s18;
	s19 =	spop (v2sf);
	s6 =	simm.s32 @p0 $0x1  }
0xcc: {  	s25 =	smov.u32 @p0 s1;
	[smem:$0x7FC] =	sst s6;
	s6 =	spop (v2sf)  }
0xcd: {  	p6 =	slt.s32 s25, $0x0;
	p5 =	slt.s32 s6, $0x10  }
0xce: {  	p0 =	por !p6, !p5  }
0xcf: {  	s10 =	ssub.s32 s10, s6;
	s1 =	spop (v2sf);
	p4 =	por !p0, !p0  }
0xd0: {  	s25 =	smov.u32 @p4 s10;
	s23 =	spop (v2sf)  }
0xd1: {  	p5 =	slt.s32 s23, $0x10;
	p6 =	slt.s32 s25, $0x0  }
0xd2: {  	p0 =	por !p6, !p5  }
0xd3: {  	s5 =	ssub.s32 s5, s23;
	p0 =	por !p0, !p0  }
0xd4: {  	s25 =	smov.u32 @p0 s5  }
0xd5: {  	s5 =	sshra.s32 s25, $0x1F  }
0xd6: {  	s5 =	sshrl.u32 s5, $0x1C  }
0xd7: {  	s5 =	sadd.s32 s5, s25  }
0xd8: {  	s31 =	sand.u32 $0xFFFFFFF0, s5  }
0xd9: {  	p6 =	slt.s32 s25, $0x1;
	p5 =	sne.s32 s25, s31  }
0xda: {  	p5 =	por !p6, !p5  }
0xdb: {  	[smem:$0x7F9] =	sst s14;
	s14 =	simm.s32 $0x1;
	p5 =	por !p5, !p5  }
0xdc: {  	s13 =	sadd.s32 $0xFFFFFFFF, s13;
	s5 =	sshrl.u32 s5, $0x4;
	s14 =	simm.s32 @!p5 $0x0  }
0xdd: {  	v18 =	vmov s13;
	s3 =	sadd.s32 $0xFFFFFFFF, s18;
	s5 =	ssub.s32 s5, s14  }
0xde: {  	vm3 =	veq.s32 v18, v0;
	v18 =	vmov s3;
	s5 =	sshll.u32 s5, $0x6  }
0xdf: {  	v19 =	vnsel vm3, $0x0, v19;
	vm3 =	veq.s32 v18, v0;
	s6 =	sadd.s32 $0xFFFFFFFF, s6;
	s3 =	sshra.s32 s5, $0x2  }
0xe0: {  	(xrf0) =	vadd.scan.msk.s32 $0xffff, v19;
	v16 =	vnsel vm3, $0x0, v16;
	v18 =	vmov s6;
	s10 =	sadd.s32 $0xFFFFFFFF, s23;
	v19 =	vld [tilespmem:s3+$0x14C20]  }
0xe1: {  	(xrf0) =	vadd.scan.msk.s32 $0xffff, v16;
	vm3 =	veq.s32 v18, v0;
	v16 =	vmov s10  }
0xe2: {  	v18 =	vnsel vm3, $0x0, v60;
	vm3 =	veq.s32 v16, v0;
	s13 =	sand.u32 $0xF, s25  }
0xe3: {  	(xrf0) =	vadd.scan.msk.s32 $0xffff, v18;
	v17 =	vnsel vm3, $0x0, v17;
	v16 =	vmov s13  }
0xe4: {  	(xrf0) =	vadd.scan.msk.s32 $0xffff, v17;
	vm3 =	veq.s32 v16, v0  }
0xe5: {  	v17 =	vnsel vm3, $0x0, v19  }
0xe6: {  	v16, _, _ =	vpop (xrf0);
	(xrf0) =	vadd.scan.msk.s32 $0xffff, v17  }
0xe7: {  	(v2sf) =	vpush v16, $0xF;
	v16, _, _ =	vpop (xrf0)  }
0xe8: {  	p2 =	por p2, p2;
	p1 =	por p1, p1;
	s17 =	sld [smem:$0x7F9];
	(v2sf) =	vpush v16, $0xF  }
0xe9: {  	p1 =	por p1, p1;
	s0 =	sadd.s32 s0, s9;
	s18 =	sld [smem:$0x7FA];
	v16, _, _ =	vpop (xrf0)  }
0xea: {  	s24 =	smov.u32 @p2 s0;
	s0 =	sadd.s32 s28, s11;
	(v2sf) =	vpush v16, $0xF;
	v16, _, _ =	vpop (xrf0);
	s14 =	sld [smem:$0x7F8]  }
0xeb: {  	p3 =	por p3, p3;
	s24 =	smov.u32 @p1 s0;
	s19 =	sld [smem:$0x7FB];
	(v2sf) =	vpush v16, $0xF  }
0xec: {  	s0 =	sadd.s32 s26, s4;
	s23 =	sld [smem:$0x7FC];
	p0 =	por p0, p0;
	v16, _, _ =	vpop (xrf0)  }
0xed: {  	p0 =	por p0, p0;
	p5 =	por p3, p3;
	p6 =	seq.s32 s14, $0x1;
	(v2sf) =	vpush v16, $0xF  }
0xee: {  	p1 =	por p5, p5;
	p5 =	seq.s32 s17, $0x1;
	p2 =	por p6, p6  }
0xef: {  	s24 =	smov.u32 @p1 s0;
	s0 =	sadd.s32 s29, s12;
	p3 =	por p2, p2  }
0xf0: {  	p2 =	por p5, p5;
	p5 =	seq.s32 s19, $0x1;
	p1 =	por p3, p3  }
0xf1: {  	p6 =	por p2, p2;
	p3 =	seq.s32 s18, $0x1;
	s24 =	smov.u32 @p1 s0  }
0xf2: {  	p2 =	por p3, p3;
	p1 =	por p6, p6;
	s0 =	sadd.s32 s30, s2  }
0xf3: {  	p6 =	seq.s32 s23, $0x1;
	p2 =	por p2, p2;
	s24 =	smov.u32 @p1 s0  }
0xf4: {  	p1 =	por p5, p5;
	p3 =	por p6, p6;
	s0 =	sadd.s32 s21, s1  }
0xf5: {  	p5 =	por p4, p4;
	p2 =	por p2, p2;
	p1 =	por p1, p1  }
0xf6: {  	p3 =	por p3, p3;
	s24 =	smov.u32 @p2 s0;
	s26 =	spop (v2sf)  }
0xf7: {  	p1 =	por p1, p1;
	s0 =	sadd.s32 s22, s26;
	s28 =	spop (v2sf)  }
0xf8: {  	s24 =	smov.u32 @p1 s0;
	p1 =	por p3, p3;
	s0 =	sadd.s32 s7, s28  }
0xf9: {  	p6 =	por p5, p5;
	s29 =	spop (v2sf);
	s24 =	smov.u32 @p1 s0  }
0xfa: {  	p1 =	por p6, p6;
	s0 =	sadd.s32 s8, s29;
	s30 =	spop (v2sf)  }
0xfb: {  	p0 =	por p0, p0;
	s24 =	smov.u32 @p1 s0;
	s0 =	sadd.s32 s20, s30  }
0xfc: {  	s24 =	smov.u32 @p0 s0;
	s31 =	spop (v2sf)  }
0xfd: {  	s0 =	sadd.s32 s24, s31  }
0xfe: {  	p0 =	sgt.s32 s0, $0x2000  }
.Ltmp6:
0xff: {  	_ = 	snop;
	(pc) =	sbr.rel @p0 .LBB2_47-.Ltmp6, $2  }
0x100: {  	_ =	sdelay $0x2  }
0x101: {  	[dreg:$0xb] =	wrdreg s16;
	s1 =	simm.s32 $0x0;
	v17 =	vmov s25  }
0x102: {  	s2 =	simm.s32 $0x20  }
0x103: {  	v16 =	vld [tilespmem:s2+$0xFFFFFFE0];
	_ =	sdelay $0x4  }
0x104: {  	vm3 =	vgt.s32 v16, $0x1  }
0x105: {  	v16 =	vnsel vm3, $0x1, v16  }
0x106: {  	v18 =	vshrl.u32 v16, $0x14  }
0x107: {  	s3 =	simm.s32 $0x0;
	vm3 =	vge.s32 v18, v17  }
0x108: {  	v18 =	vor.u32 s3, v0;
	[tilespmem:s1+$0x16020] =	vst.msk vm3, v16;
	v16 =	vmpcnt.ones.xlane vm3  }
0x109: {  	[tilespmem:s1+$0x18030] =	vst.msk vm3, v18  }
0x10a: {  	v18 =	vld [tilespmem:s2+$0xFFFFFFF0];
	(v2sf) =	vpush v16, $0x0;
	_ =	sdelay $0x4  }
0x10b: {  	vm3 =	vgt.s32 v18, $0x1  }
0x10c: {  	v16 =	vnsel vm3, $0x1, v18  }
0x10d: {  	v18 =	vshrl.u32 v16, $0x14  }
0x10e: {  	vm3 =	vge.s32 v18, v17  }
0x10f: {  	v18 =	vmpcnt.ones.xlane vm3;
	_ =	sdelay $0x1  }
0x110: {  	(v2sf) =	vpush v18, $0x0;
	_ =	sdelay $0x3  }
0x111: {  	s23 =	spop (v2sf)  }
0x112: {  	s26 =	simm.s32 $0x10;
	s1 =	sadd.s32 $0x0, s23  }
0x113: {  	v18 =	vor.u32 s26, v0;
	[tilespmem:s1+$0x16020] =	vst.msk vm3, v16  }
0x114: {  	[tilespmem:s1+$0x18030] =	vst.msk vm3, v18  }
0x115: {  	v16 =	vld [tilespmem:s2+$0x0];
	_ =	sdelay $0x4  }
0x116: {  	vm3 =	vgt.s32 v16, $0x1  }
0x117: {  	v16 =	vnsel vm3, $0x1, v16  }
0x118: {  	v18 =	vshrl.u32 v16, $0x14;
	s28 =	spop (v2sf)  }
0x119: {  	s29 =	simm.s32 $0x20;
	s1 =	sadd.s32 s1, s28;
	vm3 =	vge.s32 v18, v17  }
0x11a: {  	v18 =	vor.u32 s29, v0;
	[tilespmem:s1+$0x16020] =	vst.msk vm3, v16;
	v16 =	vmpcnt.ones.xlane vm3  }
0x11b: {  	[tilespmem:s1+$0x18030] =	vst.msk vm3, v18  }
0x11c: {  	v18 =	vld [tilespmem:s2+$0x10];
	(v2sf) =	vpush v16, $0x0;
	_ =	sdelay $0x4  }
0x11d: {  	vm3 =	vgt.s32 v18, $0x1  }
0x11e: {  	v16 =	vnsel vm3, $0x1, v18  }
0x11f: {  	v18 =	vshrl.u32 v16, $0x14  }
0x120: {  	vm3 =	vge.s32 v18, v17  }
0x121: {  	v18 =	vmpcnt.ones.xlane vm3;
	_ =	sdelay $0x1  }
0x122: {  	(v2sf) =	vpush v18, $0x0;
	_ =	sdelay $0x3  }
0x123: {  	s30 =	spop (v2sf)  }
0x124: {  	s31 =	simm.s32 $0x30;
	s5 =	sadd.s32 s1, s30  }
0x125: {  	v18 =	vor.u32 s31, v0;
	[tilespmem:s5+$0x16020] =	vst.msk vm3, v16  }
0x126: {  	s2 =	simm.s32 $0x60;
	[tilespmem:s5+$0x18030] =	vst.msk vm3, v18  }
0x127: {  	v16 =	vld [tilespmem:s2+$0xFFFFFFE0];
	_ =	sdelay $0x4  }
0x128: {  	vm3 =	vgt.s32 v16, $0x1  }
0x129: {  	v16 =	vnsel vm3, $0x1, v16  }
0x12a: {  	s6 =	simm.s32 $0xB0;
	s1 =	simm.s32 $0x70;
	v18 =	vshrl.u32 v16, $0x14;
	s4 =	spop (v2sf)  }
.LBB2_12:
0x12b: {  	s7 =	sadd.s32 $0xFFFFFFD0, s1  }
0x12c: {  	vm3 =	vge.s32 v18, v17;
	s5 =	sadd.s32 s5, s4;
	s4 =	smov.u32 s6;
	s3 =	sadd.s32 $0x40, s6  }
0x12d: {  	p1 =	seq.s32 s6, $0x13870;
	v18 =	vor.u32 s7, v0;
	[tilespmem:s5+$0x16020] =	vst.msk vm3, v16;
	v16 =	vmpcnt.ones.xlane vm3  }
0x12e: {  	[tilespmem:s5+$0x18030] =	vst.msk vm3, v18  }
0x12f: {  	v18 =	vld [tilespmem:s2+$0xFFFFFFF0];
	(v2sf) =	vpush v16, $0x0;
	_ =	sdelay $0x4  }
0x130: {  	vm3 =	vgt.s32 v18, $0x1  }
0x131: {  	v16 =	vnsel vm3, $0x1, v18  }
0x132: {  	v18 =	vshrl.u32 v16, $0x14  }
0x133: {  	vm3 =	vge.s32 v18, v17  }
0x134: {  	v18 =	vmpcnt.ones.xlane vm3;
	_ =	sdelay $0x1  }
0x135: {  	(v2sf) =	vpush v18, $0x0;
	_ =	sdelay $0x3  }
0x136: {  	s6 =	spop (v2sf)  }
0x137: {  	s5 =	sadd.s32 s5, s6;
	s6 =	sadd.s32 $0xFFFFFFE0, s1  }
0x138: {  	v18 =	vor.u32 s6, v0;
	[tilespmem:s5+$0x16020] =	vst.msk vm3, v16  }
0x139: {  	[tilespmem:s5+$0x18030] =	vst.msk vm3, v18  }
0x13a: {  	v16 =	vld [tilespmem:s2+$0x0];
	_ =	sdelay $0x4  }
0x13b: {  	vm3 =	vgt.s32 v16, $0x1  }
0x13c: {  	v16 =	vnsel vm3, $0x1, v16  }
0x13d: {  	v18 =	vshrl.u32 v16, $0x14;
	s6 =	spop (v2sf)  }
0x13e: {  	s5 =	sadd.s32 s5, s6;
	s6 =	sadd.s32 $0xFFFFFFF0, s1;
	vm3 =	vge.s32 v18, v17  }
0x13f: {  	v18 =	vor.u32 s6, v0;
	[tilespmem:s5+$0x16020] =	vst.msk vm3, v16;
	v16 =	vmpcnt.ones.xlane vm3  }
0x140: {  	[tilespmem:s5+$0x18030] =	vst.msk vm3, v18  }
0x141: {  	v18 =	vld [tilespmem:s2+$0x10];
	(v2sf) =	vpush v16, $0x0;
	_ =	sdelay $0x4  }
0x142: {  	vm3 =	vgt.s32 v18, $0x1  }
0x143: {  	v16 =	vnsel vm3, $0x1, v18  }
0x144: {  	v18 =	vshrl.u32 v16, $0x14  }
0x145: {  	vm3 =	vge.s32 v18, v17  }
0x146: {  	v18 =	vmpcnt.ones.xlane vm3;
	_ =	sdelay $0x1  }
0x147: {  	(v2sf) =	vpush v18, $0x0;
	_ =	sdelay $0x3  }
0x148: {  	s6 =	spop (v2sf)  }
0x149: {  	s5 =	sadd.s32 s5, s6  }
0x14a: {  	v18 =	vor.u32 s1, v0;
	s1 =	smov.u32 s4;
	[tilespmem:s5+$0x16020] =	vst.msk vm3, v16  }
0x14b: {  	s2 =	sadd.s32 $0x40, s2;
	[tilespmem:s5+$0x18030] =	vst.msk vm3, v18  }
0x14c: {  	v16 =	vld [tilespmem:s2+$0xFFFFFFE0];
	_ =	sdelay $0x2  }
.Ltmp7:
0x14d: {  	(pc) =	sbr.rel @!p1 .LBB2_12-.Ltmp7, $4  }
0x14e: {  	_ = 	snop  }
0x14f: {  	vm3 =	vgt.s32 v16, $0x1  }
0x150: {  	v16 =	vnsel vm3, $0x1, v16  }
0x151: {  	s6 =	smov.u32 s3;
	v18 =	vshrl.u32 v16, $0x14;
	s4 =	spop (v2sf)  }
0x152: {  	s3 =	sadd.s32 $0xFFFFFFD0, s1;
	vm3 =	vge.s32 v18, v17;
	s4 =	sadd.s32 s5, s4  }
0x153: {  	v18 =	vor.u32 s3, v0;
	[tilespmem:s4+$0x16020] =	vst.msk vm3, v16;
	v16 =	vmpcnt.ones.xlane vm3  }
0x154: {  	[tilespmem:s4+$0x18030] =	vst.msk vm3, v18  }
0x155: {  	v18 =	vld [tilespmem:s2+$0xFFFFFFF0];
	(v2sf) =	vpush v16, $0x0;
	_ =	sdelay $0x4  }
0x156: {  	vm3 =	vgt.s32 v18, $0x1  }
0x157: {  	v16 =	vnsel vm3, $0x1, v18  }
0x158: {  	v18 =	vshrl.u32 v16, $0x14  }
0x159: {  	vm3 =	vge.s32 v18, v17  }
0x15a: {  	v18 =	vmpcnt.ones.xlane vm3;
	_ =	sdelay $0x1  }
0x15b: {  	(v2sf) =	vpush v18, $0x0;
	_ =	sdelay $0x3  }
0x15c: {  	s23 =	spop (v2sf)  }
0x15d: {  	s26 =	sadd.s32 $0xFFFFFFE0, s1;
	s3 =	sadd.s32 s4, s23  }
0x15e: {  	v18 =	vor.u32 s26, v0;
	[tilespmem:s3+$0x16020] =	vst.msk vm3, v16  }
0x15f: {  	[tilespmem:s3+$0x18030] =	vst.msk vm3, v18  }
0x160: {  	v16 =	vld [tilespmem:s2+$0x0];
	_ =	sdelay $0x4  }
0x161: {  	vm3 =	vgt.s32 v16, $0x1  }
0x162: {  	v16 =	vnsel vm3, $0x1, v16  }
0x163: {  	v18 =	vshrl.u32 v16, $0x14;
	s28 =	spop (v2sf)  }
0x164: {  	s29 =	sadd.s32 $0xFFFFFFF0, s1;
	s3 =	sadd.s32 s3, s28;
	vm3 =	vge.s32 v18, v17  }
0x165: {  	v18 =	vor.u32 s29, v0;
	[tilespmem:s3+$0x16020] =	vst.msk vm3, v16  }
0x166: {  	[tilespmem:s3+$0x18030] =	vst.msk vm3, v18  }
0x167: {  	v16 =	vld [tilespmem:s2+$0x10];
	_ =	sdelay $0x4  }
0x168: {  	vm8 =	vgt.s32 v16, $0x1  }
0x169: {  	v18 =	vmpcnt.ones.xlane vm3;
	v16 =	vnsel vm8, $0x1, v16  }
0x16a: {  	v19 =	vshrl.u32 v16, $0x14  }
0x16b: {  	(v2sf) =	vpush v18, $0x0;
	vm3 =	vge.s32 v19, v17  }
0x16c: {  	v18 =	vmpcnt.ones.xlane vm3;
	_ =	sdelay $0x1  }
0x16d: {  	(v2sf) =	vpush v18, $0x0;
	_ =	sdelay $0xb  }
0x16e: {  	s30 =	spop (v2sf)  }
0x16f: {  	s2 =	sadd.s32 s3, s30  }
0x170: {  	v18 =	vor.u32 s1, v0;
	[tilespmem:s2+$0x16020] =	vst.msk vm3, v16  }
0x171: {  	s1 =	simm.s32 $0x40;
	[tilespmem:s2+$0x18030] =	vst.msk vm3, v18;
	s2 =	simm.s32 $0x0;
	s31 =	spop (v2sf)  }
.LBB2_14:
0x172: {  	p0 =	seq.s32 s1, $0xFC0;
	[tilespmem:s2+$0x14C20] =	vst v1;
	s2 =	smov.u32 s1;
	s1 =	sadd.s32 $0x40, s1  }
.Ltmp8:
0x173: {  	(pc) =	sbr.rel @!p0 .LBB2_14-.Ltmp8, $2  }
0x174: {  	_ =	sdelay $0x2  }
0x175: {  	s2 =	sshra.s32 s2, $0x2  }
0x176: {  	s1 =	sadd.s32 $0xF, s0  }
0x177: {  	s17 =	sshra.s32 s1, $0x4  }
0x178: {  	p1 =	slt.s32 s17, $0x1  }
.Ltmp9:
0x179: {  	_ = 	snop;
	(pc) =	sbr.rel @p1 .LBB2_22-.Ltmp9, $2  }
0x17a: {  	_ =	sdelay $0x2  }
0x17b: {  	[tilespmem:s2+$0x14C20] =	vst v1;
	v16 =	vmov s0  }
0x17c: {  	p2 =	sne.s32 s17, $0x1  }
.Ltmp10:
0x17d: {  	_ = 	snop;
	(pc) =	sbr.rel @!p2 .LBB2_17-.Ltmp10, $3  }
0x17e: {  	_ =	sdelay $0x1  }
0x17f: {  	s1 =	simm.s32 $0x16020  }
0x180: {  	s0 =	simm.s32 $0x0;
	p0 =	por $0x0, $0x0;
	v18 =	vld [tilespmem:s1+$0x0];
	s1 =	sadd.s32 $0xFFFFFFFF, s17  }
0x181: {  	_ =	sdelay $0x3  }
0x182: {  	v19 =	vor.u32 s0, v0;
	v20 =	vshra.s32 v18, $0x14  }
0x183: {  	vm3 =	vlt.s32 v19, v16;
	vm8 =	veq.s32 v20, v17  }
0x184: {  	v18 =	vshrl.u32 v18, $0xA;
	vm3 =	vmand vm3, vm8  }
0x185: {  	v18 =	vand.u32 $0x3FF, v18  }
0x186: {  	p2 =	sne.s32 s1, $0x1  }
.Ltmp11:
0x187: {  	_ = 	snop;
	(pc) =	sbr.rel @!p2 .LBB2_19-.Ltmp11, $3  }
0x188: {  	_ =	sdelay $0x1  }
0x189: {  	s2 =	simm.s32 $0x16030;
	[tilespmem:v18+s15+$0x0] =	vst.idx.add.s32.msk vm3, v2  }
0x18a: {  	s3 =	sadd.s32 $0xFFFFFFFF, s1;
	p0 =	por $0x1, $0x1;
	s1 =	simm.s32 $0x0;
	v18 =	vld [tilespmem:s2+$0x0]  }
.LBB2_20:
0x18b: {  	p2 =	sne.s32 s3, $0x1;
	_ =	sdelay $0x2  }
0x18c: {  	s1 =	sadd.s32 $0x10, s1  }
0x18d: {  	v19 =	vor.u32 s1, v0;
	v20 =	vshra.s32 v18, $0x14  }
0x18e: {  	vm3 =	vlt.s32 v19, v16;
	vm8 =	veq.s32 v20, v17  }
0x18f: {  	v18 =	vshrl.u32 v18, $0xA;
	vm3 =	vmand vm3, vm8  }
0x190: {  	v18 =	vand.u32 $0x3FF, v18;
	_ =	sdelay $0x1  }
.Ltmp12:
0x191: {  	(pc) =	sbr.rel @p2 .LBB2_20-.Ltmp12, $3  }
0x192: {  	_ =	sdelay $0x1  }
0x193: {  	s2 =	sadd.s32 $0x10, s2;
	[tilespmem:v18+s15+$0x0] =	vst.idx.add.s32.msk vm3, v2  }
0x194: {  	s3 =	sadd.s32 $0xFFFFFFFF, s3;
	v18 =	vld [tilespmem:s2+$0x0]  }
.LBB2_21:
0x195: {  	_ =	sdelay $0x1  }
0x196: {  	s1 =	sadd.s32 @p0 $0x10, s1  }
0x197: {  	s0 =	smov.u32 @p0 s1  }
0x198: {  	v19 =	vor.u32 s0, v0;
	v20 =	vshra.s32 v18, $0x14  }
0x199: {  	vm3 =	vlt.s32 v19, v16;
	vm8 =	veq.s32 v20, v17  }
0x19a: {  	v17 =	vshrl.u32 v18, $0xA;
	vm3 =	vmand vm3, vm8  }
0x19b: {  	v17 =	vand.u32 $0x3FF, v17;
	_ =	sdelay $0x4  }
0x19c: {  	[tilespmem:v17+s15+$0x0] =	vst.idx.add.s32.msk vm3, v2  }
.LBB2_22:
0x19d: {  	s0 =	simm.s32 $0x15010  }
0x19e: {  	v17 =	vld [tilespmem:s0+$0x0];
	_ =	sdelay $0x4  }
0x19f: {  	v17 =	vperm.xlane v17, v4;
	_ =	sdelay $0x1  }
0x1a0: {  	(xrf0) =	vadd.scan.msk.s32 $0xffff, v17  }
0x1a1: {  	s10 =	simm.s32 $0x15000  }
0x1a2: {  	v17 =	vld [tilespmem:s10+$0x0];
	_ =	sdelay $0x3  }
0x1a3: {  	v19, _, _ =	vpop (xrf0)  }
0x1a4: {  	v17 =	vperm.xlane v17, v4;
	(v2sf) =	vpush v19, $0xF;
	_ =	sdelay $0x1  }
0x1a5: {  	(xrf0) =	vadd.scan.msk.s32 $0xffff, v17;
	_ =	sdelay $0x2  }
0x1a6: {  	s11 =	simm.s32 $0x14FF0  }
0x1a7: {  	v17 =	vld [tilespmem:s11+$0x0];
	_ =	sdelay $0x1  }
0x1a8: {  	v20, _, _ =	vpop (xrf0)  }
0x1a9: {  	(v2sf) =	vpush v20, $0xF  }
0x1aa: {  	s1 =	ssub.s32 $0x12C, s24;
	s28 =	simm.s32 $0x0  }
0x1ab: {  	v22 =	vadd.s32 s28, v19;
	v18 =	vperm.xlane v17, v4;
	v17 =	vmov s1  }
0x1ac: {  	vm3 =	vge.s32 v22, v17  }
0x1ad: {  	s12 =	simm.s32 $0x14FE0;
	(xrf0) =	vadd.scan.msk.s32 $0xffff, v18;
	v18 =	vmctz.xlane vm3  }
0x1ae: {  	v21 =	vld [tilespmem:s12+$0x0]  }
0x1af: {  	s13 =	spop (v2sf);
	(v2sf) =	vpush v18, $0x0;
	_ =	sdelay $0x2  }
0x1b0: {  	s10 =	sadd.s32 $0x0, s13  }
0x1b1: {  	v21 =	vperm.xlane v21, v4;
	v18 =	vadd.s32 s10, v20  }
0x1b2: {  	vm3 =	vge.s32 v18, v17  }
0x1b3: {  	(xrf0) =	vadd.scan.msk.s32 $0xffff, v21;
	v22, _, _ =	vpop (xrf0);
	v18 =	vmctz.xlane vm3  }
0x1b4: {  	(v2sf) =	vpush v22, $0xF  }
0x1b5: {  	(v2sf) =	vpush v18, $0x0  }
0x1b6: {  	s14 =	spop (v2sf)  }
0x1b7: {  	s16 =	simm.s32 $0x14FD0;
	s31 =	sadd.s32 s10, s14  }
0x1b8: {  	v23 =	vld [tilespmem:s16+$0x0];
	v21 =	vadd.s32 s31, v22  }
0x1b9: {  	v18, _, _ =	vpop (xrf0);
	vm3 =	vge.s32 v21, v17  }
0x1ba: {  	(v2sf) =	vpush v18, $0xF;
	v21 =	vmctz.xlane vm3  }
0x1bb: {  	s18 =	simm.s32 $0x14FC0  }
0x1bc: {  	(v2sf) =	vpush v21, $0x0;
	v21 =	vld [tilespmem:s18+$0x0];
	s19 =	spop (v2sf)  }
0x1bd: {  	v23 =	vperm.xlane v23, v4;
	s21 =	sadd.s32 $0xFFFFFFFF, s19  }
0x1be: {  	v24 =	vmov s21  }
0x1bf: {  	(xrf0) =	vadd.scan.msk.s32 $0xffff, v23;
	vm3 =	veq.s32 v24, v0  }
0x1c0: {  	v19 =	vnsel vm3, $0x0, v19  }
0x1c1: {  	(xrf0) =	vadd.scan.msk.s32 $0xffff, v19;
	v19 =	vperm.xlane v21, v4;
	_ =	sdelay $0x1  }
0x1c2: {  	s22 =	spop (v2sf)  }
0x1c3: {  	s4 =	spop (v2sf)  }
0x1c4: {  	s2 =	sadd.s32 $0xFFFFFFFF, s4;
	(xrf0) =	vadd.scan.msk.s32 $0xffff, v19;
	v19, _, _ =	vpop (xrf0)  }
0x1c5: {  	s0 =	sadd.s32 s31, s22;
	v21 =	vmov s2;
	(v2sf) =	vpush v19, $0xF  }
0x1c6: {  	s30 =	simm.s32 $0xFFFFFFFF;
	s5 =	simm.s32 $0x3CF;
	v23 =	vadd.s32 s0, v18;
	vm3 =	veq.s32 v21, v0  }
0x1c7: {  	p2 =	por $0x1, $0x1;
	s23 =	simm.s32 $0x14FB0;
	p0 =	slt.s32 s19, $0x10;
	v20 =	vnsel vm3, $0x0, v20;
	vm3 =	vge.s32 v23, v17  }
0x1c8: {  	[dreg:$0x16] =	wrdreg s1;
	p0 =	por !p2, !p0;
	s26 =	spop (v2sf);
	v23 =	vmctz.xlane vm3;
	(xrf0) =	vadd.scan.msk.s32 $0xffff, v20  }
0x1c9: {  	s1 =	ssub.s32 $0x3FF, s19;
	p0 =	por !p0, !p0;
	s2 =	sadd.s32 s0, s26  }
0x1ca: {  	s20 =	simm.s32 $0x3AF;
	s3 =	simm.s32 $0x39F;
	s30 =	smov.u32 @p0 s1;
	v21 =	vld [tilespmem:s23+$0x0];
	(v2sf) =	vpush v23, $0x0;
	v23 =	vadd.s32 s2, v19  }
0x1cb: {  	s6 =	simm.s32 $0x38F;
	p3 =	slt.s32 s30, $0x0;
	p5 =	slt.s32 s4, $0x10;
	v20, _, _ =	vpop (xrf0);
	vm3 =	vge.s32 v23, v17  }
0x1cc: {  	s9 =	simm.s32 $0x0;
	s21 =	simm.s32 $0x3BF;
	p2 =	por !p3, !p5;
	(v2sf) =	vpush v20, $0xF;
	v20, _, _ =	vpop (xrf0);
	v23 =	vmctz.xlane vm3  }
0x1cd: {  	s1 =	ssub.s32 $0x3EF, s4;
	p2 =	por !p2, !p2;
	s7 =	spop (v2sf);
	(v2sf) =	vpush v20, $0xF  }
0x1ce: {  	s22 =	simm.s32 $0x37F;
	s30 =	smov.u32 @p2 s1;
	s29 =	sadd.s32 $0xFFFFFFFF, s7;
	v63, _, _ =	vpop (xrf0);
	(v2sf) =	vpush v23, $0x0  }
0x1cf: {  	p0 =	por p0, p0;
	p5 =	slt.s32 s30, $0x0;
	v21 =	vperm.xlane v21, v4;
	p4 =	slt.s32 s7, $0x10;
	v62 =	vmov s29;
	(v2sf) =	vpush v63, $0xF  }
0x1d0: {  	s4 =	simm.s32 $0x14FA0;
	p3 =	por p0, p0;
	p6 =	por !p5, !p4;
	vm3 =	veq.s32 v62, v0  }
0x1d1: {  	s1 =	simm.s32 $0x36F;
	s7 =	ssub.s32 $0x3DF, s7;
	(xrf0) =	vadd.scan.msk.s32 $0xffff, v21;
	p4 =	por !p6, !p6;
	v22 =	vnsel vm3, $0x0, v22  }
0x1d2: {  	p2 =	por p2, p2;
	v21 =	vld [tilespmem:s4+$0x0];
	s30 =	smov.u32 @p4 s7;
	s7 =	simm.s32 $0x35F;
	(xrf0) =	vadd.scan.msk.s32 $0xffff, v22  }
.LBB2_23:
0x1d3: {  	p0 =	seq.s32 s7, $0xF  }
0x1d4: {  	s8 =	spop (v2sf);
	s11 =	smov.u32 s31;
	s31 =	smov.u32 s0  }
0x1d5: {  	s0 =	smov.u32 s2;
	s12 =	smov.u32 s5;
	p5 =	por p3, p3  }
0x1d6: {  	p3 =	por p2, p2;
	p2 =	por p4, p4;
	s5 =	smov.u32 s21  }
0x1d7: {  	s21 =	smov.u32 s20;
	s20 =	smov.u32 s3;
	s2 =	sadd.s32 s2, s8  }
0x1d8: {  	s3 =	smov.u32 s6;
	s6 =	smov.u32 s22;
	s22 =	smov.u32 s1;
	v22, _, _ =	vpop (xrf0);
	v23 =	vadd.s32 s2, v20  }
0x1d9: {  	s1 =	smov.u32 s7;
	p6 =	slt.s32 s30, $0x0;
	v21 =	vperm.xlane v21, v4;
	(v2sf) =	vpush v22, $0xF;
	vm3 =	vge.s32 v23, v17;
	s8 =	spop (v2sf)  }
.Ltmp13:
0x1da: {  	v23 =	vmctz.xlane vm3;
	p4 =	slt.s32 s8, $0x10;
	s13 =	sadd.s32 $0xFFFFFFFF, s8;
	(pc) =	sbr.rel @!p0 .LBB2_23-.Ltmp13, $4  }
0x1db: {  	(xrf0) =	vadd.scan.msk.s32 $0xffff, v21;
	p4 =	por !p6, !p4;
	v21 =	vmov s13;
	v24, _, _ =	vpop (xrf0);
	s13 =	spop (v2sf)  }
0x1dc: {  	s4 =	sadd.s32 $0xFFFFFFF0, s4;
	s8 =	ssub.s32 s12, s8;
	(v2sf) =	vpush v23, $0x0;
	p4 =	por !p4, !p4;
	vm3 =	veq.s32 v21, v0  }
0x1dd: {  	v21 =	vld [tilespmem:s4+$0x0];
	v23 =	vnsel vm3, $0x0, v18;
	s30 =	smov.u32 @p4 s8;
	s8 =	sadd.s32 s9, s13;
	v18 =	vmovc v19;
	v19 =	vmov v20;
	v20 =	vmov v22;
	s9 =	smov.u32 s10  }
0x1de: {  	s7 =	sadd.s32 $0xFFFFFFF0, s7;
	s10 =	smov.u32 s11;
	(xrf0) =	vadd.scan.msk.s32 $0xffff, v23;
	(v2sf) =	vpush v24, $0xF;
	s28 =	smov.u32 @p5 s8  }
0x1df: {  	_ =	sdelay $0x2  }
0x1e0: {  	s4 =	sadd.s32 $0xFFFFFFF0, s4  }
0x1e1: {  	s7 =	spop (v2sf);
	v22 =	vld [tilespmem:s4+$0x0]  }
0x1e2: {  	s26 =	spop (v2sf);
	s13 =	sadd.s32 s2, s7  }
0x1e3: {  	s18 =	sadd.s32 $0xFFFFFFFF, s26;
	v23 =	vadd.s32 s13, v20;
	v21 =	vperm.xlane v21, v4  }
0x1e4: {  	v24 =	vmov s18;
	vm3 =	vge.s32 v23, v17  }
0x1e5: {  	v49, _, _ =	vpop (xrf0);
	s19 =	spop (v2sf);
	vm8 =	veq.s32 v24, v0;
	v48 =	vmctz.xlane vm3;
	(xrf0) =	vadd.scan.msk.s32 $0xffff, v21  }
0x1e6: {  	(v2sf) =	vpush v49, $0xF;
	v18 =	vnsel vm8, $0x0, v18;
	v22 =	vperm.xlane v22, v4;
	s23 =	spop (v2sf)  }
0x1e7: {  	(xrf0) =	vadd.scan.msk.s32 $0xffff, v18;
	(v2sf) =	vpush v48, $0x0;
	s12 =	sadd.s32 s13, s23  }
0x1e8: {  	(xrf0) =	vadd.scan.msk.s32 $0xffff, v22;
	v18 =	vadd.s32 s12, v49;
	_ =	sdelay $0x1  }
0x1e9: {  	v50, _, _ =	vpop (xrf0);
	vm3 =	vge.s32 v18, v17  }
0x1ea: {  	(v2sf) =	vpush v50, $0xF;
	v51 =	vmctz.xlane vm3;
	v18, _, _ =	vpop (xrf0)  }
0x1eb: {  	(v2sf) =	vpush v18, $0xF  }
0x1ec: {  	v52, _, _ =	vpop (xrf0);
	(v2sf) =	vpush v51, $0x0  }
0x1ed: {  	v53, _, _ =	vpop (xrf0);
	(v2sf) =	vpush v52, $0xF  }
0x1ee: {  	(v2sf) =	vpush v53, $0xF;
	_ =	sdelay $0x1  }
0x1ef: {  	s4 =	sadd.s32 $0xFFFFFFF0, s4  }
0x1f0: {  	v54 =	vld [tilespmem:s4+$0x0]  }
0x1f1: {  	[dreg:$0x1b] =	wrdreg s19;
	s19 =	spop (v2sf)  }
0x1f2: {  	s29 =	sadd.s32 $0xFFFFFFFF, s19;
	s23 =	spop (v2sf)  }
0x1f3: {  	v55 =	vmov s29;
	s4 =	spop (v2sf)  }
0x1f4: {  	vm3 =	veq.s32 v55, v0;
	s8 =	spop (v2sf)  }
0x1f5: {  	v22 =	vperm.xlane v54, v4;
	v19 =	vnsel vm3, $0x0, v19;
	s11 =	sadd.s32 $0xFFFFFFFF, s8  }
0x1f6: {  	(xrf0) =	vadd.scan.msk.s32 $0xffff, v19;
	v19 =	vmov s11;
	s11 =	sadd.s32 s12, s4  }
0x1f7: {  	(xrf0) =	vadd.scan.msk.s32 $0xffff, v22;
	vm3 =	veq.s32 v19, v0;
	v19 =	vadd.s32 s11, v18  }
0x1f8: {  	s14 =	spop (v2sf);
	v56 =	vnsel vm3, $0x0, v20;
	vm3 =	vge.s32 v19, v17  }
0x1f9: {  	v19 =	vmctz.xlane vm3;
	s16 =	spop (v2sf)  }
0x1fa: {  	(xrf0) =	vadd.scan.msk.s32 $0xffff, v56;
	s29 =	spop (v2sf)  }
0x1fb: {  	s7 =	sadd.s32 s11, s16;
	s18 =	spop (v2sf)  }
0x1fc: {  	[dreg:$0x12] =	wrdreg s14;
	v57, _, _ =	vpop (xrf0);
	v58 =	vadd.s32 s7, v53;
	s14 =	spop (v2sf)  }
0x1fd: {  	(v2sf) =	vpush v19, $0x0;
	v19, _, _ =	vpop (xrf0);
	vm3 =	vge.s32 v58, v17;
	s16 =	sadd.s32 s7, s14  }
0x1fe: {  	(v2sf) =	vpush v57, $0xF;
	v59 =	vmctz.xlane vm3;
	v60 =	vadd.s32 s16, v19  }
0x1ff: {  	(v2sf) =	vpush v19, $0xF;
	vm3 =	vge.s32 v60, v17  }
0x200: {  	v17, _, _ =	vpop (xrf0);
	(v2sf) =	vpush v59, $0x0;
	v61 =	vmctz.xlane vm3  }
0x201: {  	(v2sf) =	vpush v17, $0xF  }
0x202: {  	(v2sf) =	vpush v61, $0x0;
	_ =	sdelay $0x6  }
0x203: {  	p5 =	slt.s32 s30, $0x0  }
0x204: {  	p3 =	por p3, p3;
	p2 =	por p2, p2;
	p0 =	slt.s32 s26, $0x10  }
0x205: {  	p4 =	por p4, p4;
	p2 =	por p2, p2;
	p0 =	por !p5, !p0  }
0x206: {  	s5 =	ssub.s32 s5, s26;
	p0 =	por !p0, !p0;
	s14 =	spop (v2sf)  }
0x207: {  	s30 =	smov.u32 @p0 s5;
	[dreg:$0xe] =	wrdreg s18;
	s18 =	spop (v2sf)  }
0x208: {  	s4 =	sadd.s32 $0xFFFFFFFF, s29;
	[dreg:$0x15] =	wrdreg s18;
	s26 =	spop (v2sf)  }
0x209: {  	v17 =	vmov s4;
	s4 =	sadd.s32 $0xFFFFFFFF, s14;
	s18 =	rddreg [dreg:$0x1b];
	s26 =	spop (v2sf)  }
0x20a: {  	p6 =	slt.s32 s30, $0x0;
	vm3 =	veq.s32 v17, v0;
	v62 =	vmov s4;
	s9 =	sadd.s32 s9, s18;
	s18 =	spop (v2sf)  }
0x20b: {  	p5 =	slt.s32 s19, $0x10;
	v17 =	vnsel vm3, $0x0, v49;
	vm3 =	veq.s32 v62, v0;
	s4 =	sadd.s32 $0xFFFFFFFF, s26;
	s5 =	spop (v2sf)  }
0x20c: {  	p4 =	por p4, p4;
	p5 =	por !p6, !p5;
	(xrf0) =	vadd.scan.msk.s32 $0xffff, v17;
	v18 =	vnsel vm3, $0x0, v18;
	v17 =	vmov s4;
	s4 =	sadd.s32 $0xFFFFFFFF, s5  }
0x20d: {  	s28 =	smov.u32 @p3 s9;
	s9 =	ssub.s32 s21, s19;
	p3 =	por !p5, !p5;
	(xrf0) =	vadd.scan.msk.s32 $0xffff, v18;
	vm3 =	veq.s32 v17, v0;
	v63 =	vmov s4  }
0x20e: {  	p4 =	por p4, p4;
	p0 =	por p0, p0;
	s30 =	smov.u32 @p3 s9;
	v17 =	vnsel vm3, $0x0, v53;
	vm3 =	veq.s32 v63, v0  }
0x20f: {  	s3 =	ssub.s32 s3, s29;
	p5 =	slt.s32 s8, $0x10;
	p6 =	slt.s32 s30, $0x0;
	(xrf0) =	vadd.scan.msk.s32 $0xffff, v17;
	v17 =	vnsel vm3, $0x0, v19  }
0x210: {  	s19 =	rddreg [dreg:$0x12];
	p6 =	por !p6, !p5;
	s4 =	sadd.s32 s10, s23;
	(xrf0) =	vadd.scan.msk.s32 $0xffff, v17  }
0x211: {  	s28 =	smov.u32 @p2 s4;
	s4 =	ssub.s32 s20, s8;
	p2 =	por !p6, !p6  }
0x212: {  	s21 =	rddreg [dreg:$0x15];
	p3 =	por p3, p3;
	s30 =	smov.u32 @p2 s4;
	v17, _, _ =	vpop (xrf0)  }
0x213: {  	s2 =	sadd.s32 s2, s21;
	p5 =	slt.s32 s29, $0x10;
	p6 =	slt.s32 s30, $0x0;
	(v2sf) =	vpush v17, $0xF;
	v17, _, _ =	vpop (xrf0)  }
0x214: {  	p3 =	por p3, p3;
	s20 =	rddreg [dreg:$0xe];
	p5 =	por !p6, !p5;
	(v2sf) =	vpush v17, $0xF  }
0x215: {  	s4 =	sadd.s32 s31, s19;
	p6 =	por p0, p0;
	p0 =	por !p5, !p5;
	v17, _, _ =	vpop (xrf0)  }
0x216: {  	s0 =	sadd.s32 s0, s20;
	s28 =	smov.u32 @p4 s4;
	s30 =	smov.u32 @p0 s3;
	(v2sf) =	vpush v17, $0xF;
	v17, _, _ =	vpop (xrf0)  }
0x217: {  	p4 =	por p6, p6;
	p5 =	slt.s32 s14, $0x10;
	p6 =	slt.s32 s30, $0x0;
	(v2sf) =	vpush v17, $0xF  }
0x218: {  	p3 =	por p3, p3;
	s28 =	smov.u32 @p4 s0;
	p4 =	por !p6, !p5  }
0x219: {  	p2 =	por p2, p2;
	s0 =	ssub.s32 s6, s14;
	p4 =	por !p4, !p4  }
0x21a: {  	s1 =	ssub.s32 s1, s5;
	p2 =	por p2, p2;
	s30 =	smov.u32 @p4 s0  }
0x21b: {  	p2 =	por p2, p2;
	p5 =	slt.s32 s26, $0x10;
	p6 =	slt.s32 s30, $0x0  }
0x21c: {  	p0 =	por p0, p0;
	s28 =	smov.u32 @p3 s2;
	p3 =	por !p6, !p5  }
0x21d: {  	s2 =	sadd.s32 s13, s18;
	s0 =	ssub.s32 s22, s26;
	p3 =	por !p3, !p3  }
0x21e: {  	p0 =	por p0, p0;
	s28 =	smov.u32 @p2 s2;
	s30 =	smov.u32 @p3 s0  }
0x21f: {  	p2 =	por p0, p0;
	p5 =	slt.s32 s5, $0x10;
	p6 =	slt.s32 s30, $0x0  }
0x220: {  	p4 =	por p4, p4;
	p3 =	por p3, p3;
	p0 =	por !p6, !p5  }
0x221: {  	p4 =	por p4, p4;
	p3 =	por p3, p3;
	p0 =	por !p0, !p0  }
0x222: {  	p5 =	por p0, p0;
	s30 =	smov.u32 @p0 s1;
	s23 =	spop (v2sf)  }
0x223: {  	s1 =	simm.s32 $0x0;
	s0 =	sadd.s32 s12, s23;
	s26 =	spop (v2sf)  }
0x224: {  	s28 =	smov.u32 @p2 s0;
	p2 =	por p4, p4;
	s0 =	sadd.s32 s11, s26  }
0x225: {  	p6 =	por p5, p5;
	s29 =	spop (v2sf);
	s28 =	smov.u32 @p2 s0  }
0x226: {  	p2 =	por p3, p3;
	s0 =	sadd.s32 s7, s29;
	s31 =	spop (v2sf)  }
0x227: {  	s28 =	smov.u32 @p2 s0;
	p2 =	por p6, p6;
	s0 =	sadd.s32 s16, s31  }
0x228: {  	s16 =	rddreg [dreg:$0xb];
	s28 =	smov.u32 @p2 s0;
	s0 =	simm.s32 $0x40  }
.LBB2_25:
0x229: {  	p0 =	seq.s32 s0, $0xFC0;
	[tilespmem:s1+$0x14C20] =	vst v1;
	s1 =	smov.u32 s0;
	s0 =	sadd.s32 $0x40, s0  }
.Ltmp14:
0x22a: {  	(pc) =	sbr.rel @!p0 .LBB2_25-.Ltmp14, $2  }
0x22b: {  	_ =	sdelay $0x2  }
0x22c: {  	s1 =	sshra.s32 s1, $0x2  }
.Ltmp15:
0x22d: {  	(pc) =	sbr.rel @p1 .LBB2_33-.Ltmp15, $3  }
0x22e: {  	_ =	sdelay $0x1  }
0x22f: {  	s0 =	sshll.u32 s25, $0xA  }
0x230: {  	[tilespmem:s1+$0x14C20] =	vst v1;
	s4 =	sor.u32 s0, s30  }
0x231: {  	p2 =	sne.s32 s17, $0x1  }
.Ltmp16:
0x232: {  	_ = 	snop;
	(pc) =	sbr.rel @!p2 .LBB2_28-.Ltmp16, $3  }
0x233: {  	_ =	sdelay $0x1  }
0x234: {  	s1 =	simm.s32 $0x16020  }
0x235: {  	v17 =	vmov s4;
	s0 =	simm.s32 $0x0;
	p0 =	por $0x0, $0x0;
	v18 =	vld [tilespmem:s1+$0x0];
	s1 =	sadd.s32 $0xFFFFFFFF, s17  }
0x236: {  	_ =	sdelay $0x3  }
0x237: {  	v19 =	vor.u32 s0, v0;
	v20 =	vshra.s32 v18, $0xA  }
0x238: {  	vm3 =	vlt.s32 v19, v16;
	vm8 =	veq.s32 v20, v17  }
0x239: {  	vm3 =	vmand vm3, vm8  }
0x23a: {  	v18 =	vand.u32 $0x3FF, v18  }
0x23b: {  	p2 =	sne.s32 s1, $0x1  }
.Ltmp17:
0x23c: {  	_ = 	snop;
	(pc) =	sbr.rel @!p2 .LBB2_30-.Ltmp17, $3  }
0x23d: {  	_ =	sdelay $0x1  }
0x23e: {  	s2 =	simm.s32 $0x16030;
	[tilespmem:v18+s15+$0x0] =	vst.idx.add.s32.msk vm3, v2  }
0x23f: {  	s3 =	sadd.s32 $0xFFFFFFFF, s1;
	p0 =	por $0x1, $0x1;
	s1 =	simm.s32 $0x0;
	v18 =	vld [tilespmem:s2+$0x0]  }
.LBB2_31:
0x240: {  	p2 =	sne.s32 s3, $0x1;
	_ =	sdelay $0x2  }
0x241: {  	s1 =	sadd.s32 $0x10, s1  }
0x242: {  	v19 =	vor.u32 s1, v0;
	v20 =	vshra.s32 v18, $0xA  }
0x243: {  	vm3 =	vlt.s32 v19, v16;
	vm8 =	veq.s32 v20, v17  }
0x244: {  	vm3 =	vmand vm3, vm8  }
0x245: {  	v18 =	vand.u32 $0x3FF, v18;
	_ =	sdelay $0x1  }
.Ltmp18:
0x246: {  	(pc) =	sbr.rel @p2 .LBB2_31-.Ltmp18, $3  }
0x247: {  	_ =	sdelay $0x1  }
0x248: {  	s2 =	sadd.s32 $0x10, s2;
	[tilespmem:v18+s15+$0x0] =	vst.idx.add.s32.msk vm3, v2  }
0x249: {  	s3 =	sadd.s32 $0xFFFFFFFF, s3;
	v18 =	vld [tilespmem:s2+$0x0]  }
.LBB2_32:
0x24a: {  	_ =	sdelay $0x1  }
0x24b: {  	s1 =	sadd.s32 @p0 $0x10, s1  }
0x24c: {  	s0 =	smov.u32 @p0 s1  }
0x24d: {  	v19 =	vor.u32 s0, v0;
	v20 =	vshra.s32 v18, $0xA  }
0x24e: {  	vm3 =	vlt.s32 v19, v16;
	vm8 =	veq.s32 v20, v17  }
0x24f: {  	vm3 =	vmand vm3, vm8  }
0x250: {  	v17 =	vand.u32 $0x3FF, v18;
	_ =	sdelay $0x4  }
0x251: {  	[tilespmem:v17+s15+$0x0] =	vst.idx.add.s32.msk vm3, v2  }
.LBB2_33:
0x252: {  	s0 =	simm.s32 $0x15010  }
0x253: {  	v17 =	vld [tilespmem:s0+$0x0];
	_ =	sdelay $0x4  }
0x254: {  	v17 =	vperm.xlane v17, v4;
	_ =	sdelay $0x1  }
0x255: {  	(xrf0) =	vadd.scan.msk.s32 $0xffff, v17  }
0x256: {  	s7 =	simm.s32 $0x15000  }
0x257: {  	v17 =	vld [tilespmem:s7+$0x0];
	_ =	sdelay $0x3  }
0x258: {  	v19, _, _ =	vpop (xrf0)  }
0x259: {  	v17 =	vperm.xlane v17, v4;
	(v2sf) =	vpush v19, $0xF;
	_ =	sdelay $0x1  }
0x25a: {  	(xrf0) =	vadd.scan.msk.s32 $0xffff, v17;
	_ =	sdelay $0x2  }
0x25b: {  	s8 =	simm.s32 $0x14FF0  }
0x25c: {  	v17 =	vld [tilespmem:s8+$0x0];
	_ =	sdelay $0x1  }
0x25d: {  	v20, _, _ =	vpop (xrf0)  }
0x25e: {  	s1 =	rddreg [dreg:$0x16];
	(v2sf) =	vpush v20, $0xF  }
0x25f: {  	s29 =	simm.s32 $0x0;
	s1 =	ssub.s32 s1, s28  }
0x260: {  	v22 =	vadd.s32 s29, v19;
	v18 =	vperm.xlane v17, v4;
	v17 =	vmov s1  }
0x261: {  	vm3 =	vge.s32 v22, v17  }
0x262: {  	s9 =	simm.s32 $0x14FE0;
	(xrf0) =	vadd.scan.msk.s32 $0xffff, v18;
	v18 =	vmctz.xlane vm3  }
0x263: {  	v21 =	vld [tilespmem:s9+$0x0]  }
0x264: {  	s10 =	spop (v2sf);
	(v2sf) =	vpush v18, $0x0;
	_ =	sdelay $0x2  }
0x265: {  	s10 =	sadd.s32 $0x0, s10  }
0x266: {  	v21 =	vperm.xlane v21, v4;
	v18 =	vadd.s32 s10, v20  }
0x267: {  	vm3 =	vge.s32 v18, v17  }
0x268: {  	(xrf0) =	vadd.scan.msk.s32 $0xffff, v21;
	v22, _, _ =	vpop (xrf0);
	v18 =	vmctz.xlane vm3  }
0x269: {  	(v2sf) =	vpush v22, $0xF  }
0x26a: {  	(v2sf) =	vpush v18, $0x0  }
0x26b: {  	s11 =	spop (v2sf)  }
0x26c: {  	s12 =	simm.s32 $0x14FD0;
	s31 =	sadd.s32 s10, s11  }
0x26d: {  	v23 =	vld [tilespmem:s12+$0x0];
	v21 =	vadd.s32 s31, v22  }
0x26e: {  	v18, _, _ =	vpop (xrf0);
	vm3 =	vge.s32 v21, v17  }
0x26f: {  	(v2sf) =	vpush v18, $0xF;
	v21 =	vmctz.xlane vm3  }
0x270: {  	s13 =	simm.s32 $0x14FC0  }
0x271: {  	(v2sf) =	vpush v21, $0x0;
	v21 =	vld [tilespmem:s13+$0x0];
	s14 =	spop (v2sf)  }
0x272: {  	v23 =	vperm.xlane v23, v4;
	s15 =	sadd.s32 $0xFFFFFFFF, s14  }
0x273: {  	v24 =	vmov s15  }
0x274: {  	(xrf0) =	vadd.scan.msk.s32 $0xffff, v23;
	vm3 =	veq.s32 v24, v0  }
0x275: {  	v19 =	vnsel vm3, $0x0, v19  }
0x276: {  	(xrf0) =	vadd.scan.msk.s32 $0xffff, v19;
	v19 =	vperm.xlane v21, v4;
	_ =	sdelay $0x1  }
0x277: {  	s18 =	spop (v2sf)  }
0x278: {  	s19 =	spop (v2sf)  }
0x279: {  	s2 =	sadd.s32 $0xFFFFFFFF, s19;
	(xrf0) =	vadd.scan.msk.s32 $0xffff, v19;
	v19, _, _ =	vpop (xrf0)  }
0x27a: {  	s0 =	sadd.s32 s31, s18;
	v21 =	vmov s2;
	(v2sf) =	vpush v19, $0xF  }
0x27b: {  	[dreg:$0x18] =	wrdreg s4;
	s30 =	simm.s32 $0xFFFFFFFF;
	v23 =	vadd.s32 s0, v18;
	vm3 =	veq.s32 v21, v0  }
0x27c: {  	s5 =	simm.s32 $0x3CF;
	p2 =	por $0x1, $0x1;
	p0 =	slt.s32 s14, $0x10;
	v20 =	vnsel vm3, $0x0, v20;
	vm3 =	vge.s32 v23, v17  }
0x27d: {  	s23 =	simm.s32 $0x14FB0;
	p0 =	por !p2, !p0;
	s25 =	spop (v2sf);
	v23 =	vmctz.xlane vm3;
	(xrf0) =	vadd.scan.msk.s32 $0xffff, v20  }
0x27e: {  	s1 =	ssub.s32 $0x3FF, s14;
	p0 =	por !p0, !p0;
	s2 =	sadd.s32 s0, s25  }
0x27f: {  	s21 =	simm.s32 $0x3BF;
	s20 =	simm.s32 $0x3AF;
	s30 =	smov.u32 @p0 s1;
	v21 =	vld [tilespmem:s23+$0x0];
	(v2sf) =	vpush v23, $0x0;
	v23 =	vadd.s32 s2, v19  }
0x280: {  	s3 =	simm.s32 $0x39F;
	p3 =	slt.s32 s30, $0x0;
	p5 =	slt.s32 s19, $0x10;
	v20, _, _ =	vpop (xrf0);
	vm3 =	vge.s32 v23, v17  }
0x281: {  	s6 =	simm.s32 $0x38F;
	s22 =	simm.s32 $0x37F;
	p2 =	por !p3, !p5;
	(v2sf) =	vpush v20, $0xF;
	v20, _, _ =	vpop (xrf0);
	v23 =	vmctz.xlane vm3  }
0x282: {  	s1 =	ssub.s32 $0x3EF, s19;
	p2 =	por !p2, !p2;
	s7 =	spop (v2sf);
	(v2sf) =	vpush v20, $0xF  }
0x283: {  	s4 =	simm.s32 $0x14FA0;
	s30 =	smov.u32 @p2 s1;
	s26 =	sadd.s32 $0xFFFFFFFF, s7;
	v63, _, _ =	vpop (xrf0);
	(v2sf) =	vpush v23, $0x0  }
0x284: {  	p0 =	por p0, p0;
	p5 =	slt.s32 s30, $0x0;
	v21 =	vperm.xlane v21, v4;
	p4 =	slt.s32 s7, $0x10;
	v62 =	vmov s26;
	(v2sf) =	vpush v63, $0xF  }
0x285: {  	s9 =	simm.s32 $0x0;
	p3 =	por p0, p0;
	p6 =	por !p5, !p4;
	vm3 =	veq.s32 v62, v0  }
0x286: {  	s1 =	simm.s32 $0x36F;
	s7 =	ssub.s32 $0x3DF, s7;
	(xrf0) =	vadd.scan.msk.s32 $0xffff, v21;
	p4 =	por !p6, !p6;
	v22 =	vnsel vm3, $0x0, v22  }
0x287: {  	p2 =	por p2, p2;
	v21 =	vld [tilespmem:s4+$0x0];
	s30 =	smov.u32 @p4 s7;
	s7 =	simm.s32 $0x35F;
	(xrf0) =	vadd.scan.msk.s32 $0xffff, v22  }
.LBB2_34:
0x288: {  	p0 =	sne.s32 s7, $0xF  }
0x289: {  	s8 =	spop (v2sf);
	s11 =	smov.u32 s31;
	s31 =	smov.u32 s0  }
0x28a: {  	s0 =	smov.u32 s2;
	s12 =	smov.u32 s5;
	p5 =	por p3, p3  }
0x28b: {  	p3 =	por p2, p2;
	p2 =	por p4, p4;
	s5 =	smov.u32 s21  }
0x28c: {  	s21 =	smov.u32 s20;
	s20 =	smov.u32 s3;
	s2 =	sadd.s32 s2, s8  }
0x28d: {  	s3 =	smov.u32 s6;
	s6 =	smov.u32 s22;
	s22 =	smov.u32 s1;
	v22, _, _ =	vpop (xrf0);
	v23 =	vadd.s32 s2, v20  }
0x28e: {  	s1 =	smov.u32 s7;
	p6 =	slt.s32 s30, $0x0;
	v21 =	vperm.xlane v21, v4;
	(v2sf) =	vpush v22, $0xF;
	vm3 =	vge.s32 v23, v17;
	s8 =	spop (v2sf)  }
.Ltmp19:
0x28f: {  	v23 =	vmctz.xlane vm3;
	p4 =	slt.s32 s8, $0x10;
	s13 =	sadd.s32 $0xFFFFFFFF, s8;
	(pc) =	sbr.rel @p0 .LBB2_34-.Ltmp19, $4  }
0x290: {  	(xrf0) =	vadd.scan.msk.s32 $0xffff, v21;
	p4 =	por !p6, !p4;
	v21 =	vmov s13;
	v24, _, _ =	vpop (xrf0);
	s13 =	spop (v2sf)  }
0x291: {  	s4 =	sadd.s32 $0xFFFFFFF0, s4;
	s8 =	ssub.s32 s12, s8;
	(v2sf) =	vpush v23, $0x0;
	p4 =	por !p4, !p4;
	vm3 =	veq.s32 v21, v0  }
0x292: {  	v21 =	vld [tilespmem:s4+$0x0];
	v23 =	vnsel vm3, $0x0, v18;
	s30 =	smov.u32 @p4 s8;
	s8 =	sadd.s32 s9, s13;
	v18 =	vmovc v19;
	v19 =	vmov v20;
	v20 =	vmov v22;
	s9 =	smov.u32 s10  }
0x293: {  	s7 =	sadd.s32 $0xFFFFFFF0, s7;
	s10 =	smov.u32 s11;
	(xrf0) =	vadd.scan.msk.s32 $0xffff, v23;
	(v2sf) =	vpush v24, $0xF;
	s29 =	smov.u32 @p5 s8  }
0x294: {  	_ =	sdelay $0x2  }
0x295: {  	s4 =	sadd.s32 $0xFFFFFFF0, s4  }
0x296: {  	s7 =	spop (v2sf);
	v22 =	vld [tilespmem:s4+$0x0]  }
0x297: {  	s26 =	spop (v2sf);
	s13 =	sadd.s32 s2, s7  }
0x298: {  	s18 =	sadd.s32 $0xFFFFFFFF, s26;
	v23 =	vadd.s32 s13, v20;
	v21 =	vperm.xlane v21, v4  }
0x299: {  	v24 =	vmov s18;
	vm3 =	vge.s32 v23, v17  }
0x29a: {  	v49, _, _ =	vpop (xrf0);
	s19 =	spop (v2sf);
	vm8 =	veq.s32 v24, v0;
	v48 =	vmctz.xlane vm3;
	(xrf0) =	vadd.scan.msk.s32 $0xffff, v21  }
0x29b: {  	(v2sf) =	vpush v49, $0xF;
	v18 =	vnsel vm8, $0x0, v18;
	v22 =	vperm.xlane v22, v4;
	s23 =	spop (v2sf)  }
0x29c: {  	(xrf0) =	vadd.scan.msk.s32 $0xffff, v18;
	(v2sf) =	vpush v48, $0x0;
	s12 =	sadd.s32 s13, s23  }
0x29d: {  	(xrf0) =	vadd.scan.msk.s32 $0xffff, v22;
	v18 =	vadd.s32 s12, v49;
	_ =	sdelay $0x1  }
0x29e: {  	v50, _, _ =	vpop (xrf0);
	vm3 =	vge.s32 v18, v17  }
0x29f: {  	(v2sf) =	vpush v50, $0xF;
	v51 =	vmctz.xlane vm3;
	v18, _, _ =	vpop (xrf0)  }
0x2a0: {  	(v2sf) =	vpush v18, $0xF  }
0x2a1: {  	v52, _, _ =	vpop (xrf0);
	(v2sf) =	vpush v51, $0x0  }
0x2a2: {  	v53, _, _ =	vpop (xrf0);
	(v2sf) =	vpush v52, $0xF  }
0x2a3: {  	(v2sf) =	vpush v53, $0xF;
	_ =	sdelay $0x1  }
0x2a4: {  	s4 =	sadd.s32 $0xFFFFFFF0, s4  }
0x2a5: {  	v54 =	vld [tilespmem:s4+$0x0]  }
0x2a6: {  	[dreg:$0x1c] =	wrdreg s19;
	s19 =	spop (v2sf)  }
0x2a7: {  	s25 =	sadd.s32 $0xFFFFFFFF, s19;
	s23 =	spop (v2sf)  }
0x2a8: {  	v55 =	vmov s25;
	s4 =	spop (v2sf)  }
0x2a9: {  	vm3 =	veq.s32 v55, v0;
	s8 =	spop (v2sf)  }
0x2aa: {  	v22 =	vperm.xlane v54, v4;
	v19 =	vnsel vm3, $0x0, v19;
	s11 =	sadd.s32 $0xFFFFFFFF, s8  }
0x2ab: {  	(xrf0) =	vadd.scan.msk.s32 $0xffff, v19;
	v19 =	vmov s11;
	s11 =	sadd.s32 s12, s4  }
0x2ac: {  	(xrf0) =	vadd.scan.msk.s32 $0xffff, v22;
	vm3 =	veq.s32 v19, v0;
	v19 =	vadd.s32 s11, v18  }
0x2ad: {  	s14 =	spop (v2sf);
	v56 =	vnsel vm3, $0x0, v20;
	vm3 =	vge.s32 v19, v17  }
0x2ae: {  	v19 =	vmctz.xlane vm3;
	s15 =	spop (v2sf)  }
0x2af: {  	(xrf0) =	vadd.scan.msk.s32 $0xffff, v56;
	s25 =	spop (v2sf)  }
0x2b0: {  	s7 =	sadd.s32 s11, s15;
	s18 =	spop (v2sf)  }
0x2b1: {  	[dreg:$0x13] =	wrdreg s14;
	v57, _, _ =	vpop (xrf0);
	v58 =	vadd.s32 s7, v53;
	s14 =	spop (v2sf)  }
0x2b2: {  	(v2sf) =	vpush v19, $0x0;
	v19, _, _ =	vpop (xrf0);
	[dreg:$0xf] =	wrdreg s18;
	vm3 =	vge.s32 v58, v17;
	s18 =	sadd.s32 s7, s14  }
0x2b3: {  	(v2sf) =	vpush v57, $0xF;
	v59 =	vmctz.xlane vm3;
	v60 =	vadd.s32 s18, v19  }
0x2b4: {  	(v2sf) =	vpush v19, $0xF;
	vm3 =	vge.s32 v60, v17  }
0x2b5: {  	v17, _, _ =	vpop (xrf0);
	(v2sf) =	vpush v59, $0x0;
	v61 =	vmctz.xlane vm3  }
0x2b6: {  	(v2sf) =	vpush v17, $0xF  }
0x2b7: {  	(v2sf) =	vpush v61, $0x0;
	_ =	sdelay $0x8  }
0x2b8: {  	p5 =	slt.s32 s30, $0x0;
	p3 =	por p3, p3  }
0x2b9: {  	p2 =	por p2, p2;
	p0 =	slt.s32 s26, $0x10;
	s14 =	spop (v2sf)  }
0x2ba: {  	s5 =	ssub.s32 s5, s26;
	p0 =	por !p5, !p0;
	s15 =	spop (v2sf)  }
0x2bb: {  	s4 =	sadd.s32 $0xFFFFFFFF, s25;
	[dreg:$0x17] =	wrdreg s15;
	s26 =	spop (v2sf)  }
0x2bc: {  	p0 =	por !p0, !p0;
	v17 =	vmov s4;
	s15 =	rddreg [dreg:$0x1c];
	s26 =	spop (v2sf)  }
0x2bd: {  	vm3 =	veq.s32 v17, v0;
	s4 =	sadd.s32 $0xFFFFFFFF, s14;
	s9 =	sadd.s32 s9, s15;
	s15 =	spop (v2sf)  }
0x2be: {  	s30 =	smov.u32 @p0 s5;
	v17 =	vnsel vm3, $0x0, v49;
	v62 =	vmov s4;
	s4 =	sadd.s32 $0xFFFFFFFF, s26;
	s5 =	spop (v2sf)  }
0x2bf: {  	p4 =	por p4, p4;
	p2 =	por p2, p2;
	(xrf0) =	vadd.scan.msk.s32 $0xffff, v17;
	vm3 =	veq.s32 v62, v0;
	v17 =	vmov s4;
	s4 =	sadd.s32 $0xFFFFFFFF, s5  }
0x2c0: {  	p4 =	por p4, p4;
	p6 =	slt.s32 s30, $0x0;
	p5 =	slt.s32 s19, $0x10;
	v18 =	vnsel vm3, $0x0, v18;
	vm3 =	veq.s32 v17, v0;
	v63 =	vmov s4  }
0x2c1: {  	p4 =	por p4, p4;
	p0 =	por p0, p0;
	p5 =	por !p6, !p5;
	(xrf0) =	vadd.scan.msk.s32 $0xffff, v18;
	v17 =	vnsel vm3, $0x0, v53;
	vm3 =	veq.s32 v63, v0  }
0x2c2: {  	s29 =	smov.u32 @p3 s9;
	s9 =	ssub.s32 s21, s19;
	p3 =	por !p5, !p5;
	(xrf0) =	vadd.scan.msk.s32 $0xffff, v17;
	v17 =	vnsel vm3, $0x0, v19  }
0x2c3: {  	s3 =	ssub.s32 s3, s25;
	s19 =	rddreg [dreg:$0x13];
	s30 =	smov.u32 @p3 s9  }
0x2c4: {  	p5 =	slt.s32 s8, $0x10;
	s21 =	rddreg [dreg:$0x17];
	p6 =	slt.s32 s30, $0x0;
	(xrf0) =	vadd.scan.msk.s32 $0xffff, v17  }
0x2c5: {  	p3 =	por p3, p3;
	p6 =	por !p6, !p5;
	s4 =	sadd.s32 s10, s23;
	v17, _, _ =	vpop (xrf0)  }
0x2c6: {  	s29 =	smov.u32 @p2 s4;
	s4 =	ssub.s32 s20, s8;
	p2 =	por !p6, !p6;
	(v2sf) =	vpush v17, $0xF  }
0x2c7: {  	s2 =	sadd.s32 s2, s21;
	p3 =	por p3, p3;
	s30 =	smov.u32 @p2 s4;
	v17, _, _ =	vpop (xrf0)  }
0x2c8: {  	p5 =	slt.s32 s25, $0x10;
	p3 =	por p3, p3;
	p6 =	slt.s32 s30, $0x0;
	(v2sf) =	vpush v17, $0xF  }
0x2c9: {  	s1 =	ssub.s32 s1, s5;
	s20 =	rddreg [dreg:$0xf];
	p5 =	por !p6, !p5;
	v17, _, _ =	vpop (xrf0)  }
0x2ca: {  	s4 =	sadd.s32 s31, s19;
	p6 =	por p0, p0;
	p0 =	por !p5, !p5;
	(v2sf) =	vpush v17, $0xF;
	v17, _, _ =	vpop (xrf0)  }
0x2cb: {  	s0 =	sadd.s32 s0, s20;
	s29 =	smov.u32 @p4 s4;
	s30 =	smov.u32 @p0 s3;
	(v2sf) =	vpush v17, $0xF  }
0x2cc: {  	p4 =	por p6, p6;
	p5 =	slt.s32 s14, $0x10;
	p6 =	slt.s32 s30, $0x0  }
0x2cd: {  	p2 =	por p2, p2;
	s29 =	smov.u32 @p4 s0;
	p4 =	por !p6, !p5  }
0x2ce: {  	p2 =	por p2, p2;
	s0 =	ssub.s32 s6, s14;
	p4 =	por !p4, !p4  }
0x2cf: {  	p2 =	por p2, p2;
	p0 =	por p0, p0;
	s30 =	smov.u32 @p4 s0  }
0x2d0: {  	s29 =	smov.u32 @p3 s2;
	p5 =	slt.s32 s26, $0x10;
	p6 =	slt.s32 s30, $0x0  }
0x2d1: {  	p0 =	por p0, p0;
	s2 =	sadd.s32 s13, s15;
	p3 =	por !p6, !p5  }
0x2d2: {  	s29 =	smov.u32 @p2 s2;
	s0 =	ssub.s32 s22, s26;
	p3 =	por !p3, !p3  }
0x2d3: {  	p2 =	por p0, p0;
	p4 =	por p4, p4;
	s30 =	smov.u32 @p3 s0  }
0x2d4: {  	p4 =	por p4, p4;
	p5 =	slt.s32 s5, $0x10;
	p6 =	slt.s32 s30, $0x0  }
0x2d5: {  	p3 =	por p3, p3;
	p0 =	por !p6, !p5;
	s23 =	spop (v2sf)  }
0x2d6: {  	p3 =	por p3, p3;
	p0 =	por !p0, !p0;
	s0 =	sadd.s32 s12, s23  }
0x2d7: {  	p5 =	por p0, p0;
	s25 =	spop (v2sf);
	s29 =	smov.u32 @p2 s0  }
.Ltmp20:
0x2d8: {  	p2 =	por p4, p4;
	s0 =	sadd.s32 s11, s25;
	(pc) =	sbr.rel @p1 .LBB2_64-.Ltmp20, $4  }
0x2d9: {  	p6 =	por p5, p5;
	s26 =	spop (v2sf);
	s29 =	smov.u32 @p2 s0  }
0x2da: {  	p2 =	por p3, p3;
	s0 =	sadd.s32 s7, s26;
	s31 =	spop (v2sf)  }
0x2db: {  	s29 =	smov.u32 @p2 s0;
	p2 =	por p6, p6;
	s0 =	sadd.s32 s18, s31  }
0x2dc: {  	s30 =	smov.u32 @p0 s1;
	s29 =	smov.u32 @p2 s0  }
0x2dd: {  	p0 =	sne.s32 s17, $0x1  }
.Ltmp21:
0x2de: {  	_ = 	snop;
	(pc) =	sbr.rel @!p0 .LBB2_37-.Ltmp21, $4  }
0x2df: {  	s0 =	sadd.s32 s24, s28;
	s1 =	rddreg [dreg:$0x18]  }
0x2e0: {  	s5 =	simm.s32 $0x16020;
	s4 =	sadd.s32 $0xFFFFFFFF, s17;
	s2 =	sshll.u32 s1, $0xA  }
0x2e1: {  	s0 =	sadd.s32 s29, s0;
	s3 =	sor.u32 s2, s30;
	s2 =	simm.s32 $0x0  }
0x2e2: {  	p1 =	por $0x0, $0x0;
	v19 =	vld [tilespmem:s5+$0x0];
	s1 =	ssub.s32 $0x12C, s0;
	v17 =	vmov s3;
	s3 =	simm.s32 $0x18030;
	v18 =	vor.u32 s2, v0  }
0x2e3: {  	_ =	sdelay $0x3  }
0x2e4: {  	vm3 =	vlt.s32 v18, v16;
	vm8 =	vgt.s32 v19, v17  }
0x2e5: {  	vm3 =	vmand vm3, vm8  }
0x2e6: {  	v21 =	vmpcnt.ones.xlane vm3;
	_ =	sdelay $0x1  }
0x2e7: {  	(v2sf) =	vpush v21, $0x0  }
0x2e8: {  	v20 =	vld [tilespmem:s3+$0x0]  }
0x2e9: {  	p2 =	sne.s32 s4, $0x1  }
.Ltmp22:
0x2ea: {  	_ = 	snop;
	(pc) =	sbr.rel @!p2 .LBB2_39-.Ltmp22, $4  }
0x2eb: {  	_ = 	snop  }
0x2ec: {  	[tilespmem:s2+$0x1A040] =	vst.msk vm3, v19  }
0x2ed: {  	s9 =	simm.s32 $0x16030;
	s10 =	sadd.s32 $0xFFFFFFFF, s4;
	p0 =	por $0x1, $0x1;
	[tilespmem:s2+$0x1A180] =	vst.msk vm3, v20  }
0x2ee: {  	s8 =	simm.s32 $0x0;
	s7 =	simm.s32 $0x18030;
	s6 =	simm.s32 $0x0;
	v19 =	vld [tilespmem:s9+$0x0]  }
.LBB2_40:
0x2ef: {  	p2 =	sne.s32 s10, $0x1;
	_ =	sdelay $0x1  }
0x2f0: {  	s8 =	sadd.s32 $0x10, s8  }
0x2f1: {  	v20 =	vor.u32 s8, v0  }
0x2f2: {  	s7 =	sadd.s32 $0x10, s7;
	vm3 =	vlt.s32 v20, v16;
	vm8 =	vgt.s32 v19, v17  }
0x2f3: {  	v20 =	vld [tilespmem:s7+$0x0];
	vm3 =	vmand vm3, vm8  }
0x2f4: {  	v21 =	vmpcnt.ones.xlane vm3  }
0x2f5: {  	s11 =	spop (v2sf)  }
0x2f6: {  	(v2sf) =	vpush v21, $0x0;
	s6 =	sadd.s32 s6, s11  }
0x2f7: {  	[tilespmem:s6+$0x1A040] =	vst.msk vm3, v19  }
0x2f8: {  	[tilespmem:s6+$0x1A180] =	vst.msk vm3, v20  }
.Ltmp23:
0x2f9: {  	(pc) =	sbr.rel @p2 .LBB2_40-.Ltmp23, $3  }
0x2fa: {  	_ =	sdelay $0x1  }
0x2fb: {  	s9 =	sadd.s32 $0x10, s9  }
0x2fc: {  	s10 =	sadd.s32 $0xFFFFFFFF, s10;
	v19 =	vld [tilespmem:s9+$0x0]  }
.LBB2_41:
0x2fd: {  	_ = 	snop  }
0x2fe: {  	s8 =	sadd.s32 @p0 $0x10, s8;
	s9 =	simm.s32 $0x0  }
0x2ff: {  	s9 =	smov.u32 @p0 s8  }
0x300: {  	v20 =	vor.u32 s9, v0  }
0x301: {  	vm3 =	vlt.s32 v20, v16;
	vm8 =	vgt.s32 v19, v17  }
0x302: {  	vm3 =	vmand vm3, vm8  }
0x303: {  	v20 =	vmpcnt.ones.xlane vm3;
	_ =	sdelay $0x1  }
0x304: {  	(v2sf) =	vpush v20, $0x0;
	_ =	sdelay $0x6  }
0x305: {  	s7 =	sadd.s32 @p0 $0x10, s7;
	s8 =	simm.s32 $0x18030  }
0x306: {  	s8 =	smov.u32 @p0 s7;
	s7 =	spop @p0 (v2sf)  }
0x307: {  	v20 =	vld [tilespmem:s8+$0x0];
	s6 =	sadd.s32 @p0 s6, s7;
	s7 =	simm.s32 $0x0  }
0x308: {  	s7 =	smov.u32 @p0 s6;
	p0 =	seq.s32 s17, $0x1  }
.Ltmp24:
0x309: {  	_ = 	snop;
	(pc) =	sbr.rel @p0 .LBB2_42-.Ltmp24, $4  }
0x30a: {  	_ = 	snop  }
0x30b: {  	[tilespmem:s7+$0x1A040] =	vst.msk vm3, v19  }
0x30c: {  	[tilespmem:s7+$0x1A180] =	vst.msk vm3, v20  }
0x30d: {  	v19 =	vld [tilespmem:s5+$0x0];
	s31 =	spop (v2sf)  }
0x30e: {  	_ =	sdelay $0x3  }
0x30f: {  	vm3 =	vlt.s32 v18, v16;
	vm8 =	veq.s32 v19, v17  }
0x310: {  	vm3 =	vmand vm3, vm8  }
0x311: {  	v18 =	vmpcnt.ones.xlane vm3;
	_ =	sdelay $0x1  }
0x312: {  	(v2sf) =	vpush v18, $0x0  }
0x313: {  	v20 =	vld [tilespmem:s3+$0x0];
	p0 =	sgt.s32 s1, $0x0;
	s5 =	smov.u32 s1  }
0x314: {  	s5 =	smov.u32 @p0 s2;
	p0 =	seq.s32 s4, $0x1  }
.Ltmp25:
0x315: {  	_ = 	snop;
	(pc) =	sbr.rel @p0 .LBB2_44-.Ltmp25, $4  }
0x316: {  	s5 =	sadd.s32 s0, s5  }
0x317: {  	[tilespmem:s5+$0x1A040] =	vst.msk vm3, v19  }
0x318: {  	s7 =	simm.s32 $0x16030;
	s8 =	sadd.s32 $0xFFFFFFFF, s4;
	p1 =	por $0x1, $0x1;
	[tilespmem:s5+$0x1A180] =	vst.msk vm3, v20  }
0x319: {  	s6 =	simm.s32 $0x0;
	s4 =	simm.s32 $0x18030;
	s5 =	simm.s32 $0x0;
	v19 =	vld [tilespmem:s7+$0x0]  }
.LBB2_45:
0x31a: {  	p0 =	seq.s32 s8, $0x1;
	_ =	sdelay $0x1  }
0x31b: {  	s6 =	sadd.s32 $0x10, s6  }
0x31c: {  	v18 =	vor.u32 s6, v0  }
0x31d: {  	vm3 =	vlt.s32 v18, v16;
	vm8 =	veq.s32 v19, v17  }
0x31e: {  	vm3 =	vmand vm3, vm8  }
0x31f: {  	v18 =	vmpcnt.ones.xlane vm3  }
0x320: {  	s4 =	sadd.s32 $0x10, s4;
	s9 =	spop (v2sf)  }
0x321: {  	v20 =	vld [tilespmem:s4+$0x0];
	(v2sf) =	vpush v18, $0x0;
	s5 =	sadd.s32 s5, s9  }
0x322: {  	s9 =	smov.u32 s1;
	p2 =	slt.s32 s5, s1  }
0x323: {  	s9 =	smov.u32 @p2 s5  }
.Ltmp26:
0x324: {  	s9 =	sadd.s32 s0, s9;
	(pc) =	sbr.rel @!p0 .LBB2_45-.Ltmp26, $4  }
0x325: {  	[tilespmem:s9+$0x1A040] =	vst.msk vm3, v19  }
0x326: {  	[tilespmem:s9+$0x1A180] =	vst.msk vm3, v20  }
0x327: {  	s7 =	sadd.s32 $0x10, s7  }
0x328: {  	s8 =	sadd.s32 $0xFFFFFFFF, s8;
	v19 =	vld [tilespmem:s7+$0x0]  }
.LBB2_46:
0x329: {  	_ = 	snop  }
0x32a: {  	s6 =	sadd.s32 @p1 $0x10, s6;
	s7 =	simm.s32 $0x0  }
0x32b: {  	s7 =	smov.u32 @p1 s6  }
0x32c: {  	v18 =	vor.u32 s7, v0  }
0x32d: {  	vm3 =	vlt.s32 v18, v16;
	vm8 =	veq.s32 v19, v17  }
0x32e: {  	vm3 =	vmand vm3, vm8  }
0x32f: {  	v16 =	vmpcnt.ones.xlane vm3;
	_ =	sdelay $0x1  }
0x330: {  	(v2sf) =	vpush v16, $0x0;
	_ =	sdelay $0x7  }
0x331: {  	s4 =	sadd.s32 @p1 $0x10, s4;
	s6 =	spop @p1 (v2sf)  }
0x332: {  	s3 =	smov.u32 @p1 s4;
	s4 =	sadd.s32 @p1 s5, s6  }
0x333: {  	v16 =	vld [tilespmem:s3+$0x0];
	s2 =	smov.u32 @p1 s4  }
.Ltmp27:
0x334: {  	p0 =	slt.s32 s2, s1;
	(pc) =	sbr.rel .LBB2_64-.Ltmp27, $4  }
0x335: {  	s1 =	smov.u32 @p0 s2  }
0x336: {  	s0 =	sadd.s32 s0, s1  }
0x337: {  	[tilespmem:s0+$0x1A040] =	vst.msk vm3, v19  }
0x338: {  	[tilespmem:s0+$0x1A180] =	vst.msk vm3, v16;
	s31 =	spop (v2sf)  }
.LBB2_47:
0x339: {  	s0 =	simm.s32 $0x40;
	s1 =	simm.s32 $0x0  }
.LBB2_48:
0x33a: {  	p0 =	seq.s32 s0, $0xFC0;
	[tilespmem:s1+$0x14C20] =	vst v1;
	s1 =	smov.u32 s0;
	s0 =	sadd.s32 $0x40, s0  }
.Ltmp28:
0x33b: {  	(pc) =	sbr.rel @!p0 .LBB2_48-.Ltmp28, $2  }
0x33c: {  	_ =	sdelay $0x2  }
0x33d: {  	s1 =	sshra.s32 s1, $0x2  }
0x33e: {  	[tilespmem:s1+$0x14C20] =	vst v1;
	s1 =	simm.s32 $0x0;
	s0 =	simm.s32 $0x40  }
.LBB2_50:
0x33f: {  	p0 =	sne.s32 s0, $0x4E1C0;
	v16 =	vld [tilespmem:s1+$0x0];
	_ =	sdelay $0x4  }
0x340: {  	vm3 =	vgt.s32 v16, $0x1  }
0x341: {  	v16 =	vnsel vm3, $0x1, v16  }
0x342: {  	v18 =	vshrl.u32 v16, $0x14  }
0x343: {  	v16 =	vshrl.u32 v16, $0xA;
	vm3 =	veq.s32 v18, v17  }
0x344: {  	v16 =	vand.u32 $0x3FF, v16  }
.Ltmp29:
0x345: {  	(pc) =	sbr.rel @p0 .LBB2_50-.Ltmp29, $2  }
0x346: {  	_ =	sdelay $0x2  }
0x347: {  	s1 =	sshra.s32 s0, $0x2;
	s0 =	sadd.s32 $0x40, s0;
	[tilespmem:v16+s15+$0x0] =	vst.idx.add.s32.msk vm3, v2  }
0x348: {  	v16 =	vld [tilespmem:s1+$0x0];
	_ =	sdelay $0x4  }
0x349: {  	vm3 =	vgt.s32 v16, $0x1  }
0x34a: {  	v16 =	vnsel vm3, $0x1, v16  }
0x34b: {  	v18 =	vshrl.u32 v16, $0x14  }
0x34c: {  	v16 =	vshrl.u32 v16, $0xA;
	vm3 =	veq.s32 v18, v17  }
0x34d: {  	v16 =	vand.u32 $0x3FF, v16;
	_ =	sdelay $0x4  }
0x34e: {  	s0 =	simm.s32 $0x15010;
	[tilespmem:v16+s15+$0x0] =	vst.idx.add.s32.msk vm3, v2  }
0x34f: {  	v16 =	vld [tilespmem:s0+$0x0];
	_ =	sdelay $0x4  }
0x350: {  	v16 =	vperm.xlane v16, v4;
	_ =	sdelay $0x1  }
0x351: {  	s9 =	simm.s32 $0x15000;
	(xrf0) =	vadd.scan.msk.s32 $0xffff, v16  }
0x352: {  	v16 =	vld [tilespmem:s9+$0x0];
	_ =	sdelay $0x4  }
0x353: {  	v16 =	vperm.xlane v16, v4;
	v18, _, _ =	vpop (xrf0)  }
0x354: {  	(v2sf) =	vpush v18, $0xF  }
0x355: {  	(xrf0) =	vadd.scan.msk.s32 $0xffff, v16;
	_ =	sdelay $0x3  }
0x356: {  	s10 =	simm.s32 $0x14FF0  }
0x357: {  	v16 =	vld [tilespmem:s10+$0x0]  }
0x358: {  	v19, _, _ =	vpop (xrf0)  }
0x359: {  	(v2sf) =	vpush v19, $0xF;
	_ =	sdelay $0x1  }
0x35a: {  	s17 =	ssub.s32 $0x12C, s24;
	s26 =	simm.s32 $0x0  }
0x35b: {  	v21 =	vadd.s32 s26, v18;
	v17 =	vperm.xlane v16, v4;
	v16 =	vmov s17  }
0x35c: {  	vm3 =	vge.s32 v21, v16  }
0x35d: {  	s11 =	simm.s32 $0x14FE0;
	(xrf0) =	vadd.scan.msk.s32 $0xffff, v17;
	v17 =	vmctz.xlane vm3  }
0x35e: {  	v20 =	vld [tilespmem:s11+$0x0]  }
0x35f: {  	s12 =	spop (v2sf);
	(v2sf) =	vpush v17, $0x0;
	_ =	sdelay $0x2  }
0x360: {  	s10 =	sadd.s32 $0x0, s12  }
0x361: {  	v20 =	vperm.xlane v20, v4;
	v17 =	vadd.s32 s10, v19  }
0x362: {  	vm3 =	vge.s32 v17, v16  }
0x363: {  	(xrf0) =	vadd.scan.msk.s32 $0xffff, v20;
	v21, _, _ =	vpop (xrf0);
	v17 =	vmctz.xlane vm3  }
0x364: {  	(v2sf) =	vpush v21, $0xF  }
0x365: {  	(v2sf) =	vpush v17, $0x0;
	s13 =	spop (v2sf)  }
0x366: {  	s30 =	sadd.s32 s10, s13  }
0x367: {  	s14 =	simm.s32 $0x14FD0;
	v20 =	vadd.s32 s30, v21  }
0x368: {  	v22 =	vld [tilespmem:s14+$0x0];
	vm3 =	vge.s32 v20, v16  }
0x369: {  	v17, _, _ =	vpop (xrf0);
	v20 =	vmctz.xlane vm3  }
0x36a: {  	(v2sf) =	vpush v17, $0xF  }
0x36b: {  	s18 =	simm.s32 $0x14FC0;
	(v2sf) =	vpush v20, $0x0  }
0x36c: {  	v20 =	vld [tilespmem:s18+$0x0];
	s19 =	spop (v2sf)  }
0x36d: {  	v22 =	vperm.xlane v22, v4;
	s21 =	sadd.s32 $0xFFFFFFFF, s19  }
0x36e: {  	v23 =	vmov s21  }
0x36f: {  	(xrf0) =	vadd.scan.msk.s32 $0xffff, v22;
	vm3 =	veq.s32 v23, v0  }
0x370: {  	v18 =	vnsel vm3, $0x0, v18  }
0x371: {  	(xrf0) =	vadd.scan.msk.s32 $0xffff, v18;
	v18 =	vperm.xlane v20, v4;
	_ =	sdelay $0x1  }
0x372: {  	s22 =	spop (v2sf)  }
0x373: {  	s4 =	spop (v2sf)  }
0x374: {  	s2 =	sadd.s32 $0xFFFFFFFF, s4;
	(xrf0) =	vadd.scan.msk.s32 $0xffff, v18;
	v18, _, _ =	vpop (xrf0)  }
0x375: {  	s0 =	sadd.s32 s30, s22;
	v20 =	vmov s2;
	(v2sf) =	vpush v18, $0xF  }
0x376: {  	s29 =	simm.s32 $0xFFFFFFFF;
	v22 =	vadd.s32 s0, v17;
	vm3 =	veq.s32 v20, v0  }
0x377: {  	p1 =	por $0x1, $0x1;
	s23 =	simm.s32 $0x14FB0;
	p0 =	slt.s32 s19, $0x10;
	v19 =	vnsel vm3, $0x0, v19;
	vm3 =	vge.s32 v22, v16  }
0x378: {  	s1 =	ssub.s32 $0x3FF, s19;
	p0 =	por !p1, !p0;
	s28 =	spop (v2sf);
	v22 =	vmctz.xlane vm3;
	(xrf0) =	vadd.scan.msk.s32 $0xffff, v19  }
0x379: {  	p0 =	por !p0, !p0;
	s2 =	sadd.s32 s0, s28;
	s7 =	spop (v2sf)  }
0x37a: {  	s5 =	simm.s32 $0x3CF;
	s29 =	smov.u32 @p0 s1;
	v20 =	vld [tilespmem:s23+$0x0];
	(v2sf) =	vpush v22, $0x0;
	v22 =	vadd.s32 s2, v18;
	s31 =	sadd.s32 $0xFFFFFFFF, s7  }
0x37b: {  	s20 =	simm.s32 $0x3AF;
	p2 =	slt.s32 s29, $0x0;
	p5 =	slt.s32 s4, $0x10;
	v19, _, _ =	vpop (xrf0);
	vm3 =	vge.s32 v22, v16;
	v23 =	vmov s31  }
0x37c: {  	s3 =	simm.s32 $0x39F;
	s6 =	simm.s32 $0x38F;
	p1 =	por !p2, !p5;
	(v2sf) =	vpush v19, $0xF;
	v19, _, _ =	vpop (xrf0);
	v22 =	vmctz.xlane vm3  }
0x37d: {  	s8 =	simm.s32 $0x0;
	s1 =	ssub.s32 $0x3EF, s4;
	p1 =	por !p1, !p1;
	(v2sf) =	vpush v19, $0xF  }
0x37e: {  	s21 =	simm.s32 $0x3BF;
	s22 =	simm.s32 $0x37F;
	s29 =	smov.u32 @p1 s1;
	vm3 =	veq.s32 v23, v0;
	(v2sf) =	vpush v22, $0x0;
	v23, _, _ =	vpop (xrf0)  }
0x37f: {  	p0 =	por p0, p0;
	p4 =	slt.s32 s29, $0x0;
	v20 =	vperm.xlane v20, v4;
	p3 =	slt.s32 s7, $0x10;
	(v2sf) =	vpush v23, $0xF  }
0x380: {  	s4 =	simm.s32 $0x14FA0;
	p2 =	por p0, p0;
	p6 =	por !p4, !p3  }
0x381: {  	s1 =	simm.s32 $0x36F;
	s7 =	ssub.s32 $0x3DF, s7;
	(xrf0) =	vadd.scan.msk.s32 $0xffff, v20;
	p3 =	por !p6, !p6;
	v21 =	vnsel vm3, $0x0, v21  }
0x382: {  	p1 =	por p1, p1;
	v20 =	vld [tilespmem:s4+$0x0];
	s29 =	smov.u32 @p3 s7;
	s7 =	simm.s32 $0x35F;
	(xrf0) =	vadd.scan.msk.s32 $0xffff, v21  }
.LBB2_52:
0x383: {  	p0 =	seq.s32 s7, $0xF  }
0x384: {  	s9 =	spop (v2sf);
	s11 =	smov.u32 s30;
	s30 =	smov.u32 s0  }
0x385: {  	s0 =	smov.u32 s2;
	s12 =	smov.u32 s5;
	p4 =	por p2, p2  }
0x386: {  	p2 =	por p1, p1;
	p1 =	por p3, p3;
	s5 =	smov.u32 s21  }
0x387: {  	s21 =	smov.u32 s20;
	s20 =	smov.u32 s3;
	s2 =	sadd.s32 s2, s9  }
0x388: {  	s3 =	smov.u32 s6;
	s6 =	smov.u32 s22;
	s22 =	smov.u32 s1;
	v21, _, _ =	vpop (xrf0);
	v22 =	vadd.s32 s2, v19  }
0x389: {  	s1 =	smov.u32 s7;
	p5 =	slt.s32 s29, $0x0;
	v20 =	vperm.xlane v20, v4;
	(v2sf) =	vpush v21, $0xF;
	vm3 =	vge.s32 v22, v16;
	s9 =	spop (v2sf)  }
.Ltmp30:
0x38a: {  	v22 =	vmctz.xlane vm3;
	p3 =	slt.s32 s9, $0x10;
	s13 =	sadd.s32 $0xFFFFFFFF, s9;
	(pc) =	sbr.rel @!p0 .LBB2_52-.Ltmp30, $4  }
0x38b: {  	(xrf0) =	vadd.scan.msk.s32 $0xffff, v20;
	p3 =	por !p5, !p3;
	v20 =	vmov s13;
	v23, _, _ =	vpop (xrf0);
	s13 =	spop (v2sf)  }
0x38c: {  	s4 =	sadd.s32 $0xFFFFFFF0, s4;
	s9 =	ssub.s32 s12, s9;
	(v2sf) =	vpush v22, $0x0;
	p3 =	por !p3, !p3;
	vm3 =	veq.s32 v20, v0  }
0x38d: {  	v20 =	vld [tilespmem:s4+$0x0];
	v22 =	vnsel vm3, $0x0, v17;
	s29 =	smov.u32 @p3 s9;
	s9 =	sadd.s32 s8, s13;
	v17 =	vmovc v18;
	v18 =	vmov v19;
	v19 =	vmov v21;
	s8 =	smov.u32 s10  }
0x38e: {  	s7 =	sadd.s32 $0xFFFFFFF0, s7;
	s10 =	smov.u32 s11;
	(xrf0) =	vadd.scan.msk.s32 $0xffff, v22;
	(v2sf) =	vpush v23, $0xF;
	s26 =	smov.u32 @p4 s9  }
0x38f: {  	_ =	sdelay $0x2  }
0x390: {  	s4 =	sadd.s32 $0xFFFFFFF0, s4  }
0x391: {  	s7 =	spop (v2sf);
	v21 =	vld [tilespmem:s4+$0x0]  }
0x392: {  	s28 =	spop (v2sf)  }
0x393: {  	s31 =	sadd.s32 s2, s7;
	s18 =	sadd.s32 $0xFFFFFFFF, s28;
	v20 =	vperm.xlane v20, v4  }
0x394: {  	v22 =	vadd.s32 s31, v19;
	v23 =	vmov s18  }
0x395: {  	s19 =	spop (v2sf);
	vm3 =	vge.s32 v22, v16;
	vm8 =	veq.s32 v23, v0;
	(xrf0) =	vadd.scan.msk.s32 $0xffff, v20  }
0x396: {  	v46, _, _ =	vpop (xrf0);
	v45 =	vmctz.xlane vm3;
	v17 =	vnsel vm8, $0x0, v17;
	v21 =	vperm.xlane v21, v4;
	s23 =	spop (v2sf)  }
0x397: {  	(v2sf) =	vpush v46, $0xF;
	(xrf0) =	vadd.scan.msk.s32 $0xffff, v17;
	s12 =	sadd.s32 s31, s23  }
0x398: {  	(v2sf) =	vpush v45, $0x0;
	(xrf0) =	vadd.scan.msk.s32 $0xffff, v21;
	v17 =	vadd.s32 s12, v46;
	_ =	sdelay $0x1  }
0x399: {  	v47, _, _ =	vpop (xrf0);
	vm3 =	vge.s32 v17, v16  }
0x39a: {  	(v2sf) =	vpush v47, $0xF;
	v48 =	vmctz.xlane vm3;
	v17, _, _ =	vpop (xrf0)  }
0x39b: {  	(v2sf) =	vpush v17, $0xF  }
0x39c: {  	v49, _, _ =	vpop (xrf0);
	(v2sf) =	vpush v48, $0x0  }
0x39d: {  	v50, _, _ =	vpop (xrf0);
	(v2sf) =	vpush v49, $0xF  }
0x39e: {  	(v2sf) =	vpush v50, $0xF;
	_ =	sdelay $0x1  }
0x39f: {  	s4 =	sadd.s32 $0xFFFFFFF0, s4  }
0x3a0: {  	v51 =	vld [tilespmem:s4+$0x0]  }
0x3a1: {  	s13 =	spop (v2sf)  }
0x3a2: {  	s9 =	sadd.s32 $0xFFFFFFFF, s13  }
0x3a3: {  	s11 =	spop (v2sf);
	v52 =	vmov s9  }
0x3a4: {  	vm3 =	veq.s32 v52, v0;
	s9 =	spop (v2sf)  }
0x3a5: {  	v21 =	vperm.xlane v51, v4;
	v18 =	vnsel vm3, $0x0, v18;
	s7 =	spop (v2sf)  }
0x3a6: {  	[dreg:$0x1d] =	wrdreg s11;
	(xrf0) =	vadd.scan.msk.s32 $0xffff, v18;
	s11 =	sadd.s32 $0xFFFFFFFF, s7  }
0x3a7: {  	(xrf0) =	vadd.scan.msk.s32 $0xffff, v21;
	v53 =	vmov s11  }
0x3a8: {  	s9 =	sadd.s32 s12, s9;
	s14 =	spop (v2sf);
	vm3 =	veq.s32 v53, v0  }
0x3a9: {  	v54 =	vadd.s32 s9, v17;
	v55 =	vnsel vm3, $0x0, v19;
	s18 =	spop (v2sf)  }
0x3aa: {  	vm3 =	vge.s32 v54, v16;
	(xrf0) =	vadd.scan.msk.s32 $0xffff, v55;
	s23 =	spop (v2sf)  }
0x3ab: {  	[dreg:$0x19] =	wrdreg s19;
	v18 =	vmctz.xlane vm3;
	s11 =	sadd.s32 s9, s18;
	s19 =	spop (v2sf)  }
0x3ac: {  	[dreg:$0x11] =	wrdreg s14;
	v56, _, _ =	vpop (xrf0);
	v57 =	vadd.s32 s11, v50;
	s14 =	spop (v2sf)  }
0x3ad: {  	v58, _, _ =	vpop (xrf0);
	(v2sf) =	vpush v18, $0x0;
	vm3 =	vge.s32 v57, v16;
	s18 =	sadd.s32 s11, s14  }
0x3ae: {  	(v2sf) =	vpush v56, $0xF;
	v59 =	vmctz.xlane vm3;
	v60 =	vadd.s32 s18, v58  }
0x3af: {  	(v2sf) =	vpush v58, $0xF;
	vm3 =	vge.s32 v60, v16  }
0x3b0: {  	v16, _, _ =	vpop (xrf0);
	(v2sf) =	vpush v59, $0x0;
	v61 =	vmctz.xlane vm3  }
0x3b1: {  	(v2sf) =	vpush v16, $0xF  }
0x3b2: {  	(v2sf) =	vpush v61, $0x0;
	_ =	sdelay $0x6  }
0x3b3: {  	p4 =	slt.s32 s29, $0x0  }
0x3b4: {  	p2 =	por p2, p2;
	p1 =	por p1, p1;
	p0 =	slt.s32 s28, $0x10  }
0x3b5: {  	p3 =	por p3, p3;
	p1 =	por p1, p1;
	p0 =	por !p4, !p0  }
0x3b6: {  	s5 =	ssub.s32 s5, s28;
	p0 =	por !p0, !p0;
	s14 =	spop (v2sf)  }
0x3b7: {  	s29 =	smov.u32 @p0 s5;
	[dreg:$0xd] =	wrdreg s19;
	s4 =	spop (v2sf)  }
0x3b8: {  	s19 =	sadd.s32 $0xFFFFFFFF, s23;
	[dreg:$0x14] =	wrdreg s4;
	s4 =	spop (v2sf)  }
0x3b9: {  	v16 =	vmov s19;
	s19 =	rddreg [dreg:$0x19];
	s5 =	sadd.s32 $0xFFFFFFFF, s14;
	s28 =	spop (v2sf)  }
0x3ba: {  	p5 =	slt.s32 s29, $0x0;
	vm3 =	veq.s32 v16, v0;
	s19 =	sadd.s32 s8, s19;
	v62 =	vmov s5;
	s8 =	spop (v2sf)  }
0x3bb: {  	p6 =	slt.s32 s13, $0x10;
	v16 =	vnsel vm3, $0x0, v46;
	vm3 =	veq.s32 v62, v0;
	s4 =	sadd.s32 $0xFFFFFFFF, s28;
	s5 =	spop (v2sf)  }
0x3bc: {  	p3 =	por p3, p3;
	p4 =	por !p5, !p6;
	(xrf0) =	vadd.scan.msk.s32 $0xffff, v16;
	v17 =	vnsel vm3, $0x0, v17;
	v16 =	vmov s4;
	s4 =	sadd.s32 $0xFFFFFFFF, s5  }
0x3bd: {  	s13 =	ssub.s32 s21, s13;
	s26 =	smov.u32 @p2 s19;
	p2 =	por !p4, !p4;
	(xrf0) =	vadd.scan.msk.s32 $0xffff, v17;
	vm3 =	veq.s32 v16, v0;
	v63 =	vmov s4  }
0x3be: {  	p3 =	por p3, p3;
	p0 =	por p0, p0;
	s29 =	smov.u32 @p2 s13;
	v16 =	vnsel vm3, $0x0, v50;
	vm3 =	veq.s32 v63, v0  }
0x3bf: {  	p5 =	slt.s32 s7, $0x10;
	s13 =	rddreg [dreg:$0x1d];
	p6 =	slt.s32 s29, $0x0;
	(xrf0) =	vadd.scan.msk.s32 $0xffff, v16;
	v16 =	vnsel vm3, $0x0, v58  }
0x3c0: {  	s3 =	ssub.s32 s3, s23;
	p4 =	por !p6, !p5;
	s4 =	sadd.s32 s10, s13;
	(xrf0) =	vadd.scan.msk.s32 $0xffff, v16  }
0x3c1: {  	s26 =	smov.u32 @p1 s4;
	s4 =	ssub.s32 s20, s7;
	p1 =	por !p4, !p4  }
0x3c2: {  	s19 =	rddreg [dreg:$0x11];
	p2 =	por p2, p2;
	s29 =	smov.u32 @p1 s4;
	v16, _, _ =	vpop (xrf0)  }
0x3c3: {  	p2 =	por p2, p2;
	p5 =	slt.s32 s23, $0x10;
	p6 =	slt.s32 s29, $0x0;
	(v2sf) =	vpush v16, $0xF;
	v16, _, _ =	vpop (xrf0)  }
0x3c4: {  	p2 =	por p2, p2;
	s20 =	rddreg [dreg:$0xd];
	p5 =	por !p6, !p5;
	(v2sf) =	vpush v16, $0xF  }
0x3c5: {  	s4 =	sadd.s32 s30, s19;
	p6 =	por p0, p0;
	p0 =	por !p5, !p5;
	v16, _, _ =	vpop (xrf0)  }
0x3c6: {  	s0 =	sadd.s32 s0, s20;
	s26 =	smov.u32 @p3 s4;
	s29 =	smov.u32 @p0 s3;
	(v2sf) =	vpush v16, $0xF;
	v16, _, _ =	vpop (xrf0)  }
0x3c7: {  	p3 =	por p6, p6;
	p5 =	slt.s32 s14, $0x10;
	p6 =	slt.s32 s29, $0x0;
	(v2sf) =	vpush v16, $0xF  }
0x3c8: {  	s21 =	rddreg [dreg:$0x14];
	s26 =	smov.u32 @p3 s0;
	p3 =	por !p6, !p5  }
0x3c9: {  	s2 =	sadd.s32 s2, s21;
	s0 =	ssub.s32 s6, s14;
	p3 =	por !p3, !p3  }
0x3ca: {  	s1 =	ssub.s32 s1, s5;
	p1 =	por p1, p1;
	s29 =	smov.u32 @p3 s0  }
0x3cb: {  	p1 =	por p1, p1;
	p5 =	slt.s32 s28, $0x10;
	p6 =	slt.s32 s29, $0x0  }
0x3cc: {  	p1 =	por p1, p1;
	s26 =	smov.u32 @p2 s2;
	p2 =	por !p6, !p5  }
0x3cd: {  	p0 =	por p0, p0;
	s0 =	ssub.s32 s22, s28;
	p2 =	por !p2, !p2  }
0x3ce: {  	p0 =	por p0, p0;
	s2 =	sadd.s32 s31, s8;
	s29 =	smov.u32 @p2 s0  }
0x3cf: {  	s26 =	smov.u32 @p1 s2;
	p5 =	slt.s32 s5, $0x10;
	p6 =	slt.s32 s29, $0x0  }
0x3d0: {  	p1 =	por p0, p0;
	p3 =	por p3, p3;
	p0 =	por !p6, !p5  }
0x3d1: {  	p3 =	por p3, p3;
	p2 =	por p2, p2;
	p0 =	por !p0, !p0  }
0x3d2: {  	p2 =	por p2, p2;
	p5 =	por p0, p0;
	s23 =	spop (v2sf)  }
0x3d3: {  	s29 =	smov.u32 @p0 s1;
	s0 =	sadd.s32 s12, s23;
	s28 =	spop (v2sf)  }
0x3d4: {  	s26 =	smov.u32 @p1 s0;
	p1 =	por p3, p3;
	s0 =	sadd.s32 s9, s28  }
0x3d5: {  	p6 =	por p5, p5;
	s30 =	spop (v2sf);
	s26 =	smov.u32 @p1 s0  }
0x3d6: {  	p1 =	por p2, p2;
	s0 =	sadd.s32 s11, s30;
	s31 =	spop (v2sf)  }
0x3d7: {  	s26 =	smov.u32 @p1 s0;
	p1 =	por p6, p6;
	s0 =	sadd.s32 s18, s31  }
0x3d8: {  	s1 =	simm.s32 $0x0;
	s26 =	smov.u32 @p1 s0;
	s0 =	simm.s32 $0x40  }
.LBB2_54:
0x3d9: {  	p0 =	seq.s32 s0, $0xFC0;
	[tilespmem:s1+$0x14C20] =	vst v1;
	s1 =	smov.u32 s0;
	s0 =	sadd.s32 $0x40, s0  }
.Ltmp31:
0x3da: {  	(pc) =	sbr.rel @!p0 .LBB2_54-.Ltmp31, $2  }
0x3db: {  	_ =	sdelay $0x2  }
0x3dc: {  	s1 =	sshra.s32 s1, $0x2  }
0x3dd: {  	s0 =	sshll.u32 s25, $0xA  }
0x3de: {  	s18 =	sor.u32 s0, s29  }
0x3df: {  	[tilespmem:s1+$0x14C20] =	vst v1;
	s1 =	simm.s32 $0x0;
	s0 =	simm.s32 $0x40;
	v16 =	vmov s18  }
.LBB2_56:
0x3e0: {  	p0 =	sne.s32 s0, $0x4E1C0;
	v17 =	vld [tilespmem:s1+$0x0];
	_ =	sdelay $0x4  }
0x3e1: {  	vm3 =	vgt.s32 v17, $0x1  }
0x3e2: {  	v17 =	vnsel vm3, $0x1, v17  }
0x3e3: {  	v18 =	vshrl.u32 v17, $0xA  }
0x3e4: {  	vm3 =	veq.s32 v18, v16  }
0x3e5: {  	v17 =	vand.u32 $0x3FF, v17  }
.Ltmp32:
0x3e6: {  	(pc) =	sbr.rel @p0 .LBB2_56-.Ltmp32, $2  }
0x3e7: {  	_ =	sdelay $0x2  }
0x3e8: {  	s1 =	sshra.s32 s0, $0x2;
	s0 =	sadd.s32 $0x40, s0;
	[tilespmem:v17+s15+$0x0] =	vst.idx.add.s32.msk vm3, v2  }
0x3e9: {  	v17 =	vld [tilespmem:s1+$0x0];
	_ =	sdelay $0x4  }
0x3ea: {  	vm3 =	vgt.s32 v17, $0x1  }
0x3eb: {  	v17 =	vnsel vm3, $0x1, v17  }
0x3ec: {  	v18 =	vshrl.u32 v17, $0xA  }
0x3ed: {  	vm3 =	veq.s32 v18, v16  }
0x3ee: {  	v16 =	vand.u32 $0x3FF, v17;
	_ =	sdelay $0x4  }
0x3ef: {  	s0 =	simm.s32 $0x15010;
	[tilespmem:v16+s15+$0x0] =	vst.idx.add.s32.msk vm3, v2  }
0x3f0: {  	v16 =	vld [tilespmem:s0+$0x0];
	_ =	sdelay $0x4  }
0x3f1: {  	v16 =	vperm.xlane v16, v4;
	_ =	sdelay $0x1  }
0x3f2: {  	s11 =	simm.s32 $0x15000;
	(xrf0) =	vadd.scan.msk.s32 $0xffff, v16  }
0x3f3: {  	v16 =	vld [tilespmem:s11+$0x0];
	_ =	sdelay $0x4  }
0x3f4: {  	v16 =	vperm.xlane v16, v4;
	v18, _, _ =	vpop (xrf0)  }
0x3f5: {  	(v2sf) =	vpush v18, $0xF  }
0x3f6: {  	(xrf0) =	vadd.scan.msk.s32 $0xffff, v16;
	_ =	sdelay $0x3  }
0x3f7: {  	s12 =	simm.s32 $0x14FF0  }
0x3f8: {  	v16 =	vld [tilespmem:s12+$0x0]  }
0x3f9: {  	v19, _, _ =	vpop (xrf0)  }
0x3fa: {  	(v2sf) =	vpush v19, $0xF;
	_ =	sdelay $0x1  }
0x3fb: {  	s14 =	ssub.s32 s17, s26;
	s25 =	simm.s32 $0x0  }
0x3fc: {  	v21 =	vadd.s32 s25, v18;
	v17 =	vperm.xlane v16, v4;
	v16 =	vmov s14  }
0x3fd: {  	vm3 =	vge.s32 v21, v16  }
0x3fe: {  	s13 =	simm.s32 $0x14FE0;
	(xrf0) =	vadd.scan.msk.s32 $0xffff, v17;
	v17 =	vmctz.xlane vm3  }
0x3ff: {  	v20 =	vld [tilespmem:s13+$0x0]  }
0x400: {  	s15 =	spop (v2sf);
	(v2sf) =	vpush v17, $0x0;
	_ =	sdelay $0x2  }
0x401: {  	s0 =	sadd.s32 $0x0, s15  }
0x402: {  	v20 =	vperm.xlane v20, v4;
	v17 =	vadd.s32 s0, v19  }
0x403: {  	vm3 =	vge.s32 v17, v16  }
0x404: {  	(xrf0) =	vadd.scan.msk.s32 $0xffff, v20;
	v21, _, _ =	vpop (xrf0);
	v17 =	vmctz.xlane vm3  }
0x405: {  	(v2sf) =	vpush v21, $0xF  }
0x406: {  	(v2sf) =	vpush v17, $0x0;
	s17 =	spop (v2sf)  }
0x407: {  	s30 =	sadd.s32 s0, s17  }
0x408: {  	s19 =	simm.s32 $0x14FD0;
	v20 =	vadd.s32 s30, v21  }
0x409: {  	v22 =	vld [tilespmem:s19+$0x0];
	vm3 =	vge.s32 v20, v16  }
0x40a: {  	v17, _, _ =	vpop (xrf0);
	v20 =	vmctz.xlane vm3  }
0x40b: {  	(v2sf) =	vpush v17, $0xF  }
0x40c: {  	s20 =	simm.s32 $0x14FC0;
	(v2sf) =	vpush v20, $0x0  }
0x40d: {  	v20 =	vld [tilespmem:s20+$0x0];
	s2 =	spop (v2sf)  }
0x40e: {  	v22 =	vperm.xlane v22, v4;
	s21 =	sadd.s32 $0xFFFFFFFF, s2  }
0x40f: {  	v23 =	vmov s21  }
0x410: {  	(xrf0) =	vadd.scan.msk.s32 $0xffff, v22;
	vm3 =	veq.s32 v23, v0  }
0x411: {  	v18 =	vnsel vm3, $0x0, v18  }
0x412: {  	(xrf0) =	vadd.scan.msk.s32 $0xffff, v18;
	v18 =	vperm.xlane v20, v4;
	_ =	sdelay $0x1  }
0x413: {  	s22 =	spop (v2sf)  }
0x414: {  	s4 =	spop (v2sf)  }
0x415: {  	s3 =	sadd.s32 $0xFFFFFFFF, s4;
	(xrf0) =	vadd.scan.msk.s32 $0xffff, v18;
	v18, _, _ =	vpop (xrf0)  }
0x416: {  	s31 =	sadd.s32 s30, s22;
	v20 =	vmov s3;
	(v2sf) =	vpush v18, $0xF  }
0x417: {  	p1 =	por $0x1, $0x1;
	p0 =	slt.s32 s2, $0x10;
	v22 =	vadd.s32 s31, v17;
	vm3 =	veq.s32 v20, v0  }
0x418: {  	s28 =	simm.s32 $0xFFFFFFFF;
	s6 =	simm.s32 $0x14FB0;
	p0 =	por !p1, !p0;
	v19 =	vnsel vm3, $0x0, v19;
	vm3 =	vge.s32 v22, v16  }
0x419: {  	s2 =	ssub.s32 $0x3FF, s2;
	p0 =	por !p0, !p0;
	s23 =	spop (v2sf);
	v22 =	vmctz.xlane vm3;
	(xrf0) =	vadd.scan.msk.s32 $0xffff, v19  }
0x41a: {  	s28 =	smov.u32 @p0 s2;
	s2 =	sadd.s32 s31, s23;
	s7 =	spop (v2sf)  }
0x41b: {  	s5 =	simm.s32 $0x3CF;
	v20 =	vld [tilespmem:s6+$0x0];
	(v2sf) =	vpush v22, $0x0;
	v22 =	vadd.s32 s2, v18;
	s29 =	sadd.s32 $0xFFFFFFFF, s7  }
0x41c: {  	s1 =	simm.s32 $0x38F;
	p2 =	slt.s32 s28, $0x0;
	p5 =	slt.s32 s4, $0x10;
	v19, _, _ =	vpop (xrf0);
	vm3 =	vge.s32 v22, v16;
	v23 =	vmov s29  }
0x41d: {  	s10 =	simm.s32 $0x37F;
	s8 =	simm.s32 $0x0;
	p1 =	por !p2, !p5;
	(v2sf) =	vpush v19, $0xF;
	v19, _, _ =	vpop (xrf0);
	v22 =	vmctz.xlane vm3  }
0x41e: {  	s20 =	simm.s32 $0x3AF;
	s4 =	ssub.s32 $0x3EF, s4;
	p1 =	por !p1, !p1;
	(v2sf) =	vpush v19, $0xF  }
0x41f: {  	s21 =	simm.s32 $0x3BF;
	p0 =	por p0, p0;
	s28 =	smov.u32 @p1 s4;
	vm3 =	veq.s32 v23, v0;
	(v2sf) =	vpush v22, $0x0;
	v23, _, _ =	vpop (xrf0)  }
0x420: {  	s3 =	simm.s32 $0x39F;
	p4 =	slt.s32 s28, $0x0;
	v20 =	vperm.xlane v20, v4;
	p3 =	slt.s32 s7, $0x10;
	(v2sf) =	vpush v23, $0xF  }
0x421: {  	p2 =	por p0, p0;
	s6 =	simm.s32 $0x36F;
	p6 =	por !p4, !p3  }
0x422: {  	s4 =	simm.s32 $0x14FA0;
	s7 =	ssub.s32 $0x3DF, s7;
	(xrf0) =	vadd.scan.msk.s32 $0xffff, v20;
	p3 =	por !p6, !p6;
	v21 =	vnsel vm3, $0x0, v21  }
0x423: {  	p1 =	por p1, p1;
	v20 =	vld [tilespmem:s4+$0x0];
	s28 =	smov.u32 @p3 s7;
	s7 =	simm.s32 $0x35F;
	(xrf0) =	vadd.scan.msk.s32 $0xffff, v21  }
.LBB2_58:
0x424: {  	p0 =	sne.s32 s7, $0xF  }
0x425: {  	s9 =	spop (v2sf);
	s11 =	smov.u32 s30;
	s30 =	smov.u32 s31  }
0x426: {  	s31 =	smov.u32 s2;
	s12 =	smov.u32 s5;
	p4 =	por p2, p2  }
0x427: {  	p2 =	por p1, p1;
	p1 =	por p3, p3;
	s5 =	smov.u32 s21  }
0x428: {  	s21 =	smov.u32 s20;
	s20 =	smov.u32 s3;
	s2 =	sadd.s32 s2, s9  }
0x429: {  	s3 =	smov.u32 s1;
	s1 =	smov.u32 s10;
	s10 =	smov.u32 s6;
	v21, _, _ =	vpop (xrf0);
	v22 =	vadd.s32 s2, v19  }
0x42a: {  	s6 =	smov.u32 s7;
	p5 =	slt.s32 s28, $0x0;
	v20 =	vperm.xlane v20, v4;
	(v2sf) =	vpush v21, $0xF;
	vm3 =	vge.s32 v22, v16;
	s9 =	spop (v2sf)  }
.Ltmp33:
0x42b: {  	v22 =	vmctz.xlane vm3;
	p3 =	slt.s32 s9, $0x10;
	s13 =	sadd.s32 $0xFFFFFFFF, s9;
	(pc) =	sbr.rel @p0 .LBB2_58-.Ltmp33, $4  }
0x42c: {  	(xrf0) =	vadd.scan.msk.s32 $0xffff, v20;
	p3 =	por !p5, !p3;
	v20 =	vmov s13;
	v23, _, _ =	vpop (xrf0);
	s13 =	spop (v2sf)  }
0x42d: {  	s4 =	sadd.s32 $0xFFFFFFF0, s4;
	s9 =	ssub.s32 s12, s9;
	(v2sf) =	vpush v22, $0x0;
	p3 =	por !p3, !p3;
	vm3 =	veq.s32 v20, v0  }
0x42e: {  	v20 =	vld [tilespmem:s4+$0x0];
	v22 =	vnsel vm3, $0x0, v17;
	s28 =	smov.u32 @p3 s9;
	s9 =	sadd.s32 s8, s13;
	v17 =	vmovc v18;
	v18 =	vmov v19;
	v19 =	vmov v21;
	s8 =	smov.u32 s0  }
0x42f: {  	s7 =	sadd.s32 $0xFFFFFFF0, s7;
	s0 =	smov.u32 s11;
	(xrf0) =	vadd.scan.msk.s32 $0xffff, v22;
	(v2sf) =	vpush v23, $0xF;
	s25 =	smov.u32 @p4 s9  }
0x430: {  	_ =	sdelay $0x2  }
0x431: {  	s4 =	sadd.s32 $0xFFFFFFF0, s4  }
0x432: {  	s9 =	spop (v2sf);
	v21 =	vld [tilespmem:s4+$0x0]  }
0x433: {  	s7 =	spop (v2sf);
	s22 =	sadd.s32 s2, s9  }
0x434: {  	s23 =	sadd.s32 $0xFFFFFFFF, s7;
	v22 =	vadd.s32 s22, v19;
	v20 =	vperm.xlane v20, v4  }
0x435: {  	v23 =	vmov s23;
	vm3 =	vge.s32 v22, v16  }
0x436: {  	v55, _, _ =	vpop (xrf0);
	s23 =	spop (v2sf);
	vm8 =	veq.s32 v23, v0;
	v54 =	vmctz.xlane vm3;
	(xrf0) =	vadd.scan.msk.s32 $0xffff, v20  }
0x437: {  	(v2sf) =	vpush v55, $0xF;
	v17 =	vnsel vm8, $0x0, v17;
	v21 =	vperm.xlane v21, v4;
	s29 =	spop (v2sf)  }
0x438: {  	(xrf0) =	vadd.scan.msk.s32 $0xffff, v17;
	(v2sf) =	vpush v54, $0x0;
	s12 =	sadd.s32 s22, s29  }
0x439: {  	(xrf0) =	vadd.scan.msk.s32 $0xffff, v21;
	v17 =	vadd.s32 s12, v55;
	_ =	sdelay $0x1  }
0x43a: {  	v56, _, _ =	vpop (xrf0);
	vm3 =	vge.s32 v17, v16  }
0x43b: {  	(v2sf) =	vpush v56, $0xF;
	v57 =	vmctz.xlane vm3;
	v17, _, _ =	vpop (xrf0)  }
0x43c: {  	(v2sf) =	vpush v17, $0xF  }
0x43d: {  	v58, _, _ =	vpop (xrf0);
	(v2sf) =	vpush v57, $0x0  }
0x43e: {  	v59, _, _ =	vpop (xrf0);
	(v2sf) =	vpush v58, $0xF  }
0x43f: {  	(v2sf) =	vpush v59, $0xF;
	_ =	sdelay $0x1  }
0x440: {  	s4 =	sadd.s32 $0xFFFFFFF0, s4  }
0x441: {  	v60 =	vld [tilespmem:s4+$0x0]  }
0x442: {  	s19 =	spop (v2sf)  }
0x443: {  	s11 =	sadd.s32 $0xFFFFFFFF, s19;
	s13 =	spop (v2sf)  }
0x444: {  	v61 =	vmov s11;
	s14 =	spop (v2sf)  }
0x445: {  	vm3 =	veq.s32 v61, v0;
	s4 =	spop (v2sf)  }
0x446: {  	v21 =	vperm.xlane v60, v4;
	v18 =	vnsel vm3, $0x0, v18;
	s11 =	sadd.s32 $0xFFFFFFFF, s4  }
0x447: {  	(xrf0) =	vadd.scan.msk.s32 $0xffff, v18;
	s9 =	sadd.s32 s12, s14;
	v18 =	vmov s11  }
0x448: {  	(xrf0) =	vadd.scan.msk.s32 $0xffff, v21;
	vm3 =	veq.s32 v18, v0;
	v18 =	vadd.s32 s9, v17  }
0x449: {  	s15 =	spop (v2sf);
	v19 =	vnsel vm3, $0x0, v19;
	vm3 =	vge.s32 v18, v16  }
0x44a: {  	v18 =	vmctz.xlane vm3;
	s17 =	spop (v2sf)  }
0x44b: {  	(xrf0) =	vadd.scan.msk.s32 $0xffff, v19;
	s14 =	spop (v2sf)  }
0x44c: {  	s11 =	sadd.s32 s9, s17;
	s17 =	spop (v2sf)  }
0x44d: {  	[dreg:$0x1a] =	wrdreg s13;
	v19, _, _ =	vpop (xrf0);
	v62 =	vadd.s32 s11, v59;
	s13 =	spop (v2sf)  }
0x44e: {  	[dreg:$0x10] =	wrdreg s15;
	(v2sf) =	vpush v18, $0x0;
	v18, _, _ =	vpop (xrf0);
	vm3 =	vge.s32 v62, v16;
	s15 =	sadd.s32 s11, s13  }
0x44f: {  	(v2sf) =	vpush v19, $0xF;
	v19 =	vmctz.xlane vm3;
	v63 =	vadd.s32 s15, v18  }
0x450: {  	(v2sf) =	vpush v18, $0xF;
	vm3 =	vge.s32 v63, v16  }
0x451: {  	v16, _, _ =	vpop (xrf0);
	(v2sf) =	vpush v19, $0x0;
	v19 =	vmctz.xlane vm3  }
0x452: {  	(v2sf) =	vpush v16, $0xF  }
0x453: {  	(v2sf) =	vpush v19, $0x0;
	_ =	sdelay $0x8  }
0x454: {  	p4 =	slt.s32 s28, $0x0  }
0x455: {  	p0 =	slt.s32 s7, $0x10;
	s29 =	sadd.s32 $0xFFFFFFFF, s14;
	s13 =	spop (v2sf)  }
0x456: {  	s5 =	ssub.s32 s5, s7;
	p0 =	por !p4, !p0;
	v16 =	vmov s29;
	s29 =	spop (v2sf)  }
0x457: {  	p0 =	por !p0, !p0;
	s23 =	sadd.s32 s8, s23;
	vm3 =	veq.s32 v16, v0;
	s8 =	spop (v2sf)  }
0x458: {  	s28 =	smov.u32 @p0 s5;
	v19 =	vnsel vm3, $0x0, v55;
	s5 =	sadd.s32 $0xFFFFFFFF, s13;
	s7 =	spop (v2sf)  }
0x459: {  	(xrf0) =	vadd.scan.msk.s32 $0xffff, v19;
	v16 =	vmov s5;
	s5 =	sadd.s32 $0xFFFFFFFF, s7;
	s8 =	spop (v2sf)  }
0x45a: {  	p2 =	por p2, p2;
	p5 =	slt.s32 s28, $0x0;
	vm3 =	veq.s32 v16, v0;
	v16 =	vmov s5;
	s5 =	spop (v2sf)  }
0x45b: {  	p6 =	slt.s32 s19, $0x10;
	s19 =	ssub.s32 s21, s19;
	v17 =	vnsel vm3, $0x0, v17;
	vm3 =	veq.s32 v16, v0;
	s21 =	sadd.s32 $0xFFFFFFFF, s5  }
0x45c: {  	p1 =	por p1, p1;
	p0 =	por p0, p0;
	p4 =	por !p5, !p6;
	(xrf0) =	vadd.scan.msk.s32 $0xffff, v17;
	v17 =	vnsel vm3, $0x0, v59;
	v16 =	vmov s21  }
0x45d: {  	p3 =	por p3, p3;
	p0 =	por p0, p0;
	p4 =	por !p4, !p4;
	vm3 =	veq.s32 v16, v0  }
0x45e: {  	s25 =	smov.u32 @p2 s23;
	p0 =	por p0, p0;
	s28 =	smov.u32 @p4 s19;
	(xrf0) =	vadd.scan.msk.s32 $0xffff, v17;
	v16 =	vnsel vm3, $0x0, v18  }
0x45f: {  	s23 =	rddreg [dreg:$0x1a];
	p6 =	slt.s32 s28, $0x0;
	p5 =	slt.s32 s4, $0x10;
	v17, _, _ =	vpop (xrf0);
	(xrf0) =	vadd.scan.msk.s32 $0xffff, v16  }
0x460: {  	p4 =	por p4, p4;
	s0 =	sadd.s32 s0, s23;
	p2 =	por !p6, !p5  }
0x461: {  	s4 =	ssub.s32 s20, s4;
	p5 =	por p1, p1;
	p1 =	por !p2, !p2  }
0x462: {  	p4 =	por p4, p4;
	s25 =	smov.u32 @p5 s0;
	s28 =	smov.u32 @p1 s4;
	(v2sf) =	vpush v17, $0xF;
	v16, _, _ =	vpop (xrf0)  }
0x463: {  	p1 =	por p1, p1;
	p6 =	slt.s32 s28, $0x0;
	p5 =	slt.s32 s14, $0x10;
	(v2sf) =	vpush v16, $0xF  }
0x464: {  	p2 =	por p3, p3;
	p1 =	por p1, p1;
	p3 =	por !p6, !p5;
	v16, _, _ =	vpop (xrf0)  }
0x465: {  	s3 =	ssub.s32 s3, s14;
	p5 =	por p2, p2;
	p2 =	por !p3, !p3;
	(v2sf) =	vpush v16, $0xF;
	v16, _, _ =	vpop (xrf0)  }
0x466: {  	s28 =	smov.u32 @p2 s3;
	p2 =	por p2, p2;
	s21 =	rddreg [dreg:$0x10];
	(v2sf) =	vpush v16, $0xF  }
0x467: {  	p6 =	slt.s32 s28, $0x0;
	p2 =	por p2, p2;
	s0 =	sadd.s32 s30, s21  }
0x468: {  	s25 =	smov.u32 @p5 s0;
	p5 =	slt.s32 s13, $0x10;
	s0 =	sadd.s32 s31, s17  }
0x469: {  	p2 =	por p2, p2;
	p3 =	por !p6, !p5;
	s25 =	smov.u32 @p0 s0  }
0x46a: {  	s0 =	ssub.s32 s1, s13;
	p5 =	slt.s32 s7, $0x10;
	p0 =	por !p3, !p3  }
0x46b: {  	p3 =	por p4, p4;
	p4 =	por p1, p1;
	s28 =	smov.u32 @p0 s0  }
0x46c: {  	s0 =	sadd.s32 s2, s29;
	p0 =	por p0, p0;
	p6 =	slt.s32 s28, $0x0  }
0x46d: {  	s25 =	smov.u32 @p3 s0;
	s0 =	ssub.s32 s10, s7;
	p3 =	por !p6, !p5  }
0x46e: {  	p0 =	por p0, p0;
	p5 =	slt.s32 s5, $0x10;
	p1 =	por !p3, !p3  }
0x46f: {  	p0 =	por p0, p0;
	s28 =	smov.u32 @p1 s0;
	s0 =	sadd.s32 s22, s8  }
0x470: {  	p1 =	por p1, p1;
	s25 =	smov.u32 @p4 s0;
	p6 =	slt.s32 s28, $0x0  }
0x471: {  	p1 =	por p1, p1;
	p3 =	por !p6, !p5;
	s22 =	spop (v2sf)  }
0x472: {  	p3 =	por !p3, !p3;
	s0 =	sadd.s32 s12, s22;
	s23 =	spop (v2sf)  }
0x473: {  	p5 =	por p3, p3;
	s25 =	smov.u32 @p2 s0;
	s0 =	sadd.s32 s9, s23  }
0x474: {  	p6 =	por p5, p5;
	s29 =	spop (v2sf);
	s25 =	smov.u32 @p0 s0  }
0x475: {  	p0 =	por p1, p1;
	s0 =	sadd.s32 s11, s29;
	s30 =	spop (v2sf)  }
0x476: {  	s25 =	smov.u32 @p0 s0;
	p0 =	por p6, p6;
	s0 =	sadd.s32 s15, s30  }
0x477: {  	s25 =	smov.u32 @p0 s0;
	s0 =	simm.s32 $0x0  }
0x478: {  	v17 =	vld [tilespmem:s0+$0x0];
	_ =	sdelay $0x2  }
0x479: {  	s1 =	ssub.s32 s6, s5  }
0x47a: {  	s31 =	sshll.u32 s18, $0xA;
	s28 =	smov.u32 @p3 s1  }
0x47b: {  	s1 =	sor.u32 s31, s28;
	vm3 =	vgt.s32 v17, $0x1  }
0x47c: {  	v16 =	vmov s1;
	v17 =	vnsel vm3, $0x1, v17  }
0x47d: {  	vm3 =	vgt.s32 v17, v16  }
0x47e: {  	v18 =	vmpcnt.ones.xlane vm3;
	_ =	sdelay $0x1  }
0x47f: {  	(v2sf) =	vpush v18, $0x0;
	_ =	sdelay $0x3  }
0x480: {  	v19 =	vor.u32 s0, v0;
	[tilespmem:s0+$0x1A040] =	vst.msk vm3, v17  }
0x481: {  	s1 =	simm.s32 $0x10;
	[tilespmem:s0+$0x1A180] =	vst.msk vm3, v19  }
0x482: {  	s3 =	simm.s32 $0x10;
	s2 =	simm.s32 $0x20;
	v17 =	vld [tilespmem:s1+$0x0]  }
.LBB2_60:
0x483: {  	p0 =	seq.s32 s2, $0x13870;
	_ =	sdelay $0x3  }
0x484: {  	vm3 =	vgt.s32 v17, $0x1  }
0x485: {  	v17 =	vnsel vm3, $0x1, v17  }
0x486: {  	vm3 =	vgt.s32 v17, v16  }
0x487: {  	v18 =	vmpcnt.ones.xlane vm3  }
0x488: {  	s4 =	spop (v2sf)  }
0x489: {  	(v2sf) =	vpush v18, $0x0;
	s0 =	sadd.s32 s0, s4  }
0x48a: {  	v18 =	vor.u32 s1, v0;
	s1 =	smov.u32 s2;
	[tilespmem:s0+$0x1A040] =	vst.msk vm3, v17  }
.Ltmp34:
0x48b: {  	[tilespmem:s0+$0x1A180] =	vst.msk vm3, v18;
	(pc) =	sbr.rel @!p0 .LBB2_60-.Ltmp34, $3  }
0x48c: {  	_ =	sdelay $0x1  }
0x48d: {  	s3 =	sadd.s32 $0x10, s3  }
0x48e: {  	s2 =	sadd.s32 $0x10, s2;
	v17 =	vld [tilespmem:s3+$0x0]  }
0x48f: {  	_ =	sdelay $0x4  }
0x490: {  	vm3 =	vgt.s32 v17, $0x1  }
0x491: {  	v17 =	vnsel vm3, $0x1, v17  }
0x492: {  	vm3 =	vgt.s32 v17, v16  }
0x493: {  	v18 =	vmpcnt.ones.xlane vm3;
	s2 =	spop (v2sf)  }
0x494: {  	s0 =	sadd.s32 s0, s2  }
0x495: {  	(v2sf) =	vpush v18, $0x0;
	v18 =	vor.u32 s1, v0;
	[tilespmem:s0+$0x1A040] =	vst.msk vm3, v17  }
0x496: {  	s1 =	simm.s32 $0x0;
	[tilespmem:s0+$0x1A180] =	vst.msk vm3, v18  }
0x497: {  	v18 =	vld [tilespmem:s1+$0x0];
	_ =	sdelay $0x4  }
0x498: {  	vm3 =	vgt.s32 v18, $0x1  }
0x499: {  	v18 =	vnsel vm3, $0x1, v18  }
0x49a: {  	s0 =	sadd.s32 s24, s26;
	vm3 =	veq.s32 v18, v16  }
0x49b: {  	s31 =	sadd.s32 s25, s0;
	v19 =	vmpcnt.ones.xlane vm3  }
0x49c: {  	v17 =	vmov s31  }
0x49d: {  	(v2sf) =	vpush v19, $0x0  }
0x49e: {  	s0 =	ssub.s32 $0x12C, s31  }
0x49f: {  	p0 =	sgt.s32 s0, $0x0;
	s3 =	smov.u32 s0  }
0x4a0: {  	s3 =	smov.u32 @p0 s1  }
0x4a1: {  	[tilespmem:v17+s3+$0x1A040 ss:$0x1] =	vst.idx.msk vm3, v18;
	v18 =	vor.u32 s1, v0  }
0x4a2: {  	s2 =	simm.s32 $0x10;
	[tilespmem:v17+s3+$0x1A180 ss:$0x1] =	vst.idx.msk vm3, v18  }
0x4a3: {  	s4 =	simm.s32 $0x10;
	s30 =	spop (v2sf);
	s3 =	simm.s32 $0x20;
	v18 =	vld [tilespmem:s2+$0x0]  }
.LBB2_62:
0x4a4: {  	p0 =	sne.s32 s3, $0x13870;
	_ =	sdelay $0x3  }
0x4a5: {  	vm3 =	vgt.s32 v18, $0x1  }
0x4a6: {  	v18 =	vnsel vm3, $0x1, v18  }
0x4a7: {  	vm3 =	veq.s32 v18, v16  }
0x4a8: {  	v19 =	vmpcnt.ones.xlane vm3  }
0x4a9: {  	s5 =	spop (v2sf)  }
0x4aa: {  	(v2sf) =	vpush v19, $0x0;
	s1 =	sadd.s32 s1, s5  }
0x4ab: {  	s5 =	smov.u32 s0;
	p1 =	slt.s32 s1, s0  }
.Ltmp35:
0x4ac: {  	s5 =	smov.u32 @p1 s1;
	(pc) =	sbr.rel @p0 .LBB2_62-.Ltmp35, $4  }
0x4ad: {  	v19 =	vor.u32 s2, v0;
	s2 =	smov.u32 s3;
	[tilespmem:v17+s5+$0x1A040 ss:$0x1] =	vst.idx.msk vm3, v18  }
0x4ae: {  	[tilespmem:v17+s5+$0x1A180 ss:$0x1] =	vst.idx.msk vm3, v19  }
0x4af: {  	s4 =	sadd.s32 $0x10, s4  }
0x4b0: {  	s3 =	sadd.s32 $0x10, s3;
	v18 =	vld [tilespmem:s4+$0x0]  }
0x4b1: {  	_ =	sdelay $0x3  }
0x4b2: {  	vm3 =	vgt.s32 v18, $0x1  }
0x4b3: {  	v18 =	vnsel vm3, $0x1, v18  }
0x4b4: {  	vm3 =	veq.s32 v18, v16  }
0x4b5: {  	v16 =	vmpcnt.ones.xlane vm3;
	_ =	sdelay $0x1  }
0x4b6: {  	(v2sf) =	vpush v16, $0x0;
	_ =	sdelay $0x9  }
0x4b7: {  	s3 =	spop (v2sf)  }
0x4b8: {  	s1 =	sadd.s32 s1, s3  }
0x4b9: {  	p0 =	slt.s32 s1, s0  }
0x4ba: {  	s0 =	smov.u32 @p0 s1  }
0x4bb: {  	v16 =	vor.u32 s2, v0;
	[tilespmem:v17+s0+$0x1A040 ss:$0x1] =	vst.idx.msk vm3, v18  }
0x4bc: {  	[tilespmem:v17+s0+$0x1A180 ss:$0x1] =	vst.idx.msk vm3, v16;
	s31 =	spop (v2sf)  }
.LBB2_64:
0x4bd: {  	v17 =	vld [tilespmem:$0x1A040]  }
0x4be: {  	v31 =	vld [tilespmem:$0x1A050]  }
0x4bf: {  	v32 =	vld [tilespmem:$0x1A060]  }
0x4c0: {  	v33 =	vld [tilespmem:$0x1A070]  }
0x4c1: {  	v36 =	vld [tilespmem:$0x1A0A0]  }
0x4c2: {  	v37 =	vld [tilespmem:$0x1A0B0]  }
0x4c3: {  	v42 =	vld [tilespmem:$0x1A100]  }
0x4c4: {  	v19 =	vld [tilespmem:$0x1A110]  }
0x4c5: {  	v20 =	vld [tilespmem:$0x1A120]  }
0x4c6: {  	v21 =	vld [tilespmem:$0x1A130]  }
0x4c7: {  	v38 =	vld [tilespmem:$0x1A0C0]  }
0x4c8: {  	v39 =	vld [tilespmem:$0x1A0D0]  }
0x4c9: {  	v40 =	vld [tilespmem:$0x1A0E0]  }
0x4ca: {  	v41 =	vld [tilespmem:$0x1A0F0]  }
0x4cb: {  	v34 =	vld [tilespmem:$0x1A080]  }
0x4cc: {  	v35 =	vld [tilespmem:$0x1A090];
	_ =	sdelay $0x2  }
0x4cd: {  	vm9 =	vlt.s32 v42, v19;
	vm10 =	vlt.s32 v20, v21;
	vm8 =	vlt.s32 v36, v37  }
0x4ce: {  	vm13 =	vlt.s32 v38, v39;
	vm14 =	vlt.s32 v40, v41;
	vm11 =	vlt.s32 v17, v31  }
0x4cf: {  	v24 =	vld [tilespmem:$0x1A140];
	vm12 =	vlt.s32 v32, v33;
	vm15 =	vlt.s32 v34, v35;
	v43 =	vsel vm9, v19, v42  }
0x4d0: {  	v28 =	vld [tilespmem:$0x1A150];
	v44 =	vsel vm10, v21, v20;
	v46 =	vsel vm8, v37, v36;
	v47 =	vsel vm13, v39, v38  }
0x4d1: {  	[tilespmem:$0x1A16C] =	vst v1;
	v48 =	vsel vm14, v41, v40;
	v49 =	vsel vm11, v31, v17;
	v51 =	vsel vm15, v35, v34  }
0x4d2: {  	v30 =	vld [tilespmem:$0x1A160];
	v50 =	vsel vm12, v33, v32;
	vm3 =	vgt.s32 v43, v44;
	vm4 =	vgt.s32 v51, v46  }
0x4d3: {  	vm5 =	vgt.s32 v47, v48;
	v45 =	vsel vm3, v43, v44;
	vm3 =	vgt.s32 v49, v50  }
0x4d4: {  	v53 =	vsel vm4, v51, v46;
	v54 =	vsel vm5, v47, v48;
	v52 =	vsel vm3, v49, v50  }
0x4d5: {  	vm3 =	vlt.s32 v24, v28;
	vm5 =	vgt.s32 v54, v45;
	vm4 =	vgt.s32 v52, v53  }
0x4d6: {  	v55 =	vsel vm3, v28, v24;
	v57 =	vsel vm5, v54, v45;
	v56 =	vsel vm4, v52, v53  }
0x4d7: {  	vm4 =	vgt.s32 v55, v30;
	vm5 =	vgt.s32 v56, v57  }
0x4d8: {  	v58 =	vsel vm4, v55, v30;
	v59 =	vsel vm5, v56, v57  }
0x4d9: {  	vm4 =	vgt.s32 v59, v58  }
0x4da: {  	v60 =	vsel vm4, v59, v58  }
0x4db: {  	v16 =	vxor.u32 $0x80000000, v60  }
0x4dc: {  	(xrf0) =	vmax.scan.msk.u32 $0xffff, v16;
	_ =	sdelay $0x5  }
0x4dd: {  	v16, _, _ =	vpop (xrf0)  }
0x4de: {  	(v2sf) =	vpush v16, $0xF;
	_ =	sdelay $0x3  }
0x4df: {  	v18 =	vor.u32 $0xB0, v0  }
0x4e0: {  	v23 =	vor.u32 $0x100, v0;
	v27 =	vor.u32 $0x110, v0;
	v22 =	vor.u32 $0xC0, v0  }
0x4e1: {  	v25 =	vor.u32 $0xD0, v0;
	v26 =	vor.u32 $0xE0, v0;
	v29 =	vor.u32 $0xF0, v0  }
0x4e2: {  	v62 =	vsel vm10, v29, v26;
	v63 =	vsel vm14, v18, v14;
	v61 =	vsel vm3, v27, v23  }
0x4e3: {  	vm5 =	vlt.s32 v47, v48;
	vm4 =	vlt.s32 v43, v44;
	v43 =	vsel vm13, v13, v12  }
0x4e4: {  	vm3 =	vlt.s32 v55, v30;
	v55 =	vsel vm9, v25, v22;
	v43 =	vsel vm5, v63, v43  }
0x4e5: {  	v44 =	vsel vm4, v62, v55;
	vm4 =	vlt.s32 v54, v45;
	v63 =	vsel vm8, v11, v10  }
0x4e6: {  	v54 =	vsel vm11, v5, v0;
	v55 =	vsel vm12, v7, v6;
	vm8 =	vlt.s32 v49, v50  }
0x4e7: {  	v62 =	vsel vm15, v9, v8;
	vm5 =	vlt.s32 v51, v46;
	v46 =	vsel vm8, v55, v54  }
0x4e8: {  	v45 =	vsel vm5, v63, v62;
	vm5 =	vlt.s32 v52, v53;
	v43 =	vsel vm4, v44, v43  }
0x4e9: {  	vm4 =	vlt.s32 v56, v57;
	v45 =	vsel vm5, v45, v46;
	v16 =	vor.u32 $0x120, v0  }
0x4ea: {  	v43 =	vsel vm4, v43, v45;
	v62 =	vsel vm3, v16, v61;
	vm3 =	vlt.s32 v59, v58;
	s0 =	spop (v2sf)  }
0x4eb: {  	v43 =	vsel vm3, v62, v43;
	s0 =	sxor.u32 $0x80000000, s0  }
0x4ec: {  	v43 =	vor.u32 $0x80000000, v43;
	vm3 =	veq.s32 v60, s0  }
0x4ed: {  	v43 =	vnsel vm3, $0xC0000000, v43  }
0x4ee: {  	(xrf0) =	vmin.scan.msk.u32 $0xffff, v43;
	_ =	sdelay $0x5  }
0x4ef: {  	v43, _, _ =	vpop (xrf0)  }
0x4f0: {  	(v2sf) =	vpush v43, $0xF;
	_ =	sdelay $0xe  }
0x4f1: {  	s1 =	spop (v2sf)  }
0x4f2: {  	s2 =	simm.s32 $0x0;
	s1 =	sxor.u32 $0x80000000, s1  }
0x4f3: {  	v63 =	vmov s0;
	v43 =	vmov s2;
	v45 =	vmov s1  }
0x4f4: {  	vm3 =	veq.s32 v45, v5;
	vm4 =	veq.s32 v45, v6;
	vm5 =	veq.s32 v45, v7  }
0x4f5: {  	vm8 =	veq.s32 v45, v26;
	vm9 =	veq.s32 v45, v29;
	v31 =	vsel vm3, $0x0, v31  }
0x4f6: {  	[tilespmem:$0x1A3EC] =	vst v1;
	v32 =	vsel vm4, $0x0, v32;
	v33 =	vsel vm5, $0x0, v33;
	vm3 =	veq.s32 v45, v8  }
0x4f7: {  	[tilespmem:$0x1A52C] =	vst v1;
	vm4 =	veq.s32 v45, v9;
	vm5 =	veq.s32 v45, v10;
	v34 =	vsel vm3, $0x0, v34  }
0x4f8: {  	[tilespmem:$0x1A3F0] =	vst v1;
	v35 =	vsel vm4, $0x0, v35;
	v36 =	vsel vm5, $0x0, v36;
	vm3 =	veq.s32 v45, v11  }
0x4f9: {  	[tilespmem:$0x1A530] =	vst v1;
	s2 =	simm.s32 $0x1A180;
	vm4 =	veq.s32 v45, v12;
	vm5 =	veq.s32 v45, v13;
	v37 =	vsel vm3, $0x0, v37  }
0x4fa: {  	v38 =	vsel vm4, $0x0, v38;
	v39 =	vsel vm5, $0x0, v39;
	vm3 =	veq.s32 v45, v14;
	v44 =	vld.idx.msk [tilespmem:v45+s2+$0x0], $0xffff  }
0x4fb: {  	s3 =	simm.s32 $0x1A2C0;
	vm4 =	veq.s32 v45, v18;
	vm5 =	veq.s32 v45, v22;
	v40 =	vsel vm3, $0x0, v40  }
0x4fc: {  	s24 =	simm.s32 $0x1;
	s4 =	simm.s32 $0x1A400;
	s0 =	simm.s32 $0x2;
	[tilespmem:v43+s3+$0x0] =	vst.idx.msk $0x1, v63;
	v41 =	vsel vm4, $0x0, v41;
	v42 =	vsel vm5, $0x0, v42;
	vm3 =	veq.s32 v45, v25  }
.LBB2_65:
0x4fd: {  	p1 =	sne.s32 s0, $0x12B;
	v19 =	vsel vm3, $0x0, v19;
	v20 =	vsel vm8, $0x0, v20;
	v21 =	vsel vm9, $0x0, v21  }
0x4fe: {  	vm3 =	veq.s32 v45, v0;
	vm4 =	veq.s32 v45, v23;
	vm5 =	veq.s32 v45, v27  }
0x4ff: {  	vm15 =	vlt.s32 v42, v19;
	vm8 =	vlt.s32 v20, v21;
	v17 =	vsel vm3, $0x0, v17;
	[tilespmem:v43+s4+$0x0] =	vst.idx.msk $0x1, v44  }
0x500: {  	v24 =	vsel vm4, $0x0, v24;
	v43 =	vsel vm15, v19, v42;
	v44 =	vsel vm8, v21, v20  }
0x501: {  	v28 =	vsel vm5, $0x0, v28;
	vm4 =	veq.s32 v45, v16;
	vm3 =	vgt.s32 v43, v44  }
0x502: {  	v30 =	vsel vm4, $0x0, v30;
	v45 =	vsel vm3, v43, v44  }
0x503: {  	vm9 =	vlt.s32 v36, v37;
	vm12 =	vlt.s32 v38, v39;
	vm13 =	vlt.s32 v40, v41  }
0x504: {  	v46 =	vsel vm9, v37, v36;
	v47 =	vsel vm12, v39, v38;
	v48 =	vsel vm13, v41, v40  }
0x505: {  	vm11 =	vlt.s32 v32, v33;
	vm14 =	vlt.s32 v34, v35;
	vm10 =	vlt.s32 v17, v31  }
0x506: {  	v50 =	vsel vm11, v33, v32;
	v51 =	vsel vm14, v35, v34;
	v49 =	vsel vm10, v31, v17  }
0x507: {  	vm4 =	vgt.s32 v51, v46;
	vm5 =	vgt.s32 v47, v48;
	vm3 =	vgt.s32 v49, v50  }
0x508: {  	v53 =	vsel vm4, v51, v46;
	v54 =	vsel vm5, v47, v48;
	v52 =	vsel vm3, v49, v50  }
0x509: {  	vm3 =	vlt.s32 v24, v28;
	vm5 =	vgt.s32 v54, v45;
	vm4 =	vgt.s32 v52, v53  }
0x50a: {  	v55 =	vsel vm3, v28, v24;
	v57 =	vsel vm5, v54, v45;
	v56 =	vsel vm4, v52, v53  }
0x50b: {  	vm4 =	vgt.s32 v55, v30;
	vm5 =	vgt.s32 v56, v57  }
0x50c: {  	v58 =	vsel vm4, v55, v30;
	v59 =	vsel vm5, v56, v57  }
0x50d: {  	vm4 =	vgt.s32 v59, v58  }
0x50e: {  	v60 =	vsel vm4, v59, v58  }
0x50f: {  	v61 =	vxor.u32 $0x80000000, v60  }
0x510: {  	(xrf0) =	vmax.scan.msk.u32 $0xffff, v61;
	_ =	sdelay $0x5  }
0x511: {  	v61, _, _ =	vpop (xrf0)  }
0x512: {  	(v2sf) =	vpush v61, $0xF;
	_ =	sdelay $0x6  }
0x513: {  	v61 =	vsel vm3, v27, v23;
	vm3 =	vlt.s32 v55, v30  }
0x514: {  	v62 =	vsel vm8, v29, v26;
	vm4 =	vlt.s32 v43, v44;
	v55 =	vsel vm15, v25, v22  }
0x515: {  	vm5 =	vlt.s32 v47, v48;
	v43 =	vsel vm12, v13, v12;
	v44 =	vsel vm13, v18, v14  }
0x516: {  	v43 =	vsel vm5, v44, v43;
	v44 =	vsel vm4, v62, v55;
	vm4 =	vlt.s32 v54, v45  }
0x517: {  	v47 =	vsel vm9, v11, v10;
	vm5 =	vlt.s32 v51, v46;
	v45 =	vsel vm14, v9, v8  }
0x518: {  	vm8 =	vlt.s32 v49, v50;
	v48 =	vsel vm11, v7, v6;
	v46 =	vsel vm10, v5, v0  }
0x519: {  	v46 =	vsel vm8, v48, v46;
	v45 =	vsel vm5, v47, v45;
	vm5 =	vlt.s32 v52, v53  }
0x51a: {  	v43 =	vsel vm4, v44, v43;
	vm4 =	vlt.s32 v56, v57;
	v45 =	vsel vm5, v45, v46  }
0x51b: {  	v44 =	vsel vm3, v16, v61;
	vm3 =	vlt.s32 v59, v58;
	v43 =	vsel vm4, v43, v45;
	s1 =	spop (v2sf)  }
0x51c: {  	v43 =	vsel vm3, v44, v43;
	s1 =	sxor.u32 $0x80000000, s1  }
0x51d: {  	v43 =	vor.u32 $0x80000000, v43;
	v46 =	vmov s1;
	vm3 =	veq.s32 v60, s1  }
0x51e: {  	v43 =	vnsel vm3, $0xC0000000, v43  }
0x51f: {  	(xrf0) =	vmin.scan.msk.u32 $0xffff, v43;
	_ =	sdelay $0x5  }
0x520: {  	v43, _, _ =	vpop (xrf0)  }
0x521: {  	(v2sf) =	vpush v43, $0xF;
	_ =	sdelay $0xe  }
0x522: {  	s1 =	spop (v2sf)  }
0x523: {  	s1 =	sxor.u32 $0x80000000, s1  }
0x524: {  	v43 =	vmov s24;
	s24 =	smov.u32 s0;
	v45 =	vmov s1  }
0x525: {  	vm3 =	veq.s32 v45, v5;
	vm4 =	veq.s32 v45, v6;
	vm5 =	veq.s32 v45, v7  }
0x526: {  	v31 =	vsel vm3, $0x0, v31;
	v32 =	vsel vm4, $0x0, v32;
	v33 =	vsel vm5, $0x0, v33  }
0x527: {  	vm3 =	veq.s32 v45, v8;
	vm4 =	veq.s32 v45, v9;
	vm5 =	veq.s32 v45, v10  }
0x528: {  	v34 =	vsel vm3, $0x0, v34;
	v35 =	vsel vm4, $0x0, v35;
	v36 =	vsel vm5, $0x0, v36  }
.Ltmp36:
0x529: {  	vm3 =	veq.s32 v45, v11;
	vm4 =	veq.s32 v45, v12;
	vm5 =	veq.s32 v45, v13;
	v44 =	vld.idx.msk [tilespmem:v45+s2+$0x0], $0xffff;
	(pc) =	sbr.rel @p1 .LBB2_65-.Ltmp36, $4  }
0x52a: {  	v37 =	vsel vm3, $0x0, v37;
	v38 =	vsel vm4, $0x0, v38;
	v39 =	vsel vm5, $0x0, v39;
	[tilespmem:v43+s3+$0x0] =	vst.idx.msk $0x1, v46  }
0x52b: {  	vm3 =	veq.s32 v45, v14;
	vm4 =	veq.s32 v45, v18;
	vm5 =	veq.s32 v45, v22  }
0x52c: {  	v40 =	vsel vm3, $0x0, v40;
	v41 =	vsel vm4, $0x0, v41;
	v42 =	vsel vm5, $0x0, v42  }
0x52d: {  	s0 =	sadd.s32 $0x1, s0;
	vm8 =	veq.s32 v45, v26;
	vm9 =	veq.s32 v45, v29;
	vm3 =	veq.s32 v45, v25  }
0x52e: {  	v19 =	vsel vm3, $0x0, v19;
	v20 =	vsel vm8, $0x0, v20  }
0x52f: {  	v21 =	vsel vm9, $0x0, v21;
	vm3 =	veq.s32 v45, v0;
	vm4 =	veq.s32 v45, v23  }
0x530: {  	vm5 =	veq.s32 v45, v27;
	vm10 =	vlt.s32 v36, v37;
	vm13 =	vlt.s32 v38, v39  }
0x531: {  	vm14 =	vlt.s32 v40, v41;
	vm12 =	vlt.s32 v32, v33;
	vm8 =	vlt.s32 v42, v19  }
0x532: {  	vm9 =	vlt.s32 v20, v21;
	v17 =	vsel vm3, $0x0, v17;
	v58 =	vsel vm4, $0x0, v24  }
0x533: {  	vm4 =	veq.s32 v45, v16;
	v59 =	vsel vm5, $0x0, v28;
	v36 =	vsel vm10, v37, v36  }
0x534: {  	v61 =	vsel vm13, v39, v38;
	v19 =	vsel vm8, v19, v42;
	v20 =	vsel vm9, v21, v20  }
0x535: {  	v62 =	vsel vm14, v41, v40;
	v63 =	vsel vm12, v33, v32;
	vm3 =	vgt.s32 v19, v20  }
0x536: {  	vm11 =	vlt.s32 v17, v31;
	v60 =	vsel vm3, v19, v20;
	vm3 =	vlt.s32 v34, v35  }
0x537: {  	v30 =	vsel vm4, $0x0, v30;
	v17 =	vsel vm11, v31, v17;
	v48 =	vsel vm3, v35, v34  }
0x538: {  	vm15 =	vgt.s32 v61, v62;
	vm4 =	vgt.s32 v17, v63;
	vm5 =	vgt.s32 v48, v36  }
0x539: {  	v49 =	vsel vm15, v61, v62;
	v33 =	vsel vm4, v17, v63;
	v34 =	vsel vm5, v48, v36  }
0x53a: {  	vm4 =	vlt.s32 v58, v59;
	vm15 =	vgt.s32 v49, v60;
	vm5 =	vgt.s32 v33, v34  }
0x53b: {  	v21 =	vsel vm4, v59, v58;
	v51 =	vsel vm15, v49, v60;
	v50 =	vsel vm5, v33, v34  }
0x53c: {  	vm5 =	vgt.s32 v21, v30;
	vm15 =	vgt.s32 v50, v51  }
0x53d: {  	v52 =	vsel vm5, v21, v30;
	v53 =	vsel vm15, v50, v51  }
0x53e: {  	vm5 =	vgt.s32 v53, v52  }
0x53f: {  	v54 =	vsel vm5, v53, v52  }
0x540: {  	v55 =	vxor.u32 $0x80000000, v54  }
0x541: {  	(xrf0) =	vmax.scan.msk.u32 $0xffff, v55;
	_ =	sdelay $0x5  }
0x542: {  	v45, _, _ =	vpop (xrf0)  }
0x543: {  	(v2sf) =	vpush v45, $0xF;
	_ =	sdelay $0x6  }
0x544: {  	v18 =	vsel vm14, v18, v14;
	v57 =	vsel vm8, v25, v22  }
0x545: {  	vm8 =	vlt.s32 v61, v62;
	v61 =	vsel vm11, v5, v0;
	v62 =	vsel vm12, v7, v6  }
0x546: {  	v56 =	vsel vm4, v27, v23;
	v58 =	vsel vm9, v29, v26;
	v59 =	vsel vm3, v9, v8  }
0x547: {  	vm3 =	vlt.s32 v48, v36;
	vm5 =	vlt.s32 v19, v20;
	v19 =	vsel vm13, v13, v12  }
0x548: {  	vm4 =	vlt.s32 v21, v30;
	v18 =	vsel vm8, v18, v19;
	v19 =	vsel vm5, v58, v57  }
0x549: {  	vm5 =	vlt.s32 v49, v60;
	v60 =	vsel vm10, v11, v10;
	vm8 =	vlt.s32 v17, v63  }
0x54a: {  	v17 =	vsel vm8, v62, v61;
	v20 =	vsel vm3, v60, v59;
	vm3 =	vlt.s32 v33, v34  }
0x54b: {  	v18 =	vsel vm5, v19, v18;
	v17 =	vsel vm3, v20, v17;
	vm3 =	vlt.s32 v50, v51  }
0x54c: {  	v16 =	vsel vm4, v16, v56;
	v17 =	vsel vm3, v18, v17;
	vm3 =	vlt.s32 v53, v52;
	s0 =	spop (v2sf)  }
0x54d: {  	v16 =	vsel vm3, v16, v17;
	s0 =	sxor.u32 $0x80000000, s0  }
0x54e: {  	v16 =	vor.u32 $0x80000000, v16;
	vm3 =	veq.s32 v54, s0  }
0x54f: {  	v16 =	vnsel vm3, $0xC0000000, v16  }
0x550: {  	(xrf0) =	vmin.scan.msk.u32 $0xffff, v16;
	_ =	sdelay $0x5  }
0x551: {  	v16, _, _ =	vpop (xrf0)  }
0x552: {  	(v2sf) =	vpush v16, $0xF;
	_ =	sdelay $0xe  }
0x553: {  	s1 =	spop (v2sf)  }
0x554: {  	s1 =	sxor.u32 $0x80000000, s1  }
0x555: {  	v16 =	vmov s1;
	_ =	sdelay $0x3  }
0x556: {  	[tilespmem:v43+s4+$0x0] =	vst.idx.msk $0x1, v44;
	v17 =	vmov s24  }
0x557: {  	s30 =	sshll.u32 s16, $0x4;
	v16 =	vld.idx.msk [tilespmem:v16+s2+$0x0], $0xffff  }
0x558: {  	v18 =	vmov s30  }
0x559: {  	v19 =	vor.u32 $0x1, v18  }
0x55a: {  	v63 =	vmov s0  }
0x55b: {  	[tilespmem:v17+s3+$0x0] =	vst.idx.msk $0x1, v63  }
0x55c: {  	s31 =	simm.s32 $0x14820;
	vm14 =	vcmask $0x2724;
	vm11 =	vcmask $0xF0C;
	vm12 =	vcmask $0x1714;
	[tilespmem:v17+s4+$0x0] =	vst.idx.msk $0x1, v16  }
0x55d: {  	s6 =	simm.s32 $0x1A680;
	vm9 =	vcmask $0x2B28;
	vm15 =	vcmask $0x2F2C;
	vm13 =	vcmask $0x1F1C;
	s0 =	simm.s32 $0x0;
	v16 =	vld.idx.msk [tilespmem:v18+s31+$0x0], $0xffff  }
0x55e: {  	vm10 =	vcmask $0x3734;
	vm5 =	vcmask $0x300;
	vm8 =	vcmask $0x2320;
	s2 =	simm.s32 $0x1A540;
	s3 =	simm.s32 $0x1A400;
	s4 =	simm.s32 $0x1A2C0;
	v17 =	vld.idx.msk [tilespmem:v19+s31+$0x0], $0xffff  }
.LBB2_67:
0x55f: {  	v18 =	vld [tilespmem:s4+$0x0];
	_ =	sdelay $0x4  }
0x560: {  	[tilespmem:s2+$0x0] =	vst v18  }
0x561: {  	v18 =	vld [tilespmem:s3+$0x0];
	_ =	sdelay $0x4  }
0x562: {  	(v2sf) =	vpush v18, $0xD;
	_ =	sdelay $0x1  }
0x563: {  	(v2sf) =	vpush v18, $0xC;
	_ =	sdelay $0x1  }
0x564: {  	(v2sf) =	vpush v18, $0xE;
	_ =	sdelay $0x1  }
0x565: {  	(v2sf) =	vpush v18, $0xF;
	_ =	sdelay $0x1  }
0x566: {  	(v2sf) =	vpush v18, $0x9;
	_ =	sdelay $0x1  }
0x567: {  	(v2sf) =	vpush v18, $0x8;
	_ =	sdelay $0x1  }
0x568: {  	(v2sf) =	vpush v18, $0xA;
	_ =	sdelay $0x1  }
0x569: {  	(v2sf) =	vpush v18, $0xB  }
0x56a: {  	s31 =	spop (v2sf)  }
0x56b: {  	[dreg:$0xc] =	wrdreg s4;
	(v2sf) =	vpush v18, $0x0;
	s5 =	smulhi.u32 $0x66666667, s31;
	s4 =	sshra.s32 s31, $0x1F  }
0x56c: {  	s7 =	spop (v2sf);
	s4 =	smul.u32 $0x66666667, s4  }
0x56d: {  	(v2sf) =	vpush v18, $0x1;
	s8 =	smulhi.u32 $0x66666667, s7;
	s7 =	sshra.s32 s7, $0x1F  }
0x56e: {  	(v2sf) =	vpush v18, $0x2;
	s9 =	spop (v2sf);
	s7 =	smul.u32 $0x66666667, s7  }
0x56f: {  	(v2sf) =	vpush v18, $0x3;
	s11 =	smulhi.u32 $0x66666667, s9;
	s9 =	sshra.s32 s9, $0x1F  }
0x570: {  	(v2sf) =	vpush v18, $0x4;
	s10 =	spop (v2sf);
	s9 =	smul.u32 $0x66666667, s9  }
0x571: {  	(v2sf) =	vpush v18, $0x5;
	s14 =	smulhi.u32 $0x66666667, s10;
	s10 =	sshra.s32 s10, $0x1F  }
0x572: {  	(v2sf) =	vpush v18, $0x6;
	s12 =	spop (v2sf);
	s10 =	smul.u32 $0x66666667, s10  }
0x573: {  	(v2sf) =	vpush v18, $0x7;
	s20 =	smulhi.u32 $0x66666667, s12;
	s12 =	sshra.s32 s12, $0x1F  }
0x574: {  	s13 =	spop (v2sf);
	s12 =	smul.u32 $0x66666667, s12  }
0x575: {  	s5 =	sadd.s32 s4, s5;
	s24 =	smulhi.u32 $0x66666667, s13;
	s13 =	sshra.s32 s13, $0x1F  }
0x576: {  	s8 =	sadd.s32 s7, s8;
	s19 =	spop (v2sf);
	s26 =	smul.u32 $0x66666667, s13  }
0x577: {  	s18 =	sshrl.u32 s8, $0x1F;
	s29 =	smulhi.u32 $0x66666667, s19;
	s1 =	sshra.s32 s19, $0x1F  }
0x578: {  	s7 =	sadd.s32 s9, s11;
	s21 =	spop (v2sf);
	s30 =	smul.u32 $0x66666667, s1  }
0x579: {  	s8 =	sshra.s32 s8, $0x5;
	s16 =	smulhi.u32 $0x66666667, s21;
	s21 =	sshra.s32 s21, $0x1F  }
0x57a: {  	s4 =	sadd.s32 s10, s14;
	s22 =	spop (v2sf);
	s21 =	smul.u32 $0x66666667, s21  }
0x57b: {  	s12 =	sadd.s32 s12, s20;
	s17 =	smulhi.u32 $0x66666667, s22;
	s15 =	sshra.s32 s22, $0x1F  }
0x57c: {  	s23 =	spop (v2sf);
	s22 =	sshrl.u32 s5, $0x1F;
	s15 =	smul.u32 $0x66666667, s15  }
0x57d: {  	s25 =	spop (v2sf);
	s11 =	smulhi.u32 $0x66666667, s23;
	s1 =	sshra.s32 s23, $0x1F  }
0x57e: {  	s14 =	sadd.s32 s26, s24;
	s28 =	spop (v2sf);
	s1 =	smul.u32 $0x66666667, s1  }
0x57f: {  	s20 =	smulhi.u32 $0x66666667, s25;
	s10 =	sshra.s32 s25, $0x1F;
	s19 =	spop (v2sf)  }
0x580: {  	s9 =	sadd.s32 s21, s16;
	s24 =	smul.u32 $0x66666667, s10;
	s31 =	spop (v2sf)  }
0x581: {  	s26 =	smulhi.u32 $0x66666667, s28;
	s28 =	sshra.s32 s28, $0x1F;
	s13 =	spop (v2sf)  }
0x582: {  	s10 =	sadd.s32 s30, s29;
	s16 =	smul.u32 $0x66666667, s28;
	s29 =	spop (v2sf)  }
0x583: {  	s5 =	sshra.s32 s5, $0x5;
	s30 =	smulhi.u32 $0x66666667, s29;
	s21 =	sshra.s32 s29, $0x1F  }
0x584: {  	s23 =	sshrl.u32 s7, $0x1F;
	s25 =	sshrl.u32 s4, $0x1F;
	s21 =	smul.u32 $0x66666667, s21  }
0x585: {  	s15 =	sadd.s32 s15, s17;
	s29 =	smulhi.u32 $0x66666667, s19;
	s19 =	sshra.s32 s19, $0x1F  }
0x586: {  	s1 =	sadd.s32 s1, s11;
	s19 =	smul.u32 $0x66666667, s19;
	s11 =	sadd.s32 s21, s30  }
0x587: {  	s28 =	sshrl.u32 s12, $0x1F;
	s17 =	sshrl.u32 s10, $0x1F;
	s30 =	sshra.s32 s11, $0x1F  }
0x588: {  	v19 =	vmov s18;
	s20 =	sadd.s32 s24, s20;
	s18 =	sadd.s32 s19, s29;
	s29 =	sshra.s32 s15, $0x5;
	v20 =	vmov s30  }
0x589: {  	vm3 =	vcmask $0x704;
	v54 =	vmul.u32 $0x2, v0;
	s24 =	sshrl.u32 s14, $0x1F;
	s30 =	sshrl.u32 s15, $0x1F;
	s15 =	sshra.s32 s15, $0x1F;
	v20 =	vsel vm5, s29, v20  }
0x58a: {  	v19 =	vsel vm1, s22, v19;
	s14 =	sshra.s32 s14, $0x5;
	s16 =	sadd.s32 s16, s26;
	v21 =	vmov s30;
	s30 =	sshra.s32 s1, $0x5;
	v20 =	vsel vm3, s15, v20  }
0x58b: {  	v19 =	vsel vm2, s23, v19;
	s26 =	sshrl.u32 s1, $0x1F;
	v22 =	vmov s24;
	s24 =	sshra.s32 s20, $0x5;
	s1 =	sshra.s32 s1, $0x1F;
	v20 =	vsel vm1, s30, v20  }
0x58c: {  	v19 =	vsel vm6, s25, v19;
	s22 =	smulhi.u32 $0x66666667, s31;
	s25 =	sshrl.u32 s16, $0x1F;
	s19 =	sshrl.u32 s9, $0x1F;
	v21 =	vnsel vm5, $0x0, v21;
	v20 =	vsel vm11, s1, v20  }
0x58d: {  	v22 =	vsel vm1, s28, v22;
	s21 =	smulhi.u32 $0x66666667, s13;
	s13 =	sshra.s32 s13, $0x1F;
	v21 =	vsel vm1, s26, v21;
	s26 =	sshra.s32 s20, $0x1F;
	v20 =	vsel vm2, s24, v20  }
0x58e: {  	v23 =	vmov s8;
	v22 =	vsel vm2, s17, v22;
	s13 =	smul.u32 $0x66666667, s13;
	s29 =	sshra.s32 s31, $0x1F;
	s30 =	sshra.s32 s16, $0x5;
	v20 =	vsel vm12, s26, v20  }
0x58f: {  	v23 =	vsel vm1, s5, v23;
	v22 =	vsel vm6, s19, v22;
	s19 =	sshra.s32 s18, $0x5;
	s23 =	smul.u32 $0x66666667, s29;
	s16 =	sshra.s32 s16, $0x1F;
	v20 =	vsel vm6, s30, v20  }
0x590: {  	v24 =	vmov s14;
	v19 =	vcombine.low v22, v19;
	s31 =	sshrl.u32 s20, $0x1F;
	s13 =	sadd.s32 s13, s21;
	s21 =	sshra.s32 s12, $0x5;
	v20 =	vsel vm13, s16, v20  }
0x591: {  	v24 =	vsel vm1, s21, v24;
	s20 =	sshra.s32 s18, $0x1F;
	v21 =	vsel vm2, s31, v21;
	s28 =	sadd.s32 s23, s22;
	s23 =	sshra.s32 s7, $0x5;
	v20 =	vsel vm8, s19, v20  }
0x592: {  	s29 =	sshrl.u32 s18, $0x1F;
	v21 =	vsel vm6, s25, v21;
	s22 =	sshra.s32 s28, $0x5;
	s24 =	sshra.s32 s10, $0x5;
	v23 =	vsel vm2, s23, v23;
	v20 =	vsel vm14, s20, v20  }
0x593: {  	s4 =	sshra.s32 s4, $0x5;
	s31 =	sshrl.u32 s28, $0x1F;
	s1 =	sshra.s32 s28, $0x1F;
	v21 =	vsel vm8, s29, v21;
	v24 =	vsel vm2, s24, v24;
	v20 =	vsel vm9, s22, v20  }
0x594: {  	s17 =	sshrl.u32 s13, $0x1F;
	s25 =	sshra.s32 s9, $0x5;
	s26 =	sshra.s32 s13, $0x5;
	v23 =	vsel vm6, s4, v23;
	v21 =	vsel vm9, s31, v21;
	v20 =	vsel vm15, s1, v20  }
0x595: {  	s28 =	sshrl.u32 s11, $0x1F;
	v24 =	vsel vm6, s25, v24;
	s30 =	sshra.s32 s13, $0x1F;
	v21 =	vsel vm7, s17, v21;
	v20 =	vsel vm7, s26, v20  }
0x596: {  	s31 =	sshra.s32 s11, $0x5;
	v23 =	vcombine.low v24, v23;
	v21 =	vsel vm0, s28, v21;
	v20 =	vsel vm10, s30, v20  }
0x597: {  	v19 =	vperm.xlane v19, v15;
	v21 =	vperm.xlane v21, v54;
	v20 =	vsel vm0, s31, v20  }
0x598: {  	v23 =	vperm.xlane v23, v15;
	v20 =	vperm.xlane v20, v54  }
0x599: {  	vm3 =	vmmov $0xff  }
0x59a: {  	v19 =	vsel vm3, v21, v19;
	v20 =	vsel vm3, v20, v23  }
0x59b: {  	v19 =	vadd.s32 v19, v20  }
0x59c: {  	v20 =	vmul.u32 $0xFFFFFFB0, v19;
	_ =	sdelay $0x1  }
0x59d: {  	v20 =	vadd.s32 v18, v20  }
0x59e: {  	vm4 =	vlt.s32 v18, $0x1;
	vm3 =	vne.s32 v20, $0x0  }
0x59f: {  	vm3 =	vmand vm4, vm3  }
0x5a0: {  	v18 =	vsel vm3, $0xFFFFFFFF, v1  }
0x5a1: {  	v18 =	vadd.s32 v18, v19  }
0x5a2: {  	v18 =	vshll.u32 v18, $0x2  }
0x5a3: {  	v19 =	vor.u32 $0x2, v18  }
0x5a4: {  	v55 =	vor.u32 $0x3, v18  }
0x5a5: {  	v56 =	vadd.s32 $0x50, v20;
	vm3 =	vlt.s32 v20, $0x0  }
0x5a6: {  	v20 =	vsel vm3, v56, v20;
	v57 =	vor.u32 $0x1, v18  }
0x5a7: {  	s14 =	simm.s32 $0x13880;
	[tilespmem:s6+$0x0] =	vst v20  }
0x5a8: {  	v19 =	vld.idx.msk [tilespmem:v19+s14+$0x0], $0xffff  }
0x5a9: {  	v20 =	vld.idx.msk [tilespmem:v55+s14+$0x0], $0xffff  }
0x5aa: {  	v18 =	vld.idx.msk [tilespmem:v18+s14+$0x0], $0xffff  }
0x5ab: {  	v58 =	vld.idx.msk [tilespmem:v57+s14+$0x0], $0xffff  }
0x5ac: {  	v59 =	vmul.u32 $0x4, v0;
	v60 =	vmov s0  }
0x5ad: {  	v23 =	vshll.u32 v60, $0x2;
	v19 =	vmul.f32 $5.000000000e-01, v19  }
0x5ae: {  	v22 =	vor.u32 v59, v23;
	v20 =	vmul.f32 $5.000000000e-01, v20  }
0x5af: {  	v62 =	vor.u32 $0x1, v22;
	v61 =	vsub.f32 v18, v19  }
0x5b0: {  	v26 =	vor.u32 $0x2, v22;
	v25 =	vsub.f32 v58, v20  }
0x5b1: {  	p0 =	sne.s32 s0, $0x130;
	v18 =	vadd.f32 v19, v18;
	v19 =	vor.u32 $0x3, v22;
	v23 =	vmul.f32 v61, v16  }
.Ltmp37:
0x5b2: {  	s16 =	simm.s32 $0x1A7C0;
	v20 =	vadd.f32 v20, v58;
	v63 =	vmul.f32 v25, v17;
	(pc) =	sbr.rel @p0 .LBB2_67-.Ltmp37, $4  }
0x5b3: {  	v18 =	vmul.f32 v18, v16;
	[tilespmem:v22+s16+$0x0] =	vst.idx.msk $0xffff, v23  }
0x5b4: {  	v20 =	vmul.f32 v20, v17;
	[tilespmem:v62+s16+$0x0] =	vst.idx.msk $0xffff, v63  }
0x5b5: {  	s0 =	sadd.s32 $0x10, s0;
	s2 =	sadd.s32 $0x10, s2;
	s29 =	rddreg [dreg:$0xc];
	[tilespmem:v26+s16+$0x0] =	vst.idx.msk $0xffff, v18  }
0x5b6: {  	s3 =	sadd.s32 $0x10, s3;
	s4 =	sadd.s32 $0x10, s29;
	s6 =	sadd.s32 $0x10, s6;
	[tilespmem:v19+s16+$0x0] =	vst.idx.msk $0xffff, v20  }
0x5b7: {  	s4 =	rddreg [dreg:$0xb]  }
0x5b8: {  	s1 =	smul.u32 $0x28, s4  }
0x5b9: {  	s0 =	rddreg [dreg:$0x2]  }
0x5ba: {  	s3 =	simm.s32 $0x0;
	s2 =	simm.s32 $0x1A540;
	s0 =	sadd.s32 s0, s1  }
0x5bb: {  	[hbm4b:s0+s3] =	stream.linear.scatter [tilespmem:s2], [sflag:$0x1], $0x140, $0x38;
	[tilespmem:$0x1ACC0] =	vst v63  }
0x5bc: {  	s0 =	simm.s32 $0x1  }
0x5bd: {  	_ =	swait.ge [sflag:s0], $0x140  }
0x5be: {  	[sflag:s0] =	ssyncset.done $0x0;
	s26 =	rddreg [dreg:$0x7]  }
0x5bf: {  	s28 =	simm.s32 $0x1A680;
	[sflag:s0] =	ssyncadd.s32 $0xFFFFFEC0;
	s1 =	sadd.s32 s26, s1  }
0x5c0: {  	[hbm4b:s1+s3] =	stream.linear.scatter [tilespmem:s28], [sflag:$0x1], $0x140, $0x38;
	[tilespmem:$0x1ACC0] =	vst v63  }
0x5c1: {  	_ =	swait.ge [sflag:s0], $0x140  }
0x5c2: {  	[sflag:s0] =	ssyncset.done $0x0  }
0x5c3: {  	s29 =	smul.u32 $0xA0, s4;
	[sflag:s0] =	ssyncadd.s32 $0xFFFFFEC0  }
0x5c4: {  	s30 =	rddreg [dreg:$0x3]  }
0x5c5: {  	s1 =	sadd.s32 s30, s29  }
0x5c6: {  	[hbm4b:s1+s3] =	stream.linear.scatter [tilespmem:s16], [sflag:$0x1], $0x500, $0x38;
	[tilespmem:$0x1ACC0] =	vst v63  }
0x5c7: {  	_ =	swait.ge [sflag:s0], $0x500  }
0x5c8: {  	s31 =	sld [smem:$0x7FD];
	_ =	sdelay $0x2  }
0x5c9: {  	p1 =	seq.s32 s31, $0x1  }
.Ltmp38:
0x5ca: {  	_ = 	snop;
	(pc) =	sbr.rel @p1 .LBB2_2-.Ltmp38, $4  }
.Ltmp39:
0x5cb: {  	_ = 	snop;
	(pc) =	sbr.rel @!p1 .LBB2_69-.Ltmp39, $4  }
0x5cc: {  	_ = 	snop  }
0x5cd: {  	p0 =	por $0x0, $0x0;
	s5 =	simm.s32 $0x15020;
	[sflag:s0] =	ssyncset.done $0x0  }
0x5ce: {  	s15 =	simm.s32 $0x14C20;
	s4 =	simm.s32 $0x0;
	[sflag:s0] =	ssyncadd.s32 $0xFFFFFB00  }
0x5cf: {  	_ = 	snop  }
.LBB2_17:
.Ltmp40:
0x5d0: {  	(pc) =	sbr.rel .LBB2_21-.Ltmp40, $2  }
0x5d1: {  	_ =	sdelay $0x2  }
0x5d2: {  	s1 =	simm.s32 $0x0  }
.LBB2_28:
.Ltmp41:
0x5d3: {  	(pc) =	sbr.rel .LBB2_32-.Ltmp41, $2  }
0x5d4: {  	_ =	sdelay $0x2  }
0x5d5: {  	s1 =	simm.s32 $0x0  }
.LBB2_37:
.Ltmp42:
0x5d6: {  	(pc) =	sbr.rel .LBB2_41-.Ltmp42, $3  }
0x5d7: {  	_ =	sdelay $0x1  }
0x5d8: {  	s8 =	simm.s32 $0x0  }
0x5d9: {  	s7 =	simm.s32 $0x18030;
	s6 =	simm.s32 $0x0;
	p0 =	por $0x0, $0x0  }
.LBB2_42:
.Ltmp43:
0x5da: {  	(pc) =	sbr.rel .LBB2_46-.Ltmp43, $2  }
0x5db: {  	_ =	sdelay $0x2  }
0x5dc: {  	s6 =	simm.s32 $0x0;
	s4 =	simm.s32 $0x18030;
	s5 =	simm.s32 $0x0  }
.LBB2_19:
.Ltmp44:
0x5dd: {  	(pc) =	sbr.rel .LBB2_21-.Ltmp44, $2  }
0x5de: {  	_ =	sdelay $0x2  }
0x5df: {  	s1 =	simm.s32 $0x0  }
.LBB2_30:
.Ltmp45:
0x5e0: {  	(pc) =	sbr.rel .LBB2_32-.Ltmp45, $2  }
0x5e1: {  	_ =	sdelay $0x2  }
0x5e2: {  	s1 =	simm.s32 $0x0  }
.LBB2_39:
.Ltmp46:
0x5e3: {  	(pc) =	sbr.rel .LBB2_41-.Ltmp46, $2  }
0x5e4: {  	_ =	sdelay $0x2  }
0x5e5: {  	s8 =	simm.s32 $0x0;
	s7 =	simm.s32 $0x18030;
	s6 =	simm.s32 $0x0  }
.LBB2_44:
.Ltmp47:
0x5e6: {  	(pc) =	sbr.rel .LBB2_46-.Ltmp47, $2  }
0x5e7: {  	_ =	sdelay $0x2  }
0x5e8: {  	s6 =	simm.s32 $0x0;
	s4 =	simm.s32 $0x18030;
	s5 =	simm.s32 $0x0  }
.LBB2_70:
0x5e9: {  	_ =	sfence.sel $0x180000  }
0x5ea: {  	[bflag:$0x0] =	sbarrier.arrive $0xFFFF  }
0x5eb: {  	_ =	strace $0x90000047  }
0x5ec: {  	s0 =	stileid.u32;
	[bflag:$0x2] =	sbarrier.arrive $0xFFFF  }
0x5ed: {  	p0 =	sne.s32 s0, $0x0;
	s0 =	rddreg [dreg:$0x4]  }
0x5ee: {  	s0 =	sadd.s32 @!p0 $0x100000, s0  }
0x5ef: {  	[sflag:s0] =	ssyncadd.tile.s32 @!p0 $0x1;
	_ =	shalt  }
.Lfunc_end2:
_tile_overlayer_lowered:
.L_overlay_start_2:
0x5f0: {  	(tag) =	ssettag $0x2  }
0x5f1: {  	s0 =	rddreg [dreg:$0x0];
	s2 =	stileid.u32  }
0x5f2: {  	s1 =	rddreg [dreg:$0x1];
	p0 =	sne.s32 s2, $0x0  }
0x5f3: {  	s3 =	rddreg [dreg:$0x2];
	[bflag:$0x3] =	sbarrier.arrive $0xFFFF;
	s2 =	simm.s32 @!p0 $0x1C01  }
0x5f4: {  	[timem:s3], [sflag:s2] =	dma.local @!p0 [hbm:s0], s1  }
0x5f5: {  	s0 =	simm.s32 @!p0 $0x1  }
0x5f6: {  	_ =	swait.ge @!p0 [sflag:s0], s1  }
0x5f7: {  	s1 =	ssub.s32 @!p0 $0x0, s1;
	[sflag:s0] =	ssyncset.done @!p0 $0x0  }
0x5f8: {  	[sflag:s0] =	ssyncadd.s32 @!p0 s1  }
0x5f9: {  	[bflag:$0x3] =	sbarrier.arrive $0xFFFF  }
0x5fa: {  	_ =	shalt  }

</sc_bundles>
